<compile_context>
chip_gen: v7x
topology: tpu7x:2x2x1
jax: 0.10.2.dev20260603
libtpu: 0.0.44.dev20260713+nightly
codegen_flags: <defaults>
</compile_context>

<pallas_src>
import functools

import jax
import jax.numpy as jnp
from jax import lax
from jax.experimental import pallas as pl
from jax.experimental.pallas import tpu as pltpu
from jax.experimental.pallas import tpu_sc as plsc

N = 10000
E = 320000
D = 128
DO = 40
NC = 2
NS = 16
L = 128
CH = 80
EPT = CH * L
E_PAD = NC * NS * EPT
RPS = 632
N_PAD = RPS * NS
CW = 128


def _sc_mesh():
    return plsc.VectorSubcoreMesh(
        core_axis_name="c", subcore_axis_name="s", num_cores=NC, num_subcores=NS)


@functools.lru_cache(maxsize=None)
def _build_agg():
    @functools.partial(
        pl.kernel,
        out_type=jax.ShapeDtypeStruct((NC, N_PAD, D), jnp.float32),
        mesh=_sc_mesh(),
        scratch_types=[
            pltpu.VMEM((CH, L), jnp.int32),
            pltpu.VMEM((2, L), jnp.int32),
            pltpu.VMEM((L, D), jnp.float32),
            pltpu.VMEM((L, D), jnp.float32),
            pltpu.VMEM_SHARED((N_PAD, D), jnp.float32),
            pltpu.SemaphoreType.DMA,
            pltpu.SemaphoreType.DMA,
            pltpu.SemaphoreType.DMA,
            pltpu.SemaphoreType.DMA,
        ],
    )
    def _agg(x_hbm, src_hbm, dst_hbm, zeros_hbm, out_hbm,
             src_v, dstb, bufa, bufb, accum, gsa, gsb, dsa, dsb):
        c = lax.axis_index("c")
        s = lax.axis_index("s")
        pltpu.sync_copy(src_hbm.at[c, s], src_v)
        pltpu.sync_copy(zeros_hbm, accum.at[pl.ds(s * RPS, RPS)])
        plsc.subcore_barrier()

        pltpu.async_copy(dst_hbm.at[c, s, 0], dstb.at[0], dsa)
        pltpu.async_copy(dst_hbm.at[c, s, 1], dstb.at[1], dsb)
        pltpu.async_copy(x_hbm.at[src_v.at[0]], bufa, gsa)
        pltpu.async_copy(x_hbm.at[src_v.at[1]], bufb, gsb)

        def body(r, carry):
            j = 2 * r
            pltpu.make_async_copy(x_hbm.at[src_v.at[j]], bufa, gsa).wait()
            pltpu.make_async_copy(dst_hbm.at[c, s, j], dstb.at[0], dsa).wait()
            pltpu.sync_copy(bufa, accum.at[dstb.at[0]], add=True)

            @pl.when(r < CH // 2 - 1)
            def _():
                pltpu.async_copy(dst_hbm.at[c, s, j + 2], dstb.at[0], dsa)
                pltpu.async_copy(x_hbm.at[src_v.at[j + 2]], bufa, gsa)

            pltpu.make_async_copy(x_hbm.at[src_v.at[j + 1]], bufb, gsb).wait()
            pltpu.make_async_copy(dst_hbm.at[c, s, j + 1], dstb.at[1], dsb).wait()
            pltpu.sync_copy(bufb, accum.at[dstb.at[1]], add=True)

            @pl.when(r < CH // 2 - 1)
            def _():
                pltpu.async_copy(dst_hbm.at[c, s, j + 3], dstb.at[1], dsb)
                pltpu.async_copy(x_hbm.at[src_v.at[j + 3]], bufb, gsb)

            return carry

        lax.fori_loop(0, CH // 2, body, 0)
        plsc.subcore_barrier()
        pltpu.sync_copy(accum.at[pl.ds(s * RPS, RPS)],
                        out_hbm.at[c, pl.ds(s * RPS, RPS)])

    return _agg


@functools.lru_cache(maxsize=None)
def _build_deg():
    @functools.partial(
        pl.kernel,
        out_type=jax.ShapeDtypeStruct((NC, N_PAD, CW), jnp.float32),
        mesh=_sc_mesh(),
        scratch_types=[
            pltpu.VMEM((CH, L), jnp.int32),
            pltpu.VMEM((L, CW), jnp.float32),
            pltpu.VMEM_SHARED((N_PAD, CW), jnp.float32),
            pltpu.SemaphoreType.DMA,
        ],
    )
    def _deg(dst_hbm, ones_hbm, zeros_hbm, out_hbm, dst_v, ones_v, accum, sem):
        c = lax.axis_index("c")
        s = lax.axis_index("s")
        pltpu.sync_copy(dst_hbm.at[c, s], dst_v)
        pltpu.sync_copy(ones_hbm, ones_v)
        pltpu.sync_copy(zeros_hbm, accum.at[pl.ds(s * RPS, RPS)])
        plsc.subcore_barrier()

        def fire(j, carry):
            pltpu.async_copy(ones_v, accum.at[dst_v.at[j]], sem, add=True)
            return carry

        lax.fori_loop(0, CH, fire, 0)

        def drain(j, carry):
            pltpu.make_async_copy(ones_v, accum.at[dst_v.at[j]], sem).wait()
            return carry

        lax.fori_loop(0, CH, drain, 0)
        plsc.subcore_barrier()
        pltpu.sync_copy(accum.at[pl.ds(s * RPS, RPS)],
                        out_hbm.at[c, pl.ds(s * RPS, RPS)])

    return _deg


def _layer_head(parts_ref, cnts_ref, x_ref, W_ref, b_ref, g_ref, be_ref):
    cnts = cnts_ref[...]
    cnt = (cnts[0] + cnts[1])[:N, 0]
    inv = 1.0 / jnp.maximum(cnt, 1.0)
    parts = parts_ref[...]
    ssum = parts[0, :N, :] + parts[1, :N, :]
    h = ssum * inv[:, None] + x_ref[...]
    h = jnp.dot(h, W_ref[...], preferred_element_type=jnp.float32) + b_ref[...][None, :]
    mu = jnp.mean(h, axis=0)
    var = jnp.mean(jnp.square(h - mu[None, :]), axis=0)
    h = (h - mu[None, :]) / jnp.sqrt(var[None, :] + 1e-5)
    h = h * g_ref[...][None, :] + be_ref[...][None, :]
    return 0.5 * h * (1.0 + lax.erf(h * 0.7071067811865476))


def _dense_body(parts_ref, cnts_ref, x_ref, W_ref, b_ref, g_ref, be_ref, out_ref):
    out_ref[...] = _layer_head(parts_ref, cnts_ref, x_ref, W_ref, b_ref, g_ref, be_ref)


def _final_body(parts_ref, cnts_ref, x_ref, W_ref, b_ref, g_ref, be_ref,
                Wl_ref, bl_ref, out_ref):
    h = _layer_head(parts_ref, cnts_ref, x_ref, W_ref, b_ref, g_ref, be_ref)
    logits = jnp.dot(h, Wl_ref[...], preferred_element_type=jnp.float32) + bl_ref[...][None, :]
    col = lax.broadcasted_iota(jnp.int32, (N, D), 1)
    logits = jnp.where(col < DO, logits, -1e30)
    m = jnp.max(logits, axis=1, keepdims=True)
    lse = m + jnp.log(jnp.sum(jnp.exp(logits - m), axis=1, keepdims=True))
    out_ref[...] = logits - lse


_dense = pl.pallas_call(
    _dense_body, out_shape=jax.ShapeDtypeStruct((N, D), jnp.float32))
_final = pl.pallas_call(
    _final_body, out_shape=jax.ShapeDtypeStruct((N, D), jnp.float32))


def kernel(x, edge_index, W1, b1, g1, be1, W2, b2, g2, be2, W3, b3, g3, be3, Wl, bl):
    src = edge_index[0]
    dst = edge_index[1]
    pad_i = jnp.arange(E_PAD - E, dtype=jnp.int32)
    srcp = jnp.concatenate([src, pad_i % L]).reshape(NC, NS, CH, L)
    dstp = jnp.concatenate(
        [dst, N + pad_i % (N_PAD - N)]).reshape(NC, NS, CH, L)
    zeros_row = jnp.zeros((RPS, D), jnp.float32)
    ones_cnt = jnp.ones((L, CW), jnp.float32)
    Wl_pad = jnp.zeros((D, D), jnp.float32).at[:, :DO].set(Wl)
    bl_pad = jnp.zeros((D,), jnp.float32).at[:DO].set(bl)

    agg = _build_agg()
    cnts = _build_deg()(dstp, ones_cnt, zeros_row)[:, :, :8]
    p = agg(x, srcp, dstp, zeros_row)
    x1 = _dense(p, cnts, x, W1, b1, g1, be1)
    p = agg(x1, srcp, dstp, zeros_row)
    x2 = _dense(p, cnts, x1, W2, b2, g2, be2)
    p = agg(x2, srcp, dstp, zeros_row)
    out = _final(p, cnts, x2, W3, b3, g3, be3, Wl_pad, bl_pad)
    return out[:, :DO]

# --- scband reference (transcript-rebuilt; emitter-appended) ---
"""Pipeline reference for scband-my-gnn-35759897706591 (READ-ONLY COPY).

The authoritative reference and input builder live on the scoring server;
editing this copy changes nothing except your own understanding.
"""

import jax, jax.numpy as jnp
import numpy as np

N_NODES = 10000
N_EDGES = 320000
D_IN = 128
D_H = 128
D_OUT = 40


def setup_inputs(seed: int = 0) -> dict:
    key = jax.random.key(seed)
    ks = jax.random.split(key, 16)
    x = jax.random.normal(ks[0], (N_NODES, D_IN), dtype=jnp.float32)
    edge_index = jax.random.randint(ks[1], (2, N_EDGES), 0, N_NODES, dtype=jnp.int32)
    s1 = 1.0 / np.sqrt(D_IN)
    s2 = 1.0 / np.sqrt(D_H)
    inp = {
        'x': x,
        'edge_index': edge_index,
        'W1': jax.random.uniform(ks[2], (D_IN, D_H), jnp.float32, -s1, s1),
        'b1': jax.random.uniform(ks[3], (D_H,), jnp.float32, -s1, s1),
        'g1': jnp.ones((D_H,), jnp.float32),
        'be1': jnp.zeros((D_H,), jnp.float32),
        'W2': jax.random.uniform(ks[4], (D_H, D_H), jnp.float32, -s2, s2),
        'b2': jax.random.uniform(ks[5], (D_H,), jnp.float32, -s2, s2),
        'g2': jnp.ones((D_H,), jnp.float32),
        'be2': jnp.zeros((D_H,), jnp.float32),
        'W3': jax.random.uniform(ks[6], (D_H, D_H), jnp.float32, -s2, s2),
        'b3': jax.random.uniform(ks[7], (D_H,), jnp.float32, -s2, s2),
        'g3': jnp.ones((D_H,), jnp.float32),
        'be3': jnp.zeros((D_H,), jnp.float32),
        'Wl': jax.random.uniform(ks[8], (D_H, D_OUT), jnp.float32, -s2, s2),
        'bl': jax.random.uniform(ks[9], (D_OUT,), jnp.float32, -s2, s2),
    }
    return inp


def _simple_conv(x, edge_index):
    # SimpleConv(aggr='mean', combine_root='sum'): out = x + mean_{j in N(i)} x_j
    src = edge_index[0]
    dst = edge_index[1]
    msg = jnp.take(x, src, axis=0)
    summed = jax.ops.segment_sum(msg, dst, num_segments=N_NODES)
    cnt = jax.ops.segment_sum(jnp.ones((msg.shape[0],), x.dtype), dst, num_segments=N_NODES)
    mean = summed / jnp.maximum(cnt, 1.0)[:, None]
    return mean + x


def _myconv(x, edge_index, W, b, g, be):
    h = _simple_conv(x, edge_index)
    h = h @ W + b
    # BatchNorm1d (training-mode batch statistics, eps=1e-5)
    mu = jnp.mean(h, axis=0)
    var = jnp.var(h, axis=0)
    h = (h - mu) / jnp.sqrt(var + 1e-5) * g + be
    return jax.nn.gelu(h, approximate=False)


def reference(x, edge_index, W1, b1, g1, be1, W2, b2, g2, be2, W3, b3, g3, be3, Wl, bl):
    h = _myconv(x, edge_index, W1, b1, g1, be1)
    # dropout is identity in eval mode
    h = _myconv(h, edge_index, W2, b2, g2, be2)
    h = _myconv(h, edge_index, W3, b3, g3, be3)
    h = h @ Wl + bl
    return jax.nn.log_softmax(h, axis=-1)

if __name__ == "__main__":
    import jax
    _d = setup_inputs()
    print(jax.jit(kernel)(*tuple(_d.values())))

</pallas_src>

<mosaic_0001>
#map = affine_map<(d0, d1) -> (0, 0)>
#map1 = affine_map<(d0, d1) -> (0, 0, 0, 0)>
#map2 = affine_map<(d0, d1) -> (0, 0, 0)>
module attributes {stable_mosaic.version = 14 : i64} {
  func.func @_agg(%arg0: i32, %arg1: i32, %arg2: memref<10000x128xf32, #tpu.memory_space<hbm>>, %arg3: memref<2x16x80x128xi32, #tpu.memory_space<hbm>>, %arg4: memref<2x16x80x128xi32, #tpu.memory_space<hbm>>, %arg5: memref<632x128xf32, #tpu.memory_space<hbm>>, %arg6: memref<2x10112x128xf32, #tpu.memory_space<hbm>>, %arg7: memref<80x128xi32, #tpu.memory_space<vmem>>, %arg8: memref<2x128xi32, #tpu.memory_space<vmem>>, %arg9: memref<128x128xf32, #tpu.memory_space<vmem>>, %arg10: memref<128x128xf32, #tpu.memory_space<vmem>>, %arg11: memref<10112x128xf32, #tpu.memory_space<vmem_shared>>, %arg12: memref<!tpu.dma_semaphore, #tpu.memory_space<semaphore_mem>>, %arg13: memref<!tpu.dma_semaphore, #tpu.memory_space<semaphore_mem>>, %arg14: memref<!tpu.dma_semaphore, #tpu.memory_space<semaphore_mem>>, %arg15: memref<!tpu.dma_semaphore, #tpu.memory_space<semaphore_mem>>) attributes {dimension_semantics = [#tpu.dimension_semantics<core_parallel>, #tpu.dimension_semantics<subcore_parallel>], iteration_bounds = array<i64: 2, 16>, scalar_prefetch = 0 : i64, scratch_operands = 9 : i64, tpu.core_type = #tpu.core_type<sc_vector_subcore>, window_params = [{transform_indices = #map}, {transform_indices = #map1}, {transform_indices = #map1}, {transform_indices = #map}, {transform_indices = #map2}]} {
    "tpu.region"() ({
      %run_scoped3A = tpu.sem_alloc : memref<!tpu.dma_semaphore, #tpu.memory_space<semaphore_mem>>
      %dma_start3A_52 = arith.constant 0 : i32
      %dma_start3A_53 = arith.constant 0 : i32
      %dma_start3A_54 = tpu.memref_slice %arg3[%arg0, %arg1, %dma_start3A_52, %dma_start3A_53] : memref<2x16x80x128xi32, #tpu.memory_space<hbm>> -> memref<1x1x80x128xi32, #tpu.memory_space<hbm>>
      %dma_start3A_55 = tpu.memref_squeeze %dma_start3A_54 : memref<1x1x80x128xi32, #tpu.memory_space<hbm>> -> memref<80x128xi32, #tpu.memory_space<hbm>>
      %dma_start3A_56 = arith.constant 0 : i32
      %dma_start3A_57 = arith.constant 0 : i32
      %dma_start3A_58 = tpu.memref_slice %arg3[%arg0, %arg1, %dma_start3A_56, %dma_start3A_57] : memref<2x16x80x128xi32, #tpu.memory_space<hbm>> -> memref<1x1x80x128xi32, #tpu.memory_space<hbm>>
      %dma_start3A_59 = tpu.memref_squeeze %dma_start3A_58 : memref<1x1x80x128xi32, #tpu.memory_space<hbm>> -> memref<80x128xi32, #tpu.memory_space<hbm>>
      tpu.enqueue_dma source(%dma_start3A_59 : memref<80x128xi32, #tpu.memory_space<hbm>>) target(%arg7 : memref<80x128xi32, #tpu.memory_space<vmem>>) target_semaphore(%run_scoped3A : memref<!tpu.dma_semaphore, #tpu.memory_space<semaphore_mem>>)
      %dma_wait3A = arith.constant 0 : i32
      %dma_wait3A_60 = arith.constant 0 : i32
      %dma_wait3A_61 = tpu.memref_slice %arg3[%arg0, %arg1, %dma_wait3A, %dma_wait3A_60] : memref<2x16x80x128xi32, #tpu.memory_space<hbm>> -> memref<1x1x80x128xi32, #tpu.memory_space<hbm>>
      %dma_wait3A_62 = tpu.memref_squeeze %dma_wait3A_61 : memref<1x1x80x128xi32, #tpu.memory_space<hbm>> -> memref<80x128xi32, #tpu.memory_space<hbm>>
      %dma_wait3A_63 = arith.constant 0 : i32
      %dma_wait3A_64 = arith.constant 0 : i32
      %dma_wait3A_65 = tpu.memref_slice %arg3[%arg0, %arg1, %dma_wait3A_63, %dma_wait3A_64] : memref<2x16x80x128xi32, #tpu.memory_space<hbm>> -> memref<1x1x80x128xi32, #tpu.memory_space<hbm>>
      %dma_wait3A_66 = tpu.memref_squeeze %dma_wait3A_65 : memref<1x1x80x128xi32, #tpu.memory_space<hbm>> -> memref<80x128xi32, #tpu.memory_space<hbm>>
      tpu.wait_dma2 semaphore(%run_scoped3A : memref<!tpu.dma_semaphore, #tpu.memory_space<semaphore_mem>>) src(%dma_wait3A_66 : memref<80x128xi32, #tpu.memory_space<hbm>>) dst(%arg7 : memref<80x128xi32, #tpu.memory_space<vmem>>)
      tpu.yield
    }) : () -> ()
    %mul3A = arith.constant 632 : i32
    %mul3A_0 = arith.muli %arg1, %mul3A : i32
    "tpu.region"() ({
      %run_scoped3A = tpu.sem_alloc : memref<!tpu.dma_semaphore, #tpu.memory_space<semaphore_mem>>
      %dma_start3A_52 = arith.constant 0 : i32
      %dma_start3A_53 = tpu.memref_slice %arg11[%mul3A_0, %dma_start3A_52] : memref<10112x128xf32, #tpu.memory_space<vmem_shared>> -> memref<632x128xf32, #tpu.memory_space<vmem_shared>>
      tpu.enqueue_dma source(%arg5 : memref<632x128xf32, #tpu.memory_space<hbm>>) target(%dma_start3A_53 : memref<632x128xf32, #tpu.memory_space<vmem_shared>>) target_semaphore(%run_scoped3A : memref<!tpu.dma_semaphore, #tpu.memory_space<semaphore_mem>>)
      %dma_wait3A = arith.constant 0 : i32
      %dma_wait3A_54 = tpu.memref_slice %arg11[%mul3A_0, %dma_wait3A] : memref<10112x128xf32, #tpu.memory_space<vmem_shared>> -> memref<632x128xf32, #tpu.memory_space<vmem_shared>>
      tpu.wait_dma2 semaphore(%run_scoped3A : memref<!tpu.dma_semaphore, #tpu.memory_space<semaphore_mem>>) src(%arg5 : memref<632x128xf32, #tpu.memory_space<hbm>>) dst(%dma_wait3A_54 : memref<632x128xf32, #tpu.memory_space<vmem_shared>>)
      tpu.yield
    }) : () -> ()
    %barrier3A = arith.constant 0 : index
    tpu.barrier barrier_id(%barrier3A)
    %dma_start3A = arith.constant 0 : i32
    %dma_start3A_1 = arith.constant 0 : i32
    %dma_start3A_2 = arith.constant 0 : i32
    %dma_start3A_3 = tpu.memref_slice %arg8[%dma_start3A_1, %dma_start3A_2] : memref<2x128xi32, #tpu.memory_space<vmem>> -> memref<1x128xi32, #tpu.memory_space<vmem>>
    %dma_start3A_4 = tpu.memref_squeeze %dma_start3A_3 : memref<1x128xi32, #tpu.memory_space<vmem>> -> memref<128xi32, #tpu.memory_space<vmem>>
    %dma_start3A_5 = arith.constant 0 : i32
    %dma_start3A_6 = tpu.memref_slice %arg4[%arg0, %arg1, %dma_start3A, %dma_start3A_5] : memref<2x16x80x128xi32, #tpu.memory_space<hbm>> -> memref<1x1x1x128xi32, #tpu.memory_space<hbm>>
    %dma_start3A_7 = tpu.memref_squeeze %dma_start3A_6 : memref<1x1x1x128xi32, #tpu.memory_space<hbm>> -> memref<128xi32, #tpu.memory_space<hbm>>
    %dma_start3A_8 = arith.constant 0 : i32
    %dma_start3A_9 = tpu.memref_slice %arg8[%dma_start3A_1, %dma_start3A_8] : memref<2x128xi32, #tpu.memory_space<vmem>> -> memref<1x128xi32, #tpu.memory_space<vmem>>
    %dma_start3A_10 = tpu.memref_squeeze %dma_start3A_9 : memref<1x128xi32, #tpu.memory_space<vmem>> -> memref<128xi32, #tpu.memory_space<vmem>>
    %dma_start3A_11 = arith.constant 0 : i32
    %dma_start3A_12 = tpu.memref_slice %arg4[%arg0, %arg1, %dma_start3A, %dma_start3A_11] : memref<2x16x80x128xi32, #tpu.memory_space<hbm>> -> memref<1x1x1x128xi32, #tpu.memory_space<hbm>>
    %dma_start3A_13 = tpu.memref_squeeze %dma_start3A_12 : memref<1x1x1x128xi32, #tpu.memory_space<hbm>> -> memref<128xi32, #tpu.memory_space<hbm>>
    tpu.enqueue_dma source(%dma_start3A_13 : memref<128xi32, #tpu.memory_space<hbm>>) target(%dma_start3A_10 : memref<128xi32, #tpu.memory_space<vmem>>) target_semaphore(%arg14 : memref<!tpu.dma_semaphore, #tpu.memory_space<semaphore_mem>>)
    %dma_start3A_14 = arith.constant 1 : i32
    %dma_start3A_15 = arith.constant 1 : i32
    %dma_start3A_16 = arith.constant 0 : i32
    %dma_start3A_17 = tpu.memref_slice %arg8[%dma_start3A_15, %dma_start3A_16] : memref<2x128xi32, #tpu.memory_space<vmem>> -> memref<1x128xi32, #tpu.memory_space<vmem>>
    %dma_start3A_18 = tpu.memref_squeeze %dma_start3A_17 : memref<1x128xi32, #tpu.memory_space<vmem>> -> memref<128xi32, #tpu.memory_space<vmem>>
    %dma_start3A_19 = arith.constant 0 : i32
    %dma_start3A_20 = tpu.memref_slice %arg4[%arg0, %arg1, %dma_start3A_14, %dma_start3A_19] : memref<2x16x80x128xi32, #tpu.memory_space<hbm>> -> memref<1x1x1x128xi32, #tpu.memory_space<hbm>>
    %dma_start3A_21 = tpu.memref_squeeze %dma_start3A_20 : memref<1x1x1x128xi32, #tpu.memory_space<hbm>> -> memref<128xi32, #tpu.memory_space<hbm>>
    %dma_start3A_22 = arith.constant 0 : i32
    %dma_start3A_23 = tpu.memref_slice %arg8[%dma_start3A_15, %dma_start3A_22] : memref<2x128xi32, #tpu.memory_space<vmem>> -> memref<1x128xi32, #tpu.memory_space<vmem>>
    %dma_start3A_24 = tpu.memref_squeeze %dma_start3A_23 : memref<1x128xi32, #tpu.memory_space<vmem>> -> memref<128xi32, #tpu.memory_space<vmem>>
    %dma_start3A_25 = arith.constant 0 : i32
    %dma_start3A_26 = tpu.memref_slice %arg4[%arg0, %arg1, %dma_start3A_14, %dma_start3A_25] : memref<2x16x80x128xi32, #tpu.memory_space<hbm>> -> memref<1x1x1x128xi32, #tpu.memory_space<hbm>>
    %dma_start3A_27 = tpu.memref_squeeze %dma_start3A_26 : memref<1x1x1x128xi32, #tpu.memory_space<hbm>> -> memref<128xi32, #tpu.memory_space<hbm>>
    tpu.enqueue_dma source(%dma_start3A_27 : memref<128xi32, #tpu.memory_space<hbm>>) target(%dma_start3A_24 : memref<128xi32, #tpu.memory_space<vmem>>) target_semaphore(%arg15 : memref<!tpu.dma_semaphore, #tpu.memory_space<semaphore_mem>>)
    %dma_start3A_28 = arith.constant 0 : i32
    %dma_start3A_29 = arith.constant 0 : i32
    %dma_start3A_30 = tpu.memref_slice %arg7[%dma_start3A_28, %dma_start3A_29] : memref<80x128xi32, #tpu.memory_space<vmem>> -> memref<1x128xi32, #tpu.memory_space<vmem>>
    %dma_start3A_31 = tpu.memref_squeeze %dma_start3A_30 : memref<1x128xi32, #tpu.memory_space<vmem>> -> memref<128xi32, #tpu.memory_space<vmem>>
    %dma_start3A_32 = arith.constant 0 : i32
    %dma_start3A_33 = arith.constant 0 : i32
    %dma_start3A_34 = tpu.memref_slice %arg2[%dma_start3A_32, %dma_start3A_33] : memref<10000x128xf32, #tpu.memory_space<hbm>> -> memref<10000x128xf32, #tpu.memory_space<hbm>>
    tpu.enqueue_indirect_dma source(%dma_start3A_34 : memref<10000x128xf32, #tpu.memory_space<hbm>>) target(%arg9 : memref<128x128xf32, #tpu.memory_space<vmem>>) offsets(%dma_start3A_31 : memref<128xi32, #tpu.memory_space<vmem>>) semaphore(%arg12 : memref<!tpu.dma_semaphore, #tpu.memory_space<semaphore_mem>>)
    %dma_start3A_35 = arith.constant 1 : i32
    %dma_start3A_36 = arith.constant 0 : i32
    %dma_start3A_37 = tpu.memref_slice %arg7[%dma_start3A_35, %dma_start3A_36] : memref<80x128xi32, #tpu.memory_space<vmem>> -> memref<1x128xi32, #tpu.memory_space<vmem>>
    %dma_start3A_38 = tpu.memref_squeeze %dma_start3A_37 : memref<1x128xi32, #tpu.memory_space<vmem>> -> memref<128xi32, #tpu.memory_space<vmem>>
    %dma_start3A_39 = arith.constant 0 : i32
    %dma_start3A_40 = arith.constant 0 : i32
    %dma_start3A_41 = tpu.memref_slice %arg2[%dma_start3A_39, %dma_start3A_40] : memref<10000x128xf32, #tpu.memory_space<hbm>> -> memref<10000x128xf32, #tpu.memory_space<hbm>>
    tpu.enqueue_indirect_dma source(%dma_start3A_41 : memref<10000x128xf32, #tpu.memory_space<hbm>>) target(%arg10 : memref<128x128xf32, #tpu.memory_space<vmem>>) offsets(%dma_start3A_38 : memref<128xi32, #tpu.memory_space<vmem>>) semaphore(%arg13 : memref<!tpu.dma_semaphore, #tpu.memory_space<semaphore_mem>>)
    %scan3A = arith.constant 0 : i32
    %scan3A_42 = arith.constant 0 : i32
    %scan3A_43 = arith.constant 40 : i32
    %scan3A_44 = arith.addi %scan3A_42, %scan3A_43 : i32
    %scan3A_45 = arith.constant 1 : i32
    scf.for %scan3A_52 = %scan3A_42 to %scan3A_44 step %scan3A_45  : i32 {
      %mul3A_53 = arith.constant 2 : i32
      %mul3A_54 = arith.muli %mul3A_53, %scan3A_52 : i32
      %dma_wait3A = arith.constant 0 : i32
      %dma_wait3A_55 = tpu.memref_slice %arg7[%mul3A_54, %dma_wait3A] : memref<80x128xi32, #tpu.memory_space<vmem>> -> memref<1x128xi32, #tpu.memory_space<vmem>>
      %dma_wait3A_56 = tpu.memref_squeeze %dma_wait3A_55 : memref<1x128xi32, #tpu.memory_space<vmem>> -> memref<128xi32, #tpu.memory_space<vmem>>
      %dma_wait3A_57 = arith.constant 0 : i32
      %dma_wait3A_58 = arith.constant 0 : i32
      %dma_wait3A_59 = tpu.memref_slice %arg2[%dma_wait3A_57, %dma_wait3A_58] : memref<10000x128xf32, #tpu.memory_space<hbm>> -> memref<10000x128xf32, #tpu.memory_space<hbm>>
      tpu.wait_indirect_dma semaphore(%arg12 : memref<!tpu.dma_semaphore, #tpu.memory_space<semaphore_mem>>) src(%dma_wait3A_59 : memref<10000x128xf32, #tpu.memory_space<hbm>>) dst(%arg9 : memref<128x128xf32, #tpu.memory_space<vmem>>)
      %dma_wait3A_60 = arith.constant 0 : i32
      %dma_wait3A_61 = arith.constant 0 : i32
      %dma_wait3A_62 = tpu.memref_slice %arg8[%dma_wait3A_60, %dma_wait3A_61] : memref<2x128xi32, #tpu.memory_space<vmem>> -> memref<1x128xi32, #tpu.memory_space<vmem>>
      %dma_wait3A_63 = tpu.memref_squeeze %dma_wait3A_62 : memref<1x128xi32, #tpu.memory_space<vmem>> -> memref<128xi32, #tpu.memory_space<vmem>>
      %dma_wait3A_64 = arith.constant 0 : i32
      %dma_wait3A_65 = tpu.memref_slice %arg4[%arg0, %arg1, %mul3A_54, %dma_wait3A_64] : memref<2x16x80x128xi32, #tpu.memory_space<hbm>> -> memref<1x1x1x128xi32, #tpu.memory_space<hbm>>
      %dma_wait3A_66 = tpu.memref_squeeze %dma_wait3A_65 : memref<1x1x1x128xi32, #tpu.memory_space<hbm>> -> memref<128xi32, #tpu.memory_space<hbm>>
      %dma_wait3A_67 = arith.constant 0 : i32
      %dma_wait3A_68 = tpu.memref_slice %arg8[%dma_wait3A_60, %dma_wait3A_67] : memref<2x128xi32, #tpu.memory_space<vmem>> -> memref<1x128xi32, #tpu.memory_space<vmem>>
      %dma_wait3A_69 = tpu.memref_squeeze %dma_wait3A_68 : memref<1x128xi32, #tpu.memory_space<vmem>> -> memref<128xi32, #tpu.memory_space<vmem>>
      %dma_wait3A_70 = arith.constant 0 : i32
      %dma_wait3A_71 = tpu.memref_slice %arg4[%arg0, %arg1, %mul3A_54, %dma_wait3A_70] : memref<2x16x80x128xi32, #tpu.memory_space<hbm>> -> memref<1x1x1x128xi32, #tpu.memory_space<hbm>>
      %dma_wait3A_72 = tpu.memref_squeeze %dma_wait3A_71 : memref<1x1x1x128xi32, #tpu.memory_space<hbm>> -> memref<128xi32, #tpu.memory_space<hbm>>
      tpu.wait_dma2 semaphore(%arg14 : memref<!tpu.dma_semaphore, #tpu.memory_space<semaphore_mem>>) src(%dma_wait3A_72 : memref<128xi32, #tpu.memory_space<hbm>>) dst(%dma_wait3A_69 : memref<128xi32, #tpu.memory_space<vmem>>)
      %run_scoped3A = arith.constant 0 : i32
      "tpu.region"() ({
        %run_scoped3A_103 = tpu.sem_alloc : memref<!tpu.dma_semaphore, #tpu.memory_space<semaphore_mem>>
        %dma_start3A_104 = arith.constant 0 : i32
        %dma_start3A_105 = tpu.memref_slice %arg8[%run_scoped3A, %dma_start3A_104] : memref<2x128xi32, #tpu.memory_space<vmem>> -> memref<1x128xi32, #tpu.memory_space<vmem>>
        %dma_start3A_106 = tpu.memref_squeeze %dma_start3A_105 : memref<1x128xi32, #tpu.memory_space<vmem>> -> memref<128xi32, #tpu.memory_space<vmem>>
        %dma_start3A_107 = arith.constant 0 : i32
        %dma_start3A_108 = arith.constant 0 : i32
        %dma_start3A_109 = tpu.memref_slice %arg11[%dma_start3A_107, %dma_start3A_108] : memref<10112x128xf32, #tpu.memory_space<vmem_shared>> -> memref<10112x128xf32, #tpu.memory_space<vmem_shared>>
        tpu.enqueue_indirect_dma source(%arg9 : memref<128x128xf32, #tpu.memory_space<vmem>>) target(%dma_start3A_109 : memref<10112x128xf32, #tpu.memory_space<vmem_shared>>) offsets(%dma_start3A_106 : memref<128xi32, #tpu.memory_space<vmem>>) semaphore(%run_scoped3A_103 : memref<!tpu.dma_semaphore, #tpu.memory_space<semaphore_mem>>) {add = true}
        %dma_wait3A_110 = arith.constant 0 : i32
        %dma_wait3A_111 = tpu.memref_slice %arg8[%run_scoped3A, %dma_wait3A_110] : memref<2x128xi32, #tpu.memory_space<vmem>> -> memref<1x128xi32, #tpu.memory_space<vmem>>
        %dma_wait3A_112 = tpu.memref_squeeze %dma_wait3A_111 : memref<1x128xi32, #tpu.memory_space<vmem>> -> memref<128xi32, #tpu.memory_space<vmem>>
        %dma_wait3A_113 = arith.constant 0 : i32
        %dma_wait3A_114 = arith.constant 0 : i32
        %dma_wait3A_115 = tpu.memref_slice %arg11[%dma_wait3A_113, %dma_wait3A_114] : memref<10112x128xf32, #tpu.memory_space<vmem_shared>> -> memref<10112x128xf32, #tpu.memory_space<vmem_shared>>
        tpu.wait_indirect_dma semaphore(%run_scoped3A_103 : memref<!tpu.dma_semaphore, #tpu.memory_space<semaphore_mem>>) src(%arg9 : memref<128x128xf32, #tpu.memory_space<vmem>>) dst(%dma_wait3A_115 : memref<10112x128xf32, #tpu.memory_space<vmem_shared>>)
        tpu.yield
      }) : () -> ()
      %lt3A = arith.constant 39 : i32
      %lt3A_73 = arith.cmpi slt, %scan3A_52, %lt3A : i32
      %convert_element_type3A = arith.extui %lt3A_73 : i1 to i32
      %cond3A = arith.constant 0 : i32
      %cond3A_74 = arith.cmpi ne, %convert_element_type3A, %cond3A : i32
      scf.if %cond3A_74 {
        %add3A_103 = arith.constant 2 : i32
        %add3A_104 = arith.addi %mul3A_54, %add3A_103 : i32
        %dma_start3A_105 = arith.constant 0 : i32
        %dma_start3A_106 = arith.constant 0 : i32
        %dma_start3A_107 = tpu.memref_slice %arg8[%dma_start3A_105, %dma_start3A_106] : memref<2x128xi32, #tpu.memory_space<vmem>> -> memref<1x128xi32, #tpu.memory_space<vmem>>
        %dma_start3A_108 = tpu.memref_squeeze %dma_start3A_107 : memref<1x128xi32, #tpu.memory_space<vmem>> -> memref<128xi32, #tpu.memory_space<vmem>>
        %dma_start3A_109 = arith.constant 0 : i32
        %dma_start3A_110 = tpu.memref_slice %arg4[%arg0, %arg1, %add3A_104, %dma_start3A_109] : memref<2x16x80x128xi32, #tpu.memory_space<hbm>> -> memref<1x1x1x128xi32, #tpu.memory_space<hbm>>
        %dma_start3A_111 = tpu.memref_squeeze %dma_start3A_110 : memref<1x1x1x128xi32, #tpu.memory_space<hbm>> -> memref<128xi32, #tpu.memory_space<hbm>>
        %dma_start3A_112 = arith.constant 0 : i32
        %dma_start3A_113 = tpu.memref_slice %arg8[%dma_start3A_105, %dma_start3A_112] : memref<2x128xi32, #tpu.memory_space<vmem>> -> memref<1x128xi32, #tpu.memory_space<vmem>>
        %dma_start3A_114 = tpu.memref_squeeze %dma_start3A_113 : memref<1x128xi32, #tpu.memory_space<vmem>> -> memref<128xi32, #tpu.memory_space<vmem>>
        %dma_start3A_115 = arith.constant 0 : i32
        %dma_start3A_116 = tpu.memref_slice %arg4[%arg0, %arg1, %add3A_104, %dma_start3A_115] : memref<2x16x80x128xi32, #tpu.memory_space<hbm>> -> memref<1x1x1x128xi32, #tpu.memory_space<hbm>>
        %dma_start3A_117 = tpu.memref_squeeze %dma_start3A_116 : memref<1x1x1x128xi32, #tpu.memory_space<hbm>> -> memref<128xi32, #tpu.memory_space<hbm>>
        tpu.enqueue_dma source(%dma_start3A_117 : memref<128xi32, #tpu.memory_space<hbm>>) target(%dma_start3A_114 : memref<128xi32, #tpu.memory_space<vmem>>) target_semaphore(%arg14 : memref<!tpu.dma_semaphore, #tpu.memory_space<semaphore_mem>>)
        %add3A_118 = arith.constant 2 : i32
        %add3A_119 = arith.addi %mul3A_54, %add3A_118 : i32
        %dma_start3A_120 = arith.constant 0 : i32
        %dma_start3A_121 = tpu.memref_slice %arg7[%add3A_119, %dma_start3A_120] : memref<80x128xi32, #tpu.memory_space<vmem>> -> memref<1x128xi32, #tpu.memory_space<vmem>>
        %dma_start3A_122 = tpu.memref_squeeze %dma_start3A_121 : memref<1x128xi32, #tpu.memory_space<vmem>> -> memref<128xi32, #tpu.memory_space<vmem>>
        %dma_start3A_123 = arith.constant 0 : i32
        %dma_start3A_124 = arith.constant 0 : i32
        %dma_start3A_125 = tpu.memref_slice %arg2[%dma_start3A_123, %dma_start3A_124] : memref<10000x128xf32, #tpu.memory_space<hbm>> -> memref<10000x128xf32, #tpu.memory_space<hbm>>
        tpu.enqueue_indirect_dma source(%dma_start3A_125 : memref<10000x128xf32, #tpu.memory_space<hbm>>) target(%arg9 : memref<128x128xf32, #tpu.memory_space<vmem>>) offsets(%dma_start3A_122 : memref<128xi32, #tpu.memory_space<vmem>>) semaphore(%arg12 : memref<!tpu.dma_semaphore, #tpu.memory_space<semaphore_mem>>)
      } else {
      }
      %add3A = arith.constant 1 : i32
      %add3A_75 = arith.addi %mul3A_54, %add3A : i32
      %dma_wait3A_76 = arith.constant 0 : i32
      %dma_wait3A_77 = tpu.memref_slice %arg7[%add3A_75, %dma_wait3A_76] : memref<80x128xi32, #tpu.memory_space<vmem>> -> memref<1x128xi32, #tpu.memory_space<vmem>>
      %dma_wait3A_78 = tpu.memref_squeeze %dma_wait3A_77 : memref<1x128xi32, #tpu.memory_space<vmem>> -> memref<128xi32, #tpu.memory_space<vmem>>
      %dma_wait3A_79 = arith.constant 0 : i32
      %dma_wait3A_80 = arith.constant 0 : i32
      %dma_wait3A_81 = tpu.memref_slice %arg2[%dma_wait3A_79, %dma_wait3A_80] : memref<10000x128xf32, #tpu.memory_space<hbm>> -> memref<10000x128xf32, #tpu.memory_space<hbm>>
      tpu.wait_indirect_dma semaphore(%arg13 : memref<!tpu.dma_semaphore, #tpu.memory_space<semaphore_mem>>) src(%dma_wait3A_81 : memref<10000x128xf32, #tpu.memory_space<hbm>>) dst(%arg10 : memref<128x128xf32, #tpu.memory_space<vmem>>)
      %add3A_82 = arith.constant 1 : i32
      %add3A_83 = arith.addi %mul3A_54, %add3A_82 : i32
      %dma_wait3A_84 = arith.constant 1 : i32
      %dma_wait3A_85 = arith.constant 0 : i32
      %dma_wait3A_86 = tpu.memref_slice %arg8[%dma_wait3A_84, %dma_wait3A_85] : memref<2x128xi32, #tpu.memory_space<vmem>> -> memref<1x128xi32, #tpu.memory_space<vmem>>
      %dma_wait3A_87 = tpu.memref_squeeze %dma_wait3A_86 : memref<1x128xi32, #tpu.memory_space<vmem>> -> memref<128xi32, #tpu.memory_space<vmem>>
      %dma_wait3A_88 = arith.constant 0 : i32
      %dma_wait3A_89 = tpu.memref_slice %arg4[%arg0, %arg1, %add3A_83, %dma_wait3A_88] : memref<2x16x80x128xi32, #tpu.memory_space<hbm>> -> memref<1x1x1x128xi32, #tpu.memory_space<hbm>>
      %dma_wait3A_90 = tpu.memref_squeeze %dma_wait3A_89 : memref<1x1x1x128xi32, #tpu.memory_space<hbm>> -> memref<128xi32, #tpu.memory_space<hbm>>
      %dma_wait3A_91 = arith.constant 0 : i32
      %dma_wait3A_92 = tpu.memref_slice %arg8[%dma_wait3A_84, %dma_wait3A_91] : memref<2x128xi32, #tpu.memory_space<vmem>> -> memref<1x128xi32, #tpu.memory_space<vmem>>
      %dma_wait3A_93 = tpu.memref_squeeze %dma_wait3A_92 : memref<1x128xi32, #tpu.memory_space<vmem>> -> memref<128xi32, #tpu.memory_space<vmem>>
      %dma_wait3A_94 = arith.constant 0 : i32
      %dma_wait3A_95 = tpu.memref_slice %arg4[%arg0, %arg1, %add3A_83, %dma_wait3A_94] : memref<2x16x80x128xi32, #tpu.memory_space<hbm>> -> memref<1x1x1x128xi32, #tpu.memory_space<hbm>>
      %dma_wait3A_96 = tpu.memref_squeeze %dma_wait3A_95 : memref<1x1x1x128xi32, #tpu.memory_space<hbm>> -> memref<128xi32, #tpu.memory_space<hbm>>
      tpu.wait_dma2 semaphore(%arg15 : memref<!tpu.dma_semaphore, #tpu.memory_space<semaphore_mem>>) src(%dma_wait3A_96 : memref<128xi32, #tpu.memory_space<hbm>>) dst(%dma_wait3A_93 : memref<128xi32, #tpu.memory_space<vmem>>)
      %run_scoped3A_97 = arith.constant 1 : i32
      "tpu.region"() ({
        %run_scoped3A_103 = tpu.sem_alloc : memref<!tpu.dma_semaphore, #tpu.memory_space<semaphore_mem>>
        %dma_start3A_104 = arith.constant 0 : i32
        %dma_start3A_105 = tpu.memref_slice %arg8[%run_scoped3A_97, %dma_start3A_104] : memref<2x128xi32, #tpu.memory_space<vmem>> -> memref<1x128xi32, #tpu.memory_space<vmem>>
        %dma_start3A_106 = tpu.memref_squeeze %dma_start3A_105 : memref<1x128xi32, #tpu.memory_space<vmem>> -> memref<128xi32, #tpu.memory_space<vmem>>
        %dma_start3A_107 = arith.constant 0 : i32
        %dma_start3A_108 = arith.constant 0 : i32
        %dma_start3A_109 = tpu.memref_slice %arg11[%dma_start3A_107, %dma_start3A_108] : memref<10112x128xf32, #tpu.memory_space<vmem_shared>> -> memref<10112x128xf32, #tpu.memory_space<vmem_shared>>
        tpu.enqueue_indirect_dma source(%arg10 : memref<128x128xf32, #tpu.memory_space<vmem>>) target(%dma_start3A_109 : memref<10112x128xf32, #tpu.memory_space<vmem_shared>>) offsets(%dma_start3A_106 : memref<128xi32, #tpu.memory_space<vmem>>) semaphore(%run_scoped3A_103 : memref<!tpu.dma_semaphore, #tpu.memory_space<semaphore_mem>>) {add = true}
        %dma_wait3A_110 = arith.constant 0 : i32
        %dma_wait3A_111 = tpu.memref_slice %arg8[%run_scoped3A_97, %dma_wait3A_110] : memref<2x128xi32, #tpu.memory_space<vmem>> -> memref<1x128xi32, #tpu.memory_space<vmem>>
        %dma_wait3A_112 = tpu.memref_squeeze %dma_wait3A_111 : memref<1x128xi32, #tpu.memory_space<vmem>> -> memref<128xi32, #tpu.memory_space<vmem>>
        %dma_wait3A_113 = arith.constant 0 : i32
        %dma_wait3A_114 = arith.constant 0 : i32
        %dma_wait3A_115 = tpu.memref_slice %arg11[%dma_wait3A_113, %dma_wait3A_114] : memref<10112x128xf32, #tpu.memory_space<vmem_shared>> -> memref<10112x128xf32, #tpu.memory_space<vmem_shared>>
        tpu.wait_indirect_dma semaphore(%run_scoped3A_103 : memref<!tpu.dma_semaphore, #tpu.memory_space<semaphore_mem>>) src(%arg10 : memref<128x128xf32, #tpu.memory_space<vmem>>) dst(%dma_wait3A_115 : memref<10112x128xf32, #tpu.memory_space<vmem_shared>>)
        tpu.yield
      }) : () -> ()
      %lt3A_98 = arith.constant 39 : i32
      %lt3A_99 = arith.cmpi slt, %scan3A_52, %lt3A_98 : i32
      %convert_element_type3A_100 = arith.extui %lt3A_99 : i1 to i32
      %cond3A_101 = arith.constant 0 : i32
      %cond3A_102 = arith.cmpi ne, %convert_element_type3A_100, %cond3A_101 : i32
      scf.if %cond3A_102 {
        %add3A_103 = arith.constant 3 : i32
        %add3A_104 = arith.addi %mul3A_54, %add3A_103 : i32
        %dma_start3A_105 = arith.constant 1 : i32
        %dma_start3A_106 = arith.constant 0 : i32
        %dma_start3A_107 = tpu.memref_slice %arg8[%dma_start3A_105, %dma_start3A_106] : memref<2x128xi32, #tpu.memory_space<vmem>> -> memref<1x128xi32, #tpu.memory_space<vmem>>
        %dma_start3A_108 = tpu.memref_squeeze %dma_start3A_107 : memref<1x128xi32, #tpu.memory_space<vmem>> -> memref<128xi32, #tpu.memory_space<vmem>>
        %dma_start3A_109 = arith.constant 0 : i32
        %dma_start3A_110 = tpu.memref_slice %arg4[%arg0, %arg1, %add3A_104, %dma_start3A_109] : memref<2x16x80x128xi32, #tpu.memory_space<hbm>> -> memref<1x1x1x128xi32, #tpu.memory_space<hbm>>
        %dma_start3A_111 = tpu.memref_squeeze %dma_start3A_110 : memref<1x1x1x128xi32, #tpu.memory_space<hbm>> -> memref<128xi32, #tpu.memory_space<hbm>>
        %dma_start3A_112 = arith.constant 0 : i32
        %dma_start3A_113 = tpu.memref_slice %arg8[%dma_start3A_105, %dma_start3A_112] : memref<2x128xi32, #tpu.memory_space<vmem>> -> memref<1x128xi32, #tpu.memory_space<vmem>>
        %dma_start3A_114 = tpu.memref_squeeze %dma_start3A_113 : memref<1x128xi32, #tpu.memory_space<vmem>> -> memref<128xi32, #tpu.memory_space<vmem>>
        %dma_start3A_115 = arith.constant 0 : i32
        %dma_start3A_116 = tpu.memref_slice %arg4[%arg0, %arg1, %add3A_104, %dma_start3A_115] : memref<2x16x80x128xi32, #tpu.memory_space<hbm>> -> memref<1x1x1x128xi32, #tpu.memory_space<hbm>>
        %dma_start3A_117 = tpu.memref_squeeze %dma_start3A_116 : memref<1x1x1x128xi32, #tpu.memory_space<hbm>> -> memref<128xi32, #tpu.memory_space<hbm>>
        tpu.enqueue_dma source(%dma_start3A_117 : memref<128xi32, #tpu.memory_space<hbm>>) target(%dma_start3A_114 : memref<128xi32, #tpu.memory_space<vmem>>) target_semaphore(%arg15 : memref<!tpu.dma_semaphore, #tpu.memory_space<semaphore_mem>>)
        %add3A_118 = arith.constant 3 : i32
        %add3A_119 = arith.addi %mul3A_54, %add3A_118 : i32
        %dma_start3A_120 = arith.constant 0 : i32
        %dma_start3A_121 = tpu.memref_slice %arg7[%add3A_119, %dma_start3A_120] : memref<80x128xi32, #tpu.memory_space<vmem>> -> memref<1x128xi32, #tpu.memory_space<vmem>>
        %dma_start3A_122 = tpu.memref_squeeze %dma_start3A_121 : memref<1x128xi32, #tpu.memory_space<vmem>> -> memref<128xi32, #tpu.memory_space<vmem>>
        %dma_start3A_123 = arith.constant 0 : i32
        %dma_start3A_124 = arith.constant 0 : i32
        %dma_start3A_125 = tpu.memref_slice %arg2[%dma_start3A_123, %dma_start3A_124] : memref<10000x128xf32, #tpu.memory_space<hbm>> -> memref<10000x128xf32, #tpu.memory_space<hbm>>
        tpu.enqueue_indirect_dma source(%dma_start3A_125 : memref<10000x128xf32, #tpu.memory_space<hbm>>) target(%arg10 : memref<128x128xf32, #tpu.memory_space<vmem>>) offsets(%dma_start3A_122 : memref<128xi32, #tpu.memory_space<vmem>>) semaphore(%arg13 : memref<!tpu.dma_semaphore, #tpu.memory_space<semaphore_mem>>)
      } else {
      }
    }
    %scan3A_46 = arith.constant 40 : i32
    %barrier3A_47 = arith.constant 0 : index
    tpu.barrier barrier_id(%barrier3A_47)
    %mul3A_48 = arith.constant 632 : i32
    %mul3A_49 = arith.muli %arg1, %mul3A_48 : i32
    %mul3A_50 = arith.constant 632 : i32
    %mul3A_51 = arith.muli %arg1, %mul3A_50 : i32
    "tpu.region"() ({
      %run_scoped3A = tpu.sem_alloc : memref<!tpu.dma_semaphore, #tpu.memory_space<semaphore_mem>>
      %dma_start3A_52 = arith.constant 0 : i32
      %dma_start3A_53 = tpu.memref_slice %arg6[%arg0, %mul3A_51, %dma_start3A_52] : memref<2x10112x128xf32, #tpu.memory_space<hbm>> -> memref<1x632x128xf32, #tpu.memory_space<hbm>>
      %dma_start3A_54 = tpu.memref_squeeze %dma_start3A_53 : memref<1x632x128xf32, #tpu.memory_space<hbm>> -> memref<632x128xf32, #tpu.memory_space<hbm>>
      %dma_start3A_55 = arith.constant 0 : i32
      %dma_start3A_56 = tpu.memref_slice %arg11[%mul3A_49, %dma_start3A_55] : memref<10112x128xf32, #tpu.memory_space<vmem_shared>> -> memref<632x128xf32, #tpu.memory_space<vmem_shared>>
      tpu.enqueue_dma source(%dma_start3A_56 : memref<632x128xf32, #tpu.memory_space<vmem_shared>>) target(%dma_start3A_54 : memref<632x128xf32, #tpu.memory_space<hbm>>) target_semaphore(%run_scoped3A : memref<!tpu.dma_semaphore, #tpu.memory_space<semaphore_mem>>)
      %dma_wait3A = arith.constant 0 : i32
      %dma_wait3A_57 = tpu.memref_slice %arg6[%arg0, %mul3A_51, %dma_wait3A] : memref<2x10112x128xf32, #tpu.memory_space<hbm>> -> memref<1x632x128xf32, #tpu.memory_space<hbm>>
      %dma_wait3A_58 = tpu.memref_squeeze %dma_wait3A_57 : memref<1x632x128xf32, #tpu.memory_space<hbm>> -> memref<632x128xf32, #tpu.memory_space<hbm>>
      %dma_wait3A_59 = arith.constant 0 : i32
      %dma_wait3A_60 = tpu.memref_slice %arg11[%mul3A_49, %dma_wait3A_59] : memref<10112x128xf32, #tpu.memory_space<vmem_shared>> -> memref<632x128xf32, #tpu.memory_space<vmem_shared>>
      tpu.wait_dma2 semaphore(%run_scoped3A : memref<!tpu.dma_semaphore, #tpu.memory_space<semaphore_mem>>) src(%dma_wait3A_60 : memref<632x128xf32, #tpu.memory_space<vmem_shared>>) dst(%dma_wait3A_58 : memref<632x128xf32, #tpu.memory_space<hbm>>)
      tpu.yield
    }) : () -> ()
    return
  }
}

#map = affine_map<(d0, d1) -> (0, 0)>
#map1 = affine_map<(d0, d1) -> (0, 0, 0, 0)>
#map2 = affine_map<(d0, d1) -> (0, 0, 0)>
module attributes {stable_mosaic.version = 14 : i64} {
  func.func @_agg(%arg0: i32, %arg1: i32, %arg2: memref<10000x128xf32, #tpu.memory_space<hbm>>, %arg3: memref<2x16x80x128xi32, #tpu.memory_space<hbm>>, %arg4: memref<2x16x80x128xi32, #tpu.memory_space<hbm>>, %arg5: memref<632x128xf32, #tpu.memory_space<hbm>>, %arg6: memref<2x10112x128xf32, #tpu.memory_space<hbm>>, %arg7: memref<80x128xi32, #tpu.memory_space<vmem>>, %arg8: memref<2x128xi32, #tpu.memory_space<vmem>>, %arg9: memref<128x128xf32, #tpu.memory_space<vmem>>, %arg10: memref<128x128xf32, #tpu.memory_space<vmem>>, %arg11: memref<10112x128xf32, #tpu.memory_space<vmem_shared>>, %arg12: memref<!tpu.dma_semaphore, #tpu.memory_space<semaphore_mem>>, %arg13: memref<!tpu.dma_semaphore, #tpu.memory_space<semaphore_mem>>, %arg14: memref<!tpu.dma_semaphore, #tpu.memory_space<semaphore_mem>>, %arg15: memref<!tpu.dma_semaphore, #tpu.memory_space<semaphore_mem>>) attributes {dimension_semantics = [#tpu.dimension_semantics<core_parallel>, #tpu.dimension_semantics<subcore_parallel>], iteration_bounds = array<i64: 2, 16>, scalar_prefetch = 0 : i64, scratch_operands = 9 : i64, tpu.core_type = #tpu.core_type<sc_vector_subcore>, window_params = [{transform_indices = #map}, {transform_indices = #map1}, {transform_indices = #map1}, {transform_indices = #map}, {transform_indices = #map2}]} {
    "tpu.region"() ({
      %run_scoped3A = tpu.sem_alloc : memref<!tpu.dma_semaphore, #tpu.memory_space<semaphore_mem>>
      %dma_start3A_52 = arith.constant 0 : i32
      %dma_start3A_53 = arith.constant 0 : i32
      %dma_start3A_54 = tpu.memref_slice %arg3[%arg0, %arg1, %dma_start3A_52, %dma_start3A_53] : memref<2x16x80x128xi32, #tpu.memory_space<hbm>> -> memref<1x1x80x128xi32, #tpu.memory_space<hbm>>
      %dma_start3A_55 = tpu.memref_squeeze %dma_start3A_54 : memref<1x1x80x128xi32, #tpu.memory_space<hbm>> -> memref<80x128xi32, #tpu.memory_space<hbm>>
      %dma_start3A_56 = arith.constant 0 : i32
      %dma_start3A_57 = arith.constant 0 : i32
      %dma_start3A_58 = tpu.memref_slice %arg3[%arg0, %arg1, %dma_start3A_56, %dma_start3A_57] : memref<2x16x80x128xi32, #tpu.memory_space<hbm>> -> memref<1x1x80x128xi32, #tpu.memory_space<hbm>>
      %dma_start3A_59 = tpu.memref_squeeze %dma_start3A_58 : memref<1x1x80x128xi32, #tpu.memory_space<hbm>> -> memref<80x128xi32, #tpu.memory_space<hbm>>
      tpu.enqueue_dma source(%dma_start3A_59 : memref<80x128xi32, #tpu.memory_space<hbm>>) target(%arg7 : memref<80x128xi32, #tpu.memory_space<vmem>>) target_semaphore(%run_scoped3A : memref<!tpu.dma_semaphore, #tpu.memory_space<semaphore_mem>>)
      %dma_wait3A = arith.constant 0 : i32
      %dma_wait3A_60 = arith.constant 0 : i32
      %dma_wait3A_61 = tpu.memref_slice %arg3[%arg0, %arg1, %dma_wait3A, %dma_wait3A_60] : memref<2x16x80x128xi32, #tpu.memory_space<hbm>> -> memref<1x1x80x128xi32, #tpu.memory_space<hbm>>
      %dma_wait3A_62 = tpu.memref_squeeze %dma_wait3A_61 : memref<1x1x80x128xi32, #tpu.memory_space<hbm>> -> memref<80x128xi32, #tpu.memory_space<hbm>>
      %dma_wait3A_63 = arith.constant 0 : i32
      %dma_wait3A_64 = arith.constant 0 : i32
      %dma_wait3A_65 = tpu.memref_slice %arg3[%arg0, %arg1, %dma_wait3A_63, %dma_wait3A_64] : memref<2x16x80x128xi32, #tpu.memory_space<hbm>> -> memref<1x1x80x128xi32, #tpu.memory_space<hbm>>
      %dma_wait3A_66 = tpu.memref_squeeze %dma_wait3A_65 : memref<1x1x80x128xi32, #tpu.memory_space<hbm>> -> memref<80x128xi32, #tpu.memory_space<hbm>>
      tpu.wait_dma2 semaphore(%run_scoped3A : memref<!tpu.dma_semaphore, #tpu.memory_space<semaphore_mem>>) src(%dma_wait3A_66 : memref<80x128xi32, #tpu.memory_space<hbm>>) dst(%arg7 : memref<80x128xi32, #tpu.memory_space<vmem>>)
      tpu.yield
    }) : () -> ()
    %mul3A = arith.constant 632 : i32
    %mul3A_0 = arith.muli %arg1, %mul3A : i32
    "tpu.region"() ({
      %run_scoped3A = tpu.sem_alloc : memref<!tpu.dma_semaphore, #tpu.memory_space<semaphore_mem>>
      %dma_start3A_52 = arith.constant 0 : i32
      %dma_start3A_53 = tpu.memref_slice %arg11[%mul3A_0, %dma_start3A_52] : memref<10112x128xf32, #tpu.memory_space<vmem_shared>> -> memref<632x128xf32, #tpu.memory_space<vmem_shared>>
      tpu.enqueue_dma source(%arg5 : memref<632x128xf32, #tpu.memory_space<hbm>>) target(%dma_start3A_53 : memref<632x128xf32, #tpu.memory_space<vmem_shared>>) target_semaphore(%run_scoped3A : memref<!tpu.dma_semaphore, #tpu.memory_space<semaphore_mem>>)
      %dma_wait3A = arith.constant 0 : i32
      %dma_wait3A_54 = tpu.memref_slice %arg11[%mul3A_0, %dma_wait3A] : memref<10112x128xf32, #tpu.memory_space<vmem_shared>> -> memref<632x128xf32, #tpu.memory_space<vmem_shared>>
      tpu.wait_dma2 semaphore(%run_scoped3A : memref<!tpu.dma_semaphore, #tpu.memory_space<semaphore_mem>>) src(%arg5 : memref<632x128xf32, #tpu.memory_space<hbm>>) dst(%dma_wait3A_54 : memref<632x128xf32, #tpu.memory_space<vmem_shared>>)
      tpu.yield
    }) : () -> ()
    %barrier3A = arith.constant 0 : index
    tpu.barrier barrier_id(%barrier3A)
    %dma_start3A = arith.constant 0 : i32
    %dma_start3A_1 = arith.constant 0 : i32
    %dma_start3A_2 = arith.constant 0 : i32
    %dma_start3A_3 = tpu.memref_slice %arg8[%dma_start3A_1, %dma_start3A_2] : memref<2x128xi32, #tpu.memory_space<vmem>> -> memref<1x128xi32, #tpu.memory_space<vmem>>
    %dma_start3A_4 = tpu.memref_squeeze %dma_start3A_3 : memref<1x128xi32, #tpu.memory_space<vmem>> -> memref<128xi32, #tpu.memory_space<vmem>>
    %dma_start3A_5 = arith.constant 0 : i32
    %dma_start3A_6 = tpu.memref_slice %arg4[%arg0, %arg1, %dma_start3A, %dma_start3A_5] : memref<2x16x80x128xi32, #tpu.memory_space<hbm>> -> memref<1x1x1x128xi32, #tpu.memory_space<hbm>>
    %dma_start3A_7 = tpu.memref_squeeze %dma_start3A_6 : memref<1x1x1x128xi32, #tpu.memory_space<hbm>> -> memref<128xi32, #tpu.memory_space<hbm>>
    %dma_start3A_8 = arith.constant 0 : i32
    %dma_start3A_9 = tpu.memref_slice %arg8[%dma_start3A_1, %dma_start3A_8] : memref<2x128xi32, #tpu.memory_space<vmem>> -> memref<1x128xi32, #tpu.memory_space<vmem>>
    %dma_start3A_10 = tpu.memref_squeeze %dma_start3A_9 : memref<1x128xi32, #tpu.memory_space<vmem>> -> memref<128xi32, #tpu.memory_space<vmem>>
    %dma_start3A_11 = arith.constant 0 : i32
    %dma_start3A_12 = tpu.memref_slice %arg4[%arg0, %arg1, %dma_start3A, %dma_start3A_11] : memref<2x16x80x128xi32, #tpu.memory_space<hbm>> -> memref<1x1x1x128xi32, #tpu.memory_space<hbm>>
    %dma_start3A_13 = tpu.memref_squeeze %dma_start3A_12 : memref<1x1x1x128xi32, #tpu.memory_space<hbm>> -> memref<128xi32, #tpu.memory_space<hbm>>
    tpu.enqueue_dma source(%dma_start3A_13 : memref<128xi32, #tpu.memory_space<hbm>>) target(%dma_start3A_10 : memref<128xi32, #tpu.memory_space<vmem>>) target_semaphore(%arg14 : memref<!tpu.dma_semaphore, #tpu.memory_space<semaphore_mem>>)
    %dma_start3A_14 = arith.constant 1 : i32
    %dma_start3A_15 = arith.constant 1 : i32
    %dma_start3A_16 = arith.constant 0 : i32
    %dma_start3A_17 = tpu.memref_slice %arg8[%dma_start3A_15, %dma_start3A_16] : memref<2x128xi32, #tpu.memory_space<vmem>> -> memref<1x128xi32, #tpu.memory_space<vmem>>
    %dma_start3A_18 = tpu.memref_squeeze %dma_start3A_17 : memref<1x128xi32, #tpu.memory_space<vmem>> -> memref<128xi32, #tpu.memory_space<vmem>>
    %dma_start3A_19 = arith.constant 0 : i32
    %dma_start3A_20 = tpu.memref_slice %arg4[%arg0, %arg1, %dma_start3A_14, %dma_start3A_19] : memref<2x16x80x128xi32, #tpu.memory_space<hbm>> -> memref<1x1x1x128xi32, #tpu.memory_space<hbm>>
    %dma_start3A_21 = tpu.memref_squeeze %dma_start3A_20 : memref<1x1x1x128xi32, #tpu.memory_space<hbm>> -> memref<128xi32, #tpu.memory_space<hbm>>
    %dma_start3A_22 = arith.constant 0 : i32
    %dma_start3A_23 = tpu.memref_slice %arg8[%dma_start3A_15, %dma_start3A_22] : memref<2x128xi32, #tpu.memory_space<vmem>> -> memref<1x128xi32, #tpu.memory_space<vmem>>
    %dma_start3A_24 = tpu.memref_squeeze %dma_start3A_23 : memref<1x128xi32, #tpu.memory_space<vmem>> -> memref<128xi32, #tpu.memory_space<vmem>>
    %dma_start3A_25 = arith.constant 0 : i32
    %dma_start3A_26 = tpu.memref_slice %arg4[%arg0, %arg1, %dma_start3A_14, %dma_start3A_25] : memref<2x16x80x128xi32, #tpu.memory_space<hbm>> -> memref<1x1x1x128xi32, #tpu.memory_space<hbm>>
    %dma_start3A_27 = tpu.memref_squeeze %dma_start3A_26 : memref<1x1x1x128xi32, #tpu.memory_space<hbm>> -> memref<128xi32, #tpu.memory_space<hbm>>
    tpu.enqueue_dma source(%dma_start3A_27 : memref<128xi32, #tpu.memory_space<hbm>>) target(%dma_start3A_24 : memref<128xi32, #tpu.memory_space<vmem>>) target_semaphore(%arg15 : memref<!tpu.dma_semaphore, #tpu.memory_space<semaphore_mem>>)
    %dma_start3A_28 = arith.constant 0 : i32
    %dma_start3A_29 = arith.constant 0 : i32
    %dma_start3A_30 = tpu.memref_slice %arg7[%dma_start3A_28, %dma_start3A_29] : memref<80x128xi32, #tpu.memory_space<vmem>> -> memref<1x128xi32, #tpu.memory_space<vmem>>
    %dma_start3A_31 = tpu.memref_squeeze %dma_start3A_30 : memref<1x128xi32, #tpu.memory_space<vmem>> -> memref<128xi32, #tpu.memory_space<vmem>>
    %dma_start3A_32 = arith.constant 0 : i32
    %dma_start3A_33 = arith.constant 0 : i32
    %dma_start3A_34 = tpu.memref_slice %arg2[%dma_start3A_32, %dma_start3A_33] : memref<10000x128xf32, #tpu.memory_space<hbm>> -> memref<10000x128xf32, #tpu.memory_space<hbm>>
    tpu.enqueue_indirect_dma source(%dma_start3A_34 : memref<10000x128xf32, #tpu.memory_space<hbm>>) target(%arg9 : memref<128x128xf32, #tpu.memory_space<vmem>>) offsets(%dma_start3A_31 : memref<128xi32, #tpu.memory_space<vmem>>) semaphore(%arg12 : memref<!tpu.dma_semaphore, #tpu.memory_space<semaphore_mem>>)
    %dma_start3A_35 = arith.constant 1 : i32
    %dma_start3A_36 = arith.constant 0 : i32
    %dma_start3A_37 = tpu.memref_slice %arg7[%dma_start3A_35, %dma_start3A_36] : memref<80x128xi32, #tpu.memory_space<vmem>> -> memref<1x128xi32, #tpu.memory_space<vmem>>
    %dma_start3A_38 = tpu.memref_squeeze %dma_start3A_37 : memref<1x128xi32, #tpu.memory_space<vmem>> -> memref<128xi32, #tpu.memory_space<vmem>>
    %dma_start3A_39 = arith.constant 0 : i32
    %dma_start3A_40 = arith.constant 0 : i32
    %dma_start3A_41 = tpu.memref_slice %arg2[%dma_start3A_39, %dma_start3A_40] : memref<10000x128xf32, #tpu.memory_space<hbm>> -> memref<10000x128xf32, #tpu.memory_space<hbm>>
    tpu.enqueue_indirect_dma source(%dma_start3A_41 : memref<10000x128xf32, #tpu.memory_space<hbm>>) target(%arg10 : memref<128x128xf32, #tpu.memory_space<vmem>>) offsets(%dma_start3A_38 : memref<128xi32, #tpu.memory_space<vmem>>) semaphore(%arg13 : memref<!tpu.dma_semaphore, #tpu.memory_space<semaphore_mem>>)
    %scan3A = arith.constant 0 : i32
    %scan3A_42 = arith.constant 0 : i32
    %scan3A_43 = arith.constant 40 : i32
    %scan3A_44 = arith.addi %scan3A_42, %scan3A_43 : i32
    %scan3A_45 = arith.constant 1 : i32
    scf.for %scan3A_52 = %scan3A_42 to %scan3A_44 step %scan3A_45  : i32 {
      %mul3A_53 = arith.constant 2 : i32
      %mul3A_54 = arith.muli %mul3A_53, %scan3A_52 : i32
      %dma_wait3A = arith.constant 0 : i32
      %dma_wait3A_55 = tpu.memref_slice %arg7[%mul3A_54, %dma_wait3A] : memref<80x128xi32, #tpu.memory_space<vmem>> -> memref<1x128xi32, #tpu.memory_space<vmem>>
      %dma_wait3A_56 = tpu.memref_squeeze %dma_wait3A_55 : memref<1x128xi32, #tpu.memory_space<vmem>> -> memref<128xi32, #tpu.memory_space<vmem>>
      %dma_wait3A_57 = arith.constant 0 : i32
      %dma_wait3A_58 = arith.constant 0 : i32
      %dma_wait3A_59 = tpu.memref_slice %arg2[%dma_wait3A_57, %dma_wait3A_58] : memref<10000x128xf32, #tpu.memory_space<hbm>> -> memref<10000x128xf32, #tpu.memory_space<hbm>>
      tpu.wait_indirect_dma semaphore(%arg12 : memref<!tpu.dma_semaphore, #tpu.memory_space<semaphore_mem>>) src(%dma_wait3A_59 : memref<10000x128xf32, #tpu.memory_space<hbm>>) dst(%arg9 : memref<128x128xf32, #tpu.memory_space<vmem>>)
      %dma_wait3A_60 = arith.constant 0 : i32
      %dma_wait3A_61 = arith.constant 0 : i32
      %dma_wait3A_62 = tpu.memref_slice %arg8[%dma_wait3A_60, %dma_wait3A_61] : memref<2x128xi32, #tpu.memory_space<vmem>> -> memref<1x128xi32, #tpu.memory_space<vmem>>
      %dma_wait3A_63 = tpu.memref_squeeze %dma_wait3A_62 : memref<1x128xi32, #tpu.memory_space<vmem>> -> memref<128xi32, #tpu.memory_space<vmem>>
      %dma_wait3A_64 = arith.constant 0 : i32
      %dma_wait3A_65 = tpu.memref_slice %arg4[%arg0, %arg1, %mul3A_54, %dma_wait3A_64] : memref<2x16x80x128xi32, #tpu.memory_space<hbm>> -> memref<1x1x1x128xi32, #tpu.memory_space<hbm>>
      %dma_wait3A_66 = tpu.memref_squeeze %dma_wait3A_65 : memref<1x1x1x128xi32, #tpu.memory_space<hbm>> -> memref<128xi32, #tpu.memory_space<hbm>>
      %dma_wait3A_67 = arith.constant 0 : i32
      %dma_wait3A_68 = tpu.memref_slice %arg8[%dma_wait3A_60, %dma_wait3A_67] : memref<2x128xi32, #tpu.memory_space<vmem>> -> memref<1x128xi32, #tpu.memory_space<vmem>>
      %dma_wait3A_69 = tpu.memref_squeeze %dma_wait3A_68 : memref<1x128xi32, #tpu.memory_space<vmem>> -> memref<128xi32, #tpu.memory_space<vmem>>
      %dma_wait3A_70 = arith.constant 0 : i32
      %dma_wait3A_71 = tpu.memref_slice %arg4[%arg0, %arg1, %mul3A_54, %dma_wait3A_70] : memref<2x16x80x128xi32, #tpu.memory_space<hbm>> -> memref<1x1x1x128xi32, #tpu.memory_space<hbm>>
      %dma_wait3A_72 = tpu.memref_squeeze %dma_wait3A_71 : memref<1x1x1x128xi32, #tpu.memory_space<hbm>> -> memref<128xi32, #tpu.memory_space<hbm>>
      tpu.wait_dma2 semaphore(%arg14 : memref<!tpu.dma_semaphore, #tpu.memory_space<semaphore_mem>>) src(%dma_wait3A_72 : memref<128xi32, #tpu.memory_space<hbm>>) dst(%dma_wait3A_69 : memref<128xi32, #tpu.memory_space<vmem>>)
      %run_scoped3A = arith.constant 0 : i32
      "tpu.region"() ({
        %run_scoped3A_103 = tpu.sem_alloc : memref<!tpu.dma_semaphore, #tpu.memory_space<semaphore_mem>>
        %dma_start3A_104 = arith.constant 0 : i32
        %dma_start3A_105 = tpu.memref_slice %arg8[%run_scoped3A, %dma_start3A_104] : memref<2x128xi32, #tpu.memory_space<vmem>> -> memref<1x128xi32, #tpu.memory_space<vmem>>
        %dma_start3A_106 = tpu.memref_squeeze %dma_start3A_105 : memref<1x128xi32, #tpu.memory_space<vmem>> -> memref<128xi32, #tpu.memory_space<vmem>>
        %dma_start3A_107 = arith.constant 0 : i32
        %dma_start3A_108 = arith.constant 0 : i32
        %dma_start3A_109 = tpu.memref_slice %arg11[%dma_start3A_107, %dma_start3A_108] : memref<10112x128xf32, #tpu.memory_space<vmem_shared>> -> memref<10112x128xf32, #tpu.memory_space<vmem_shared>>
        tpu.enqueue_indirect_dma source(%arg9 : memref<128x128xf32, #tpu.memory_space<vmem>>) target(%dma_start3A_109 : memref<10112x128xf32, #tpu.memory_space<vmem_shared>>) offsets(%dma_start3A_106 : memref<128xi32, #tpu.memory_space<vmem>>) semaphore(%run_scoped3A_103 : memref<!tpu.dma_semaphore, #tpu.memory_space<semaphore_mem>>) {add = true}
        %dma_wait3A_110 = arith.constant 0 : i32
        %dma_wait3A_111 = tpu.memref_slice %arg8[%run_scoped3A, %dma_wait3A_110] : memref<2x128xi32, #tpu.memory_space<vmem>> -> memref<1x128xi32, #tpu.memory_space<vmem>>
        %dma_wait3A_112 = tpu.memref_squeeze %dma_wait3A_111 : memref<1x128xi32, #tpu.memory_space<vmem>> -> memref<128xi32, #tpu.memory_space<vmem>>
        %dma_wait3A_113 = arith.constant 0 : i32
        %dma_wait3A_114 = arith.constant 0 : i32
        %dma_wait3A_115 = tpu.memref_slice %arg11[%dma_wait3A_113, %dma_wait3A_114] : memref<10112x128xf32, #tpu.memory_space<vmem_shared>> -> memref<10112x128xf32, #tpu.memory_space<vmem_shared>>
        tpu.wait_indirect_dma semaphore(%run_scoped3A_103 : memref<!tpu.dma_semaphore, #tpu.memory_space<semaphore_mem>>) src(%arg9 : memref<128x128xf32, #tpu.memory_space<vmem>>) dst(%dma_wait3A_115 : memref<10112x128xf32, #tpu.memory_space<vmem_shared>>)
        tpu.yield
      }) : () -> ()
      %lt3A = arith.constant 39 : i32
      %lt3A_73 = arith.cmpi slt, %scan3A_52, %lt3A : i32
      %convert_element_type3A = arith.extui %lt3A_73 : i1 to i32
      %cond3A = arith.constant 0 : i32
      %cond3A_74 = arith.cmpi ne, %convert_element_type3A, %cond3A : i32
      scf.if %cond3A_74 {
        %add3A_103 = arith.constant 2 : i32
        %add3A_104 = arith.addi %mul3A_54, %add3A_103 : i32
        %dma_start3A_105 = arith.constant 0 : i32
        %dma_start3A_106 = arith.constant 0 : i32
        %dma_start3A_107 = tpu.memref_slice %arg8[%dma_start3A_105, %dma_start3A_106] : memref<2x128xi32, #tpu.memory_space<vmem>> -> memref<1x128xi32, #tpu.memory_space<vmem>>
        %dma_start3A_108 = tpu.memref_squeeze %dma_start3A_107 : memref<1x128xi32, #tpu.memory_space<vmem>> -> memref<128xi32, #tpu.memory_space<vmem>>
        %dma_start3A_109 = arith.constant 0 : i32
        %dma_start3A_110 = tpu.memref_slice %arg4[%arg0, %arg1, %add3A_104, %dma_start3A_109] : memref<2x16x80x128xi32, #tpu.memory_space<hbm>> -> memref<1x1x1x128xi32, #tpu.memory_space<hbm>>
        %dma_start3A_111 = tpu.memref_squeeze %dma_start3A_110 : memref<1x1x1x128xi32, #tpu.memory_space<hbm>> -> memref<128xi32, #tpu.memory_space<hbm>>
        %dma_start3A_112 = arith.constant 0 : i32
        %dma_start3A_113 = tpu.memref_slice %arg8[%dma_start3A_105, %dma_start3A_112] : memref<2x128xi32, #tpu.memory_space<vmem>> -> memref<1x128xi32, #tpu.memory_space<vmem>>
        %dma_start3A_114 = tpu.memref_squeeze %dma_start3A_113 : memref<1x128xi32, #tpu.memory_space<vmem>> -> memref<128xi32, #tpu.memory_space<vmem>>
        %dma_start3A_115 = arith.constant 0 : i32
        %dma_start3A_116 = tpu.memref_slice %arg4[%arg0, %arg1, %add3A_104, %dma_start3A_115] : memref<2x16x80x128xi32, #tpu.memory_space<hbm>> -> memref<1x1x1x128xi32, #tpu.memory_space<hbm>>
        %dma_start3A_117 = tpu.memref_squeeze %dma_start3A_116 : memref<1x1x1x128xi32, #tpu.memory_space<hbm>> -> memref<128xi32, #tpu.memory_space<hbm>>
        tpu.enqueue_dma source(%dma_start3A_117 : memref<128xi32, #tpu.memory_space<hbm>>) target(%dma_start3A_114 : memref<128xi32, #tpu.memory_space<vmem>>) target_semaphore(%arg14 : memref<!tpu.dma_semaphore, #tpu.memory_space<semaphore_mem>>)
        %add3A_118 = arith.constant 2 : i32
        %add3A_119 = arith.addi %mul3A_54, %add3A_118 : i32
        %dma_start3A_120 = arith.constant 0 : i32
        %dma_start3A_121 = tpu.memref_slice %arg7[%add3A_119, %dma_start3A_120] : memref<80x128xi32, #tpu.memory_space<vmem>> -> memref<1x128xi32, #tpu.memory_space<vmem>>
        %dma_start3A_122 = tpu.memref_squeeze %dma_start3A_121 : memref<1x128xi32, #tpu.memory_space<vmem>> -> memref<128xi32, #tpu.memory_space<vmem>>
        %dma_start3A_123 = arith.constant 0 : i32
        %dma_start3A_124 = arith.constant 0 : i32
        %dma_start3A_125 = tpu.memref_slice %arg2[%dma_start3A_123, %dma_start3A_124] : memref<10000x128xf32, #tpu.memory_space<hbm>> -> memref<10000x128xf32, #tpu.memory_space<hbm>>
        tpu.enqueue_indirect_dma source(%dma_start3A_125 : memref<10000x128xf32, #tpu.memory_space<hbm>>) target(%arg9 : memref<128x128xf32, #tpu.memory_space<vmem>>) offsets(%dma_start3A_122 : memref<128xi32, #tpu.memory_space<vmem>>) semaphore(%arg12 : memref<!tpu.dma_semaphore, #tpu.memory_space<semaphore_mem>>)
      } else {
      }
      %add3A = arith.constant 1 : i32
      %add3A_75 = arith.addi %mul3A_54, %add3A : i32
      %dma_wait3A_76 = arith.constant 0 : i32
      %dma_wait3A_77 = tpu.memref_slice %arg7[%add3A_75, %dma_wait3A_76] : memref<80x128xi32, #tpu.memory_space<vmem>> -> memref<1x128xi32, #tpu.memory_space<vmem>>
      %dma_wait3A_78 = tpu.memref_squeeze %dma_wait3A_77 : memref<1x128xi32, #tpu.memory_space<vmem>> -> memref<128xi32, #tpu.memory_space<vmem>>
      %dma_wait3A_79 = arith.constant 0 : i32
      %dma_wait3A_80 = arith.constant 0 : i32
      %dma_wait3A_81 = tpu.memref_slice %arg2[%dma_wait3A_79, %dma_wait3A_80] : memref<10000x128xf32, #tpu.memory_space<hbm>> -> memref<10000x128xf32, #tpu.memory_space<hbm>>
      tpu.wait_indirect_dma semaphore(%arg13 : memref<!tpu.dma_semaphore, #tpu.memory_space<semaphore_mem>>) src(%dma_wait3A_81 : memref<10000x128xf32, #tpu.memory_space<hbm>>) dst(%arg10 : memref<128x128xf32, #tpu.memory_space<vmem>>)
      %add3A_82 = arith.constant 1 : i32
      %add3A_83 = arith.addi %mul3A_54, %add3A_82 : i32
      %dma_wait3A_84 = arith.constant 1 : i32
      %dma_wait3A_85 = arith.constant 0 : i32
      %dma_wait3A_86 = tpu.memref_slice %arg8[%dma_wait3A_84, %dma_wait3A_85] : memref<2x128xi32, #tpu.memory_space<vmem>> -> memref<1x128xi32, #tpu.memory_space<vmem>>
      %dma_wait3A_87 = tpu.memref_squeeze %dma_wait3A_86 : memref<1x128xi32, #tpu.memory_space<vmem>> -> memref<128xi32, #tpu.memory_space<vmem>>
      %dma_wait3A_88 = arith.constant 0 : i32
      %dma_wait3A_89 = tpu.memref_slice %arg4[%arg0, %arg1, %add3A_83, %dma_wait3A_88] : memref<2x16x80x128xi32, #tpu.memory_space<hbm>> -> memref<1x1x1x128xi32, #tpu.memory_space<hbm>>
      %dma_wait3A_90 = tpu.memref_squeeze %dma_wait3A_89 : memref<1x1x1x128xi32, #tpu.memory_space<hbm>> -> memref<128xi32, #tpu.memory_space<hbm>>
      %dma_wait3A_91 = arith.constant 0 : i32
      %dma_wait3A_92 = tpu.memref_slice %arg8[%dma_wait3A_84, %dma_wait3A_91] : memref<2x128xi32, #tpu.memory_space<vmem>> -> memref<1x128xi32, #tpu.memory_space<vmem>>
      %dma_wait3A_93 = tpu.memref_squeeze %dma_wait3A_92 : memref<1x128xi32, #tpu.memory_space<vmem>> -> memref<128xi32, #tpu.memory_space<vmem>>
      %dma_wait3A_94 = arith.constant 0 : i32
      %dma_wait3A_95 = tpu.memref_slice %arg4[%arg0, %arg1, %add3A_83, %dma_wait3A_94] : memref<2x16x80x128xi32, #tpu.memory_space<hbm>> -> memref<1x1x1x128xi32, #tpu.memory_space<hbm>>
      %dma_wait3A_96 = tpu.memref_squeeze %dma_wait3A_95 : memref<1x1x1x128xi32, #tpu.memory_space<hbm>> -> memref<128xi32, #tpu.memory_space<hbm>>
      tpu.wait_dma2 semaphore(%arg15 : memref<!tpu.dma_semaphore, #tpu.memory_space<semaphore_mem>>) src(%dma_wait3A_96 : memref<128xi32, #tpu.memory_space<hbm>>) dst(%dma_wait3A_93 : memref<128xi32, #tpu.memory_space<vmem>>)
      %run_scoped3A_97 = arith.constant 1 : i32
      "tpu.region"() ({
        %run_scoped3A_103 = tpu.sem_alloc : memref<!tpu.dma_semaphore, #tpu.memory_space<semaphore_mem>>
        %dma_start3A_104 = arith.constant 0 : i32
        %dma_start3A_105 = tpu.memref_slice %arg8[%run_scoped3A_97, %dma_start3A_104] : memref<2x128xi32, #tpu.memory_space<vmem>> -> memref<1x128xi32, #tpu.memory_space<vmem>>
        %dma_start3A_106 = tpu.memref_squeeze %dma_start3A_105 : memref<1x128xi32, #tpu.memory_space<vmem>> -> memref<128xi32, #tpu.memory_space<vmem>>
        %dma_start3A_107 = arith.constant 0 : i32
        %dma_start3A_108 = arith.constant 0 : i32
        %dma_start3A_109 = tpu.memref_slice %arg11[%dma_start3A_107, %dma_start3A_108] : memref<10112x128xf32, #tpu.memory_space<vmem_shared>> -> memref<10112x128xf32, #tpu.memory_space<vmem_shared>>
        tpu.enqueue_indirect_dma source(%arg10 : memref<128x128xf32, #tpu.memory_space<vmem>>) target(%dma_start3A_109 : memref<10112x128xf32, #tpu.memory_space<vmem_shared>>) offsets(%dma_start3A_106 : memref<128xi32, #tpu.memory_space<vmem>>) semaphore(%run_scoped3A_103 : memref<!tpu.dma_semaphore, #tpu.memory_space<semaphore_mem>>) {add = true}
        %dma_wait3A_110 = arith.constant 0 : i32
        %dma_wait3A_111 = tpu.memref_slice %arg8[%run_scoped3A_97, %dma_wait3A_110] : memref<2x128xi32, #tpu.memory_space<vmem>> -> memref<1x128xi32, #tpu.memory_space<vmem>>
        %dma_wait3A_112 = tpu.memref_squeeze %dma_wait3A_111 : memref<1x128xi32, #tpu.memory_space<vmem>> -> memref<128xi32, #tpu.memory_space<vmem>>
        %dma_wait3A_113 = arith.constant 0 : i32
        %dma_wait3A_114 = arith.constant 0 : i32
        %dma_wait3A_115 = tpu.memref_slice %arg11[%dma_wait3A_113, %dma_wait3A_114] : memref<10112x128xf32, #tpu.memory_space<vmem_shared>> -> memref<10112x128xf32, #tpu.memory_space<vmem_shared>>
        tpu.wait_indirect_dma semaphore(%run_scoped3A_103 : memref<!tpu.dma_semaphore, #tpu.memory_space<semaphore_mem>>) src(%arg10 : memref<128x128xf32, #tpu.memory_space<vmem>>) dst(%dma_wait3A_115 : memref<10112x128xf32, #tpu.memory_space<vmem_shared>>)
        tpu.yield
      }) : () -> ()
      %lt3A_98 = arith.constant 39 : i32
      %lt3A_99 = arith.cmpi slt, %scan3A_52, %lt3A_98 : i32
      %convert_element_type3A_100 = arith.extui %lt3A_99 : i1 to i32
      %cond3A_101 = arith.constant 0 : i32
      %cond3A_102 = arith.cmpi ne, %convert_element_type3A_100, %cond3A_101 : i32
      scf.if %cond3A_102 {
        %add3A_103 = arith.constant 3 : i32
        %add3A_104 = arith.addi %mul3A_54, %add3A_103 : i32
        %dma_start3A_105 = arith.constant 1 : i32
        %dma_start3A_106 = arith.constant 0 : i32
        %dma_start3A_107 = tpu.memref_slice %arg8[%dma_start3A_105, %dma_start3A_106] : memref<2x128xi32, #tpu.memory_space<vmem>> -> memref<1x128xi32, #tpu.memory_space<vmem>>
        %dma_start3A_108 = tpu.memref_squeeze %dma_start3A_107 : memref<1x128xi32, #tpu.memory_space<vmem>> -> memref<128xi32, #tpu.memory_space<vmem>>
        %dma_start3A_109 = arith.constant 0 : i32
        %dma_start3A_110 = tpu.memref_slice %arg4[%arg0, %arg1, %add3A_104, %dma_start3A_109] : memref<2x16x80x128xi32, #tpu.memory_space<hbm>> -> memref<1x1x1x128xi32, #tpu.memory_space<hbm>>
        %dma_start3A_111 = tpu.memref_squeeze %dma_start3A_110 : memref<1x1x1x128xi32, #tpu.memory_space<hbm>> -> memref<128xi32, #tpu.memory_space<hbm>>
        %dma_start3A_112 = arith.constant 0 : i32
        %dma_start3A_113 = tpu.memref_slice %arg8[%dma_start3A_105, %dma_start3A_112] : memref<2x128xi32, #tpu.memory_space<vmem>> -> memref<1x128xi32, #tpu.memory_space<vmem>>
        %dma_start3A_114 = tpu.memref_squeeze %dma_start3A_113 : memref<1x128xi32, #tpu.memory_space<vmem>> -> memref<128xi32, #tpu.memory_space<vmem>>
        %dma_start3A_115 = arith.constant 0 : i32
        %dma_start3A_116 = tpu.memref_slice %arg4[%arg0, %arg1, %add3A_104, %dma_start3A_115] : memref<2x16x80x128xi32, #tpu.memory_space<hbm>> -> memref<1x1x1x128xi32, #tpu.memory_space<hbm>>
        %dma_start3A_117 = tpu.memref_squeeze %dma_start3A_116 : memref<1x1x1x128xi32, #tpu.memory_space<hbm>> -> memref<128xi32, #tpu.memory_space<hbm>>
        tpu.enqueue_dma source(%dma_start3A_117 : memref<128xi32, #tpu.memory_space<hbm>>) target(%dma_start3A_114 : memref<128xi32, #tpu.memory_space<vmem>>) target_semaphore(%arg15 : memref<!tpu.dma_semaphore, #tpu.memory_space<semaphore_mem>>)
        %add3A_118 = arith.constant 3 : i32
        %add3A_119 = arith.addi %mul3A_54, %add3A_118 : i32
        %dma_start3A_120 = arith.constant 0 : i32
        %dma_start3A_121 = tpu.memref_slice %arg7[%add3A_119, %dma_start3A_120] : memref<80x128xi32, #tpu.memory_space<vmem>> -> memref<1x128xi32, #tpu.memory_space<vmem>>
        %dma_start3A_122 = tpu.memref_squeeze %dma_start3A_121 : memref<1x128xi32, #tpu.memory_space<vmem>> -> memref<128xi32, #tpu.memory_space<vmem>>
        %dma_start3A_123 = arith.constant 0 : i32
        %dma_start3A_124 = arith.constant 0 : i32
        %dma_start3A_125 = tpu.memref_slice %arg2[%dma_start3A_123, %dma_start3A_124] : memref<10000x128xf32, #tpu.memory_space<hbm>> -> memref<10000x128xf32, #tpu.memory_space<hbm>>
        tpu.enqueue_indirect_dma source(%dma_start3A_125 : memref<10000x128xf32, #tpu.memory_space<hbm>>) target(%arg10 : memref<128x128xf32, #tpu.memory_space<vmem>>) offsets(%dma_start3A_122 : memref<128xi32, #tpu.memory_space<vmem>>) semaphore(%arg13 : memref<!tpu.dma_semaphore, #tpu.memory_space<semaphore_mem>>)
      } else {
      }
    }
    %scan3A_46 = arith.constant 40 : i32
    %barrier3A_47 = arith.constant 0 : index
    tpu.barrier barrier_id(%barrier3A_47)
    %mul3A_48 = arith.constant 632 : i32
    %mul3A_49 = arith.muli %arg1, %mul3A_48 : i32
    %mul3A_50 = arith.constant 632 : i32
    %mul3A_51 = arith.muli %arg1, %mul3A_50 : i32
    "tpu.region"() ({
      %run_scoped3A = tpu.sem_alloc : memref<!tpu.dma_semaphore, #tpu.memory_space<semaphore_mem>>
      %dma_start3A_52 = arith.constant 0 : i32
      %dma_start3A_53 = tpu.memref_slice %arg6[%arg0, %mul3A_51, %dma_start3A_52] : memref<2x10112x128xf32, #tpu.memory_space<hbm>> -> memref<1x632x128xf32, #tpu.memory_space<hbm>>
      %dma_start3A_54 = tpu.memref_squeeze %dma_start3A_53 : memref<1x632x128xf32, #tpu.memory_space<hbm>> -> memref<632x128xf32, #tpu.memory_space<hbm>>
      %dma_start3A_55 = arith.constant 0 : i32
      %dma_start3A_56 = tpu.memref_slice %arg11[%mul3A_49, %dma_start3A_55] : memref<10112x128xf32, #tpu.memory_space<vmem_shared>> -> memref<632x128xf32, #tpu.memory_space<vmem_shared>>
      tpu.enqueue_dma source(%dma_start3A_56 : memref<632x128xf32, #tpu.memory_space<vmem_shared>>) target(%dma_start3A_54 : memref<632x128xf32, #tpu.memory_space<hbm>>) target_semaphore(%run_scoped3A : memref<!tpu.dma_semaphore, #tpu.memory_space<semaphore_mem>>)
      %dma_wait3A = arith.constant 0 : i32
      %dma_wait3A_57 = tpu.memref_slice %arg6[%arg0, %mul3A_51, %dma_wait3A] : memref<2x10112x128xf32, #tpu.memory_space<hbm>> -> memref<1x632x128xf32, #tpu.memory_space<hbm>>
      %dma_wait3A_58 = tpu.memref_squeeze %dma_wait3A_57 : memref<1x632x128xf32, #tpu.memory_space<hbm>> -> memref<632x128xf32, #tpu.memory_space<hbm>>
      %dma_wait3A_59 = arith.constant 0 : i32
      %dma_wait3A_60 = tpu.memref_slice %arg11[%mul3A_49, %dma_wait3A_59] : memref<10112x128xf32, #tpu.memory_space<vmem_shared>> -> memref<632x128xf32, #tpu.memory_space<vmem_shared>>
      tpu.wait_dma2 semaphore(%run_scoped3A : memref<!tpu.dma_semaphore, #tpu.memory_space<semaphore_mem>>) src(%dma_wait3A_60 : memref<632x128xf32, #tpu.memory_space<vmem_shared>>) dst(%dma_wait3A_58 : memref<632x128xf32, #tpu.memory_space<hbm>>)
      tpu.yield
    }) : () -> ()
    return
  }
}

#map = affine_map<(d0, d1) -> (0, 0, 0, 0)>
#map1 = affine_map<(d0, d1) -> (0, 0)>
#map2 = affine_map<(d0, d1) -> (0, 0, 0)>
module attributes {stable_mosaic.version = 14 : i64} {
  func.func @_deg(%arg0: i32, %arg1: i32, %arg2: memref<2x16x80x128xi32, #tpu.memory_space<hbm>>, %arg3: memref<128x128xf32, #tpu.memory_space<hbm>>, %arg4: memref<632x128xf32, #tpu.memory_space<hbm>>, %arg5: memref<2x10112x128xf32, #tpu.memory_space<hbm>>, %arg6: memref<80x128xi32, #tpu.memory_space<vmem>>, %arg7: memref<128x128xf32, #tpu.memory_space<vmem>>, %arg8: memref<10112x128xf32, #tpu.memory_space<vmem_shared>>, %arg9: memref<!tpu.dma_semaphore, #tpu.memory_space<semaphore_mem>>) attributes {dimension_semantics = [#tpu.dimension_semantics<core_parallel>, #tpu.dimension_semantics<subcore_parallel>], iteration_bounds = array<i64: 2, 16>, scalar_prefetch = 0 : i64, scratch_operands = 4 : i64, tpu.core_type = #tpu.core_type<sc_vector_subcore>, window_params = [{transform_indices = #map}, {transform_indices = #map1}, {transform_indices = #map1}, {transform_indices = #map2}]} {
    "tpu.region"() ({
      %run_scoped3A = tpu.sem_alloc : memref<!tpu.dma_semaphore, #tpu.memory_space<semaphore_mem>>
      %dma_start3A = arith.constant 0 : i32
      %dma_start3A_17 = arith.constant 0 : i32
      %dma_start3A_18 = tpu.memref_slice %arg2[%arg0, %arg1, %dma_start3A, %dma_start3A_17] : memref<2x16x80x128xi32, #tpu.memory_space<hbm>> -> memref<1x1x80x128xi32, #tpu.memory_space<hbm>>
      %dma_start3A_19 = tpu.memref_squeeze %dma_start3A_18 : memref<1x1x80x128xi32, #tpu.memory_space<hbm>> -> memref<80x128xi32, #tpu.memory_space<hbm>>
      %dma_start3A_20 = arith.constant 0 : i32
      %dma_start3A_21 = arith.constant 0 : i32
      %dma_start3A_22 = tpu.memref_slice %arg2[%arg0, %arg1, %dma_start3A_20, %dma_start3A_21] : memref<2x16x80x128xi32, #tpu.memory_space<hbm>> -> memref<1x1x80x128xi32, #tpu.memory_space<hbm>>
      %dma_start3A_23 = tpu.memref_squeeze %dma_start3A_22 : memref<1x1x80x128xi32, #tpu.memory_space<hbm>> -> memref<80x128xi32, #tpu.memory_space<hbm>>
      tpu.enqueue_dma source(%dma_start3A_23 : memref<80x128xi32, #tpu.memory_space<hbm>>) target(%arg6 : memref<80x128xi32, #tpu.memory_space<vmem>>) target_semaphore(%run_scoped3A : memref<!tpu.dma_semaphore, #tpu.memory_space<semaphore_mem>>)
      %dma_wait3A = arith.constant 0 : i32
      %dma_wait3A_24 = arith.constant 0 : i32
      %dma_wait3A_25 = tpu.memref_slice %arg2[%arg0, %arg1, %dma_wait3A, %dma_wait3A_24] : memref<2x16x80x128xi32, #tpu.memory_space<hbm>> -> memref<1x1x80x128xi32, #tpu.memory_space<hbm>>
      %dma_wait3A_26 = tpu.memref_squeeze %dma_wait3A_25 : memref<1x1x80x128xi32, #tpu.memory_space<hbm>> -> memref<80x128xi32, #tpu.memory_space<hbm>>
      %dma_wait3A_27 = arith.constant 0 : i32
      %dma_wait3A_28 = arith.constant 0 : i32
      %dma_wait3A_29 = tpu.memref_slice %arg2[%arg0, %arg1, %dma_wait3A_27, %dma_wait3A_28] : memref<2x16x80x128xi32, #tpu.memory_space<hbm>> -> memref<1x1x80x128xi32, #tpu.memory_space<hbm>>
      %dma_wait3A_30 = tpu.memref_squeeze %dma_wait3A_29 : memref<1x1x80x128xi32, #tpu.memory_space<hbm>> -> memref<80x128xi32, #tpu.memory_space<hbm>>
      tpu.wait_dma2 semaphore(%run_scoped3A : memref<!tpu.dma_semaphore, #tpu.memory_space<semaphore_mem>>) src(%dma_wait3A_30 : memref<80x128xi32, #tpu.memory_space<hbm>>) dst(%arg6 : memref<80x128xi32, #tpu.memory_space<vmem>>)
      tpu.yield
    }) : () -> ()
    "tpu.region"() ({
      %run_scoped3A = tpu.sem_alloc : memref<!tpu.dma_semaphore, #tpu.memory_space<semaphore_mem>>
      tpu.enqueue_dma source(%arg3 : memref<128x128xf32, #tpu.memory_space<hbm>>) target(%arg7 : memref<128x128xf32, #tpu.memory_space<vmem>>) target_semaphore(%run_scoped3A : memref<!tpu.dma_semaphore, #tpu.memory_space<semaphore_mem>>)
      tpu.wait_dma2 semaphore(%run_scoped3A : memref<!tpu.dma_semaphore, #tpu.memory_space<semaphore_mem>>) src(%arg3 : memref<128x128xf32, #tpu.memory_space<hbm>>) dst(%arg7 : memref<128x128xf32, #tpu.memory_space<vmem>>)
      tpu.yield
    }) : () -> ()
    %mul3A = arith.constant 632 : i32
    %mul3A_0 = arith.muli %arg1, %mul3A : i32
    "tpu.region"() ({
      %run_scoped3A = tpu.sem_alloc : memref<!tpu.dma_semaphore, #tpu.memory_space<semaphore_mem>>
      %dma_start3A = arith.constant 0 : i32
      %dma_start3A_17 = tpu.memref_slice %arg8[%mul3A_0, %dma_start3A] : memref<10112x128xf32, #tpu.memory_space<vmem_shared>> -> memref<632x128xf32, #tpu.memory_space<vmem_shared>>
      tpu.enqueue_dma source(%arg4 : memref<632x128xf32, #tpu.memory_space<hbm>>) target(%dma_start3A_17 : memref<632x128xf32, #tpu.memory_space<vmem_shared>>) target_semaphore(%run_scoped3A : memref<!tpu.dma_semaphore, #tpu.memory_space<semaphore_mem>>)
      %dma_wait3A = arith.constant 0 : i32
      %dma_wait3A_18 = tpu.memref_slice %arg8[%mul3A_0, %dma_wait3A] : memref<10112x128xf32, #tpu.memory_space<vmem_shared>> -> memref<632x128xf32, #tpu.memory_space<vmem_shared>>
      tpu.wait_dma2 semaphore(%run_scoped3A : memref<!tpu.dma_semaphore, #tpu.memory_space<semaphore_mem>>) src(%arg4 : memref<632x128xf32, #tpu.memory_space<hbm>>) dst(%dma_wait3A_18 : memref<632x128xf32, #tpu.memory_space<vmem_shared>>)
      tpu.yield
    }) : () -> ()
    %barrier3A = arith.constant 0 : index
    tpu.barrier barrier_id(%barrier3A)
    %scan3A = arith.constant 0 : i32
    %scan3A_1 = arith.constant 0 : i32
    %scan3A_2 = arith.constant 80 : i32
    %scan3A_3 = arith.addi %scan3A_1, %scan3A_2 : i32
    %scan3A_4 = arith.constant 1 : i32
    scf.for %scan3A_17 = %scan3A_1 to %scan3A_3 step %scan3A_4  : i32 {
      %dma_start3A = arith.constant 0 : i32
      %dma_start3A_18 = tpu.memref_slice %arg6[%scan3A_17, %dma_start3A] : memref<80x128xi32, #tpu.memory_space<vmem>> -> memref<1x128xi32, #tpu.memory_space<vmem>>
      %dma_start3A_19 = tpu.memref_squeeze %dma_start3A_18 : memref<1x128xi32, #tpu.memory_space<vmem>> -> memref<128xi32, #tpu.memory_space<vmem>>
      %dma_start3A_20 = arith.constant 0 : i32
      %dma_start3A_21 = arith.constant 0 : i32
      %dma_start3A_22 = tpu.memref_slice %arg8[%dma_start3A_20, %dma_start3A_21] : memref<10112x128xf32, #tpu.memory_space<vmem_shared>> -> memref<10112x128xf32, #tpu.memory_space<vmem_shared>>
      tpu.enqueue_indirect_dma source(%arg7 : memref<128x128xf32, #tpu.memory_space<vmem>>) target(%dma_start3A_22 : memref<10112x128xf32, #tpu.memory_space<vmem_shared>>) offsets(%dma_start3A_19 : memref<128xi32, #tpu.memory_space<vmem>>) semaphore(%arg9 : memref<!tpu.dma_semaphore, #tpu.memory_space<semaphore_mem>>) {add = true}
    }
    %scan3A_5 = arith.constant 80 : i32
    %scan3A_6 = arith.constant 0 : i32
    %scan3A_7 = arith.constant 0 : i32
    %scan3A_8 = arith.constant 80 : i32
    %scan3A_9 = arith.addi %scan3A_7, %scan3A_8 : i32
    %scan3A_10 = arith.constant 1 : i32
    scf.for %scan3A_17 = %scan3A_7 to %scan3A_9 step %scan3A_10  : i32 {
      %dma_wait3A = arith.constant 0 : i32
      %dma_wait3A_18 = tpu.memref_slice %arg6[%scan3A_17, %dma_wait3A] : memref<80x128xi32, #tpu.memory_space<vmem>> -> memref<1x128xi32, #tpu.memory_space<vmem>>
      %dma_wait3A_19 = tpu.memref_squeeze %dma_wait3A_18 : memref<1x128xi32, #tpu.memory_space<vmem>> -> memref<128xi32, #tpu.memory_space<vmem>>
      %dma_wait3A_20 = arith.constant 0 : i32
      %dma_wait3A_21 = arith.constant 0 : i32
      %dma_wait3A_22 = tpu.memref_slice %arg8[%dma_wait3A_20, %dma_wait3A_21] : memref<10112x128xf32, #tpu.memory_space<vmem_shared>> -> memref<10112x128xf32, #tpu.memory_space<vmem_shared>>
      tpu.wait_indirect_dma semaphore(%arg9 : memref<!tpu.dma_semaphore, #tpu.memory_space<semaphore_mem>>) src(%arg7 : memref<128x128xf32, #tpu.memory_space<vmem>>) dst(%dma_wait3A_22 : memref<10112x128xf32, #tpu.memory_space<vmem_shared>>)
    }
    %scan3A_11 = arith.constant 80 : i32
    %barrier3A_12 = arith.constant 0 : index
    tpu.barrier barrier_id(%barrier3A_12)
    %mul3A_13 = arith.constant 632 : i32
    %mul3A_14 = arith.muli %arg1, %mul3A_13 : i32
    %mul3A_15 = arith.constant 632 : i32
    %mul3A_16 = arith.muli %arg1, %mul3A_15 : i32
    "tpu.region"() ({
      %run_scoped3A = tpu.sem_alloc : memref<!tpu.dma_semaphore, #tpu.memory_space<semaphore_mem>>
      %dma_start3A = arith.constant 0 : i32
      %dma_start3A_17 = tpu.memref_slice %arg5[%arg0, %mul3A_16, %dma_start3A] : memref<2x10112x128xf32, #tpu.memory_space<hbm>> -> memref<1x632x128xf32, #tpu.memory_space<hbm>>
      %dma_start3A_18 = tpu.memref_squeeze %dma_start3A_17 : memref<1x632x128xf32, #tpu.memory_space<hbm>> -> memref<632x128xf32, #tpu.memory_space<hbm>>
      %dma_start3A_19 = arith.constant 0 : i32
      %dma_start3A_20 = tpu.memref_slice %arg8[%mul3A_14, %dma_start3A_19] : memref<10112x128xf32, #tpu.memory_space<vmem_shared>> -> memref<632x128xf32, #tpu.memory_space<vmem_shared>>
      tpu.enqueue_dma source(%dma_start3A_20 : memref<632x128xf32, #tpu.memory_space<vmem_shared>>) target(%dma_start3A_18 : memref<632x128xf32, #tpu.memory_space<hbm>>) target_semaphore(%run_scoped3A : memref<!tpu.dma_semaphore, #tpu.memory_space<semaphore_mem>>)
      %dma_wait3A = arith.constant 0 : i32
      %dma_wait3A_21 = tpu.memref_slice %arg5[%arg0, %mul3A_16, %dma_wait3A] : memref<2x10112x128xf32, #tpu.memory_space<hbm>> -> memref<1x632x128xf32, #tpu.memory_space<hbm>>
      %dma_wait3A_22 = tpu.memref_squeeze %dma_wait3A_21 : memref<1x632x128xf32, #tpu.memory_space<hbm>> -> memref<632x128xf32, #tpu.memory_space<hbm>>
      %dma_wait3A_23 = arith.constant 0 : i32
      %dma_wait3A_24 = tpu.memref_slice %arg8[%mul3A_14, %dma_wait3A_23] : memref<10112x128xf32, #tpu.memory_space<vmem_shared>> -> memref<632x128xf32, #tpu.memory_space<vmem_shared>>
      tpu.wait_dma2 semaphore(%run_scoped3A : memref<!tpu.dma_semaphore, #tpu.memory_space<semaphore_mem>>) src(%dma_wait3A_24 : memref<632x128xf32, #tpu.memory_space<vmem_shared>>) dst(%dma_wait3A_22 : memref<632x128xf32, #tpu.memory_space<hbm>>)
      tpu.yield
    }) : () -> ()
    return
  }
}

#map = affine_map<(d0, d1) -> (0, 0)>
#map1 = affine_map<(d0, d1) -> (0, 0, 0, 0)>
#map2 = affine_map<(d0, d1) -> (0, 0, 0)>
module attributes {stable_mosaic.version = 14 : i64} {
  func.func @_agg(%arg0: i32, %arg1: i32, %arg2: memref<10000x128xf32, #tpu.memory_space<hbm>>, %arg3: memref<2x16x80x128xi32, #tpu.memory_space<hbm>>, %arg4: memref<2x16x80x128xi32, #tpu.memory_space<hbm>>, %arg5: memref<632x128xf32, #tpu.memory_space<hbm>>, %arg6: memref<2x10112x128xf32, #tpu.memory_space<hbm>>, %arg7: memref<80x128xi32, #tpu.memory_space<vmem>>, %arg8: memref<2x128xi32, #tpu.memory_space<vmem>>, %arg9: memref<128x128xf32, #tpu.memory_space<vmem>>, %arg10: memref<128x128xf32, #tpu.memory_space<vmem>>, %arg11: memref<10112x128xf32, #tpu.memory_space<vmem_shared>>, %arg12: memref<!tpu.dma_semaphore, #tpu.memory_space<semaphore_mem>>, %arg13: memref<!tpu.dma_semaphore, #tpu.memory_space<semaphore_mem>>, %arg14: memref<!tpu.dma_semaphore, #tpu.memory_space<semaphore_mem>>, %arg15: memref<!tpu.dma_semaphore, #tpu.memory_space<semaphore_mem>>) attributes {dimension_semantics = [#tpu.dimension_semantics<core_parallel>, #tpu.dimension_semantics<subcore_parallel>], iteration_bounds = array<i64: 2, 16>, scalar_prefetch = 0 : i64, scratch_operands = 9 : i64, tpu.core_type = #tpu.core_type<sc_vector_subcore>, window_params = [{transform_indices = #map}, {transform_indices = #map1}, {transform_indices = #map1}, {transform_indices = #map}, {transform_indices = #map2}]} {
    "tpu.region"() ({
      %run_scoped3A = tpu.sem_alloc : memref<!tpu.dma_semaphore, #tpu.memory_space<semaphore_mem>>
      %dma_start3A_52 = arith.constant 0 : i32
      %dma_start3A_53 = arith.constant 0 : i32
      %dma_start3A_54 = tpu.memref_slice %arg3[%arg0, %arg1, %dma_start3A_52, %dma_start3A_53] : memref<2x16x80x128xi32, #tpu.memory_space<hbm>> -> memref<1x1x80x128xi32, #tpu.memory_space<hbm>>
      %dma_start3A_55 = tpu.memref_squeeze %dma_start3A_54 : memref<1x1x80x128xi32, #tpu.memory_space<hbm>> -> memref<80x128xi32, #tpu.memory_space<hbm>>
      %dma_start3A_56 = arith.constant 0 : i32
      %dma_start3A_57 = arith.constant 0 : i32
      %dma_start3A_58 = tpu.memref_slice %arg3[%arg0, %arg1, %dma_start3A_56, %dma_start3A_57] : memref<2x16x80x128xi32, #tpu.memory_space<hbm>> -> memref<1x1x80x128xi32, #tpu.memory_space<hbm>>
      %dma_start3A_59 = tpu.memref_squeeze %dma_start3A_58 : memref<1x1x80x128xi32, #tpu.memory_space<hbm>> -> memref<80x128xi32, #tpu.memory_space<hbm>>
      tpu.enqueue_dma source(%dma_start3A_59 : memref<80x128xi32, #tpu.memory_space<hbm>>) target(%arg7 : memref<80x128xi32, #tpu.memory_space<vmem>>) target_semaphore(%run_scoped3A : memref<!tpu.dma_semaphore, #tpu.memory_space<semaphore_mem>>)
      %dma_wait3A = arith.constant 0 : i32
      %dma_wait3A_60 = arith.constant 0 : i32
      %dma_wait3A_61 = tpu.memref_slice %arg3[%arg0, %arg1, %dma_wait3A, %dma_wait3A_60] : memref<2x16x80x128xi32, #tpu.memory_space<hbm>> -> memref<1x1x80x128xi32, #tpu.memory_space<hbm>>
      %dma_wait3A_62 = tpu.memref_squeeze %dma_wait3A_61 : memref<1x1x80x128xi32, #tpu.memory_space<hbm>> -> memref<80x128xi32, #tpu.memory_space<hbm>>
      %dma_wait3A_63 = arith.constant 0 : i32
      %dma_wait3A_64 = arith.constant 0 : i32
      %dma_wait3A_65 = tpu.memref_slice %arg3[%arg0, %arg1, %dma_wait3A_63, %dma_wait3A_64] : memref<2x16x80x128xi32, #tpu.memory_space<hbm>> -> memref<1x1x80x128xi32, #tpu.memory_space<hbm>>
      %dma_wait3A_66 = tpu.memref_squeeze %dma_wait3A_65 : memref<1x1x80x128xi32, #tpu.memory_space<hbm>> -> memref<80x128xi32, #tpu.memory_space<hbm>>
      tpu.wait_dma2 semaphore(%run_scoped3A : memref<!tpu.dma_semaphore, #tpu.memory_space<semaphore_mem>>) src(%dma_wait3A_66 : memref<80x128xi32, #tpu.memory_space<hbm>>) dst(%arg7 : memref<80x128xi32, #tpu.memory_space<vmem>>)
      tpu.yield
    }) : () -> ()
    %mul3A = arith.constant 632 : i32
    %mul3A_0 = arith.muli %arg1, %mul3A : i32
    "tpu.region"() ({
      %run_scoped3A = tpu.sem_alloc : memref<!tpu.dma_semaphore, #tpu.memory_space<semaphore_mem>>
      %dma_start3A_52 = arith.constant 0 : i32
      %dma_start3A_53 = tpu.memref_slice %arg11[%mul3A_0, %dma_start3A_52] : memref<10112x128xf32, #tpu.memory_space<vmem_shared>> -> memref<632x128xf32, #tpu.memory_space<vmem_shared>>
      tpu.enqueue_dma source(%arg5 : memref<632x128xf32, #tpu.memory_space<hbm>>) target(%dma_start3A_53 : memref<632x128xf32, #tpu.memory_space<vmem_shared>>) target_semaphore(%run_scoped3A : memref<!tpu.dma_semaphore, #tpu.memory_space<semaphore_mem>>)
      %dma_wait3A = arith.constant 0 : i32
      %dma_wait3A_54 = tpu.memref_slice %arg11[%mul3A_0, %dma_wait3A] : memref<10112x128xf32, #tpu.memory_space<vmem_shared>> -> memref<632x128xf32, #tpu.memory_space<vmem_shared>>
      tpu.wait_dma2 semaphore(%run_scoped3A : memref<!tpu.dma_semaphore, #tpu.memory_space<semaphore_mem>>) src(%arg5 : memref<632x128xf32, #tpu.memory_space<hbm>>) dst(%dma_wait3A_54 : memref<632x128xf32, #tpu.memory_space<vmem_shared>>)
      tpu.yield
    }) : () -> ()
    %barrier3A = arith.constant 0 : index
    tpu.barrier barrier_id(%barrier3A)
    %dma_start3A = arith.constant 0 : i32
    %dma_start3A_1 = arith.constant 0 : i32
    %dma_start3A_2 = arith.constant 0 : i32
    %dma_start3A_3 = tpu.memref_slice %arg8[%dma_start3A_1, %dma_start3A_2] : memref<2x128xi32, #tpu.memory_space<vmem>> -> memref<1x128xi32, #tpu.memory_space<vmem>>
    %dma_start3A_4 = tpu.memref_squeeze %dma_start3A_3 : memref<1x128xi32, #tpu.memory_space<vmem>> -> memref<128xi32, #tpu.memory_space<vmem>>
    %dma_start3A_5 = arith.constant 0 : i32
    %dma_start3A_6 = tpu.memref_slice %arg4[%arg0, %arg1, %dma_start3A, %dma_start3A_5] : memref<2x16x80x128xi32, #tpu.memory_space<hbm>> -> memref<1x1x1x128xi32, #tpu.memory_space<hbm>>
    %dma_start3A_7 = tpu.memref_squeeze %dma_start3A_6 : memref<1x1x1x128xi32, #tpu.memory_space<hbm>> -> memref<128xi32, #tpu.memory_space<hbm>>
    %dma_start3A_8 = arith.constant 0 : i32
    %dma_start3A_9 = tpu.memref_slice %arg8[%dma_start3A_1, %dma_start3A_8] : memref<2x128xi32, #tpu.memory_space<vmem>> -> memref<1x128xi32, #tpu.memory_space<vmem>>
    %dma_start3A_10 = tpu.memref_squeeze %dma_start3A_9 : memref<1x128xi32, #tpu.memory_space<vmem>> -> memref<128xi32, #tpu.memory_space<vmem>>
    %dma_start3A_11 = arith.constant 0 : i32
    %dma_start3A_12 = tpu.memref_slice %arg4[%arg0, %arg1, %dma_start3A, %dma_start3A_11] : memref<2x16x80x128xi32, #tpu.memory_space<hbm>> -> memref<1x1x1x128xi32, #tpu.memory_space<hbm>>
    %dma_start3A_13 = tpu.memref_squeeze %dma_start3A_12 : memref<1x1x1x128xi32, #tpu.memory_space<hbm>> -> memref<128xi32, #tpu.memory_space<hbm>>
    tpu.enqueue_dma source(%dma_start3A_13 : memref<128xi32, #tpu.memory_space<hbm>>) target(%dma_start3A_10 : memref<128xi32, #tpu.memory_space<vmem>>) target_semaphore(%arg14 : memref<!tpu.dma_semaphore, #tpu.memory_space<semaphore_mem>>)
    %dma_start3A_14 = arith.constant 1 : i32
    %dma_start3A_15 = arith.constant 1 : i32
    %dma_start3A_16 = arith.constant 0 : i32
    %dma_start3A_17 = tpu.memref_slice %arg8[%dma_start3A_15, %dma_start3A_16] : memref<2x128xi32, #tpu.memory_space<vmem>> -> memref<1x128xi32, #tpu.memory_space<vmem>>
    %dma_start3A_18 = tpu.memref_squeeze %dma_start3A_17 : memref<1x128xi32, #tpu.memory_space<vmem>> -> memref<128xi32, #tpu.memory_space<vmem>>
    %dma_start3A_19 = arith.constant 0 : i32
    %dma_start3A_20 = tpu.memref_slice %arg4[%arg0, %arg1, %dma_start3A_14, %dma_start3A_19] : memref<2x16x80x128xi32, #tpu.memory_space<hbm>> -> memref<1x1x1x128xi32, #tpu.memory_space<hbm>>
    %dma_start3A_21 = tpu.memref_squeeze %dma_start3A_20 : memref<1x1x1x128xi32, #tpu.memory_space<hbm>> -> memref<128xi32, #tpu.memory_space<hbm>>
    %dma_start3A_22 = arith.constant 0 : i32
    %dma_start3A_23 = tpu.memref_slice %arg8[%dma_start3A_15, %dma_start3A_22] : memref<2x128xi32, #tpu.memory_space<vmem>> -> memref<1x128xi32, #tpu.memory_space<vmem>>
    %dma_start3A_24 = tpu.memref_squeeze %dma_start3A_23 : memref<1x128xi32, #tpu.memory_space<vmem>> -> memref<128xi32, #tpu.memory_space<vmem>>
    %dma_start3A_25 = arith.constant 0 : i32
    %dma_start3A_26 = tpu.memref_slice %arg4[%arg0, %arg1, %dma_start3A_14, %dma_start3A_25] : memref<2x16x80x128xi32, #tpu.memory_space<hbm>> -> memref<1x1x1x128xi32, #tpu.memory_space<hbm>>
    %dma_start3A_27 = tpu.memref_squeeze %dma_start3A_26 : memref<1x1x1x128xi32, #tpu.memory_space<hbm>> -> memref<128xi32, #tpu.memory_space<hbm>>
    tpu.enqueue_dma source(%dma_start3A_27 : memref<128xi32, #tpu.memory_space<hbm>>) target(%dma_start3A_24 : memref<128xi32, #tpu.memory_space<vmem>>) target_semaphore(%arg15 : memref<!tpu.dma_semaphore, #tpu.memory_space<semaphore_mem>>)
    %dma_start3A_28 = arith.constant 0 : i32
    %dma_start3A_29 = arith.constant 0 : i32
    %dma_start3A_30 = tpu.memref_slice %arg7[%dma_start3A_28, %dma_start3A_29] : memref<80x128xi32, #tpu.memory_space<vmem>> -> memref<1x128xi32, #tpu.memory_space<vmem>>
    %dma_start3A_31 = tpu.memref_squeeze %dma_start3A_30 : memref<1x128xi32, #tpu.memory_space<vmem>> -> memref<128xi32, #tpu.memory_space<vmem>>
    %dma_start3A_32 = arith.constant 0 : i32
    %dma_start3A_33 = arith.constant 0 : i32
    %dma_start3A_34 = tpu.memref_slice %arg2[%dma_start3A_32, %dma_start3A_33] : memref<10000x128xf32, #tpu.memory_space<hbm>> -> memref<10000x128xf32, #tpu.memory_space<hbm>>
    tpu.enqueue_indirect_dma source(%dma_start3A_34 : memref<10000x128xf32, #tpu.memory_space<hbm>>) target(%arg9 : memref<128x128xf32, #tpu.memory_space<vmem>>) offsets(%dma_start3A_31 : memref<128xi32, #tpu.memory_space<vmem>>) semaphore(%arg12 : memref<!tpu.dma_semaphore, #tpu.memory_space<semaphore_mem>>)
    %dma_start3A_35 = arith.constant 1 : i32
    %dma_start3A_36 = arith.constant 0 : i32
    %dma_start3A_37 = tpu.memref_slice %arg7[%dma_start3A_35, %dma_start3A_36] : memref<80x128xi32, #tpu.memory_space<vmem>> -> memref<1x128xi32, #tpu.memory_space<vmem>>
    %dma_start3A_38 = tpu.memref_squeeze %dma_start3A_37 : memref<1x128xi32, #tpu.memory_space<vmem>> -> memref<128xi32, #tpu.memory_space<vmem>>
    %dma_start3A_39 = arith.constant 0 : i32
    %dma_start3A_40 = arith.constant 0 : i32
    %dma_start3A_41 = tpu.memref_slice %arg2[%dma_start3A_39, %dma_start3A_40] : memref<10000x128xf32, #tpu.memory_space<hbm>> -> memref<10000x128xf32, #tpu.memory_space<hbm>>
    tpu.enqueue_indirect_dma source(%dma_start3A_41 : memref<10000x128xf32, #tpu.memory_space<hbm>>) target(%arg10 : memref<128x128xf32, #tpu.memory_space<vmem>>) offsets(%dma_start3A_38 : memref<128xi32, #tpu.memory_space<vmem>>) semaphore(%arg13 : memref<!tpu.dma_semaphore, #tpu.memory_space<semaphore_mem>>)
    %scan3A = arith.constant 0 : i32
    %scan3A_42 = arith.constant 0 : i32
    %scan3A_43 = arith.constant 40 : i32
    %scan3A_44 = arith.addi %scan3A_42, %scan3A_43 : i32
    %scan3A_45 = arith.constant 1 : i32
    scf.for %scan3A_52 = %scan3A_42 to %scan3A_44 step %scan3A_45  : i32 {
      %mul3A_53 = arith.constant 2 : i32
      %mul3A_54 = arith.muli %mul3A_53, %scan3A_52 : i32
      %dma_wait3A = arith.constant 0 : i32
      %dma_wait3A_55 = tpu.memref_slice %arg7[%mul3A_54, %dma_wait3A] : memref<80x128xi32, #tpu.memory_space<vmem>> -> memref<1x128xi32, #tpu.memory_space<vmem>>
      %dma_wait3A_56 = tpu.memref_squeeze %dma_wait3A_55 : memref<1x128xi32, #tpu.memory_space<vmem>> -> memref<128xi32, #tpu.memory_space<vmem>>
      %dma_wait3A_57 = arith.constant 0 : i32
      %dma_wait3A_58 = arith.constant 0 : i32
      %dma_wait3A_59 = tpu.memref_slice %arg2[%dma_wait3A_57, %dma_wait3A_58] : memref<10000x128xf32, #tpu.memory_space<hbm>> -> memref<10000x128xf32, #tpu.memory_space<hbm>>
      tpu.wait_indirect_dma semaphore(%arg12 : memref<!tpu.dma_semaphore, #tpu.memory_space<semaphore_mem>>) src(%dma_wait3A_59 : memref<10000x128xf32, #tpu.memory_space<hbm>>) dst(%arg9 : memref<128x128xf32, #tpu.memory_space<vmem>>)
      %dma_wait3A_60 = arith.constant 0 : i32
      %dma_wait3A_61 = arith.constant 0 : i32
      %dma_wait3A_62 = tpu.memref_slice %arg8[%dma_wait3A_60, %dma_wait3A_61] : memref<2x128xi32, #tpu.memory_space<vmem>> -> memref<1x128xi32, #tpu.memory_space<vmem>>
      %dma_wait3A_63 = tpu.memref_squeeze %dma_wait3A_62 : memref<1x128xi32, #tpu.memory_space<vmem>> -> memref<128xi32, #tpu.memory_space<vmem>>
      %dma_wait3A_64 = arith.constant 0 : i32
      %dma_wait3A_65 = tpu.memref_slice %arg4[%arg0, %arg1, %mul3A_54, %dma_wait3A_64] : memref<2x16x80x128xi32, #tpu.memory_space<hbm>> -> memref<1x1x1x128xi32, #tpu.memory_space<hbm>>
      %dma_wait3A_66 = tpu.memref_squeeze %dma_wait3A_65 : memref<1x1x1x128xi32, #tpu.memory_space<hbm>> -> memref<128xi32, #tpu.memory_space<hbm>>
      %dma_wait3A_67 = arith.constant 0 : i32
      %dma_wait3A_68 = tpu.memref_slice %arg8[%dma_wait3A_60, %dma_wait3A_67] : memref<2x128xi32, #tpu.memory_space<vmem>> -> memref<1x128xi32, #tpu.memory_space<vmem>>
      %dma_wait3A_69 = tpu.memref_squeeze %dma_wait3A_68 : memref<1x128xi32, #tpu.memory_space<vmem>> -> memref<128xi32, #tpu.memory_space<vmem>>
      %dma_wait3A_70 = arith.constant 0 : i32
      %dma_wait3A_71 = tpu.memref_slice %arg4[%arg0, %arg1, %mul3A_54, %dma_wait3A_70] : memref<2x16x80x128xi32, #tpu.memory_space<hbm>> -> memref<1x1x1x128xi32, #tpu.memory_space<hbm>>
      %dma_wait3A_72 = tpu.memref_squeeze %dma_wait3A_71 : memref<1x1x1x128xi32, #tpu.memory_space<hbm>> -> memref<128xi32, #tpu.memory_space<hbm>>
      tpu.wait_dma2 semaphore(%arg14 : memref<!tpu.dma_semaphore, #tpu.memory_space<semaphore_mem>>) src(%dma_wait3A_72 : memref<128xi32, #tpu.memory_space<hbm>>) dst(%dma_wait3A_69 : memref<128xi32, #tpu.memory_space<vmem>>)
      %run_scoped3A = arith.constant 0 : i32
      "tpu.region"() ({
        %run_scoped3A_103 = tpu.sem_alloc : memref<!tpu.dma_semaphore, #tpu.memory_space<semaphore_mem>>
        %dma_start3A_104 = arith.constant 0 : i32
        %dma_start3A_105 = tpu.memref_slice %arg8[%run_scoped3A, %dma_start3A_104] : memref<2x128xi32, #tpu.memory_space<vmem>> -> memref<1x128xi32, #tpu.memory_space<vmem>>
        %dma_start3A_106 = tpu.memref_squeeze %dma_start3A_105 : memref<1x128xi32, #tpu.memory_space<vmem>> -> memref<128xi32, #tpu.memory_space<vmem>>
        %dma_start3A_107 = arith.constant 0 : i32
        %dma_start3A_108 = arith.constant 0 : i32
        %dma_start3A_109 = tpu.memref_slice %arg11[%dma_start3A_107, %dma_start3A_108] : memref<10112x128xf32, #tpu.memory_space<vmem_shared>> -> memref<10112x128xf32, #tpu.memory_space<vmem_shared>>
        tpu.enqueue_indirect_dma source(%arg9 : memref<128x128xf32, #tpu.memory_space<vmem>>) target(%dma_start3A_109 : memref<10112x128xf32, #tpu.memory_space<vmem_shared>>) offsets(%dma_start3A_106 : memref<128xi32, #tpu.memory_space<vmem>>) semaphore(%run_scoped3A_103 : memref<!tpu.dma_semaphore, #tpu.memory_space<semaphore_mem>>) {add = true}
        %dma_wait3A_110 = arith.constant 0 : i32
        %dma_wait3A_111 = tpu.memref_slice %arg8[%run_scoped3A, %dma_wait3A_110] : memref<2x128xi32, #tpu.memory_space<vmem>> -> memref<1x128xi32, #tpu.memory_space<vmem>>
        %dma_wait3A_112 = tpu.memref_squeeze %dma_wait3A_111 : memref<1x128xi32, #tpu.memory_space<vmem>> -> memref<128xi32, #tpu.memory_space<vmem>>
        %dma_wait3A_113 = arith.constant 0 : i32
        %dma_wait3A_114 = arith.constant 0 : i32
        %dma_wait3A_115 = tpu.memref_slice %arg11[%dma_wait3A_113, %dma_wait3A_114] : memref<10112x128xf32, #tpu.memory_space<vmem_shared>> -> memref<10112x128xf32, #tpu.memory_space<vmem_shared>>
        tpu.wait_indirect_dma semaphore(%run_scoped3A_103 : memref<!tpu.dma_semaphore, #tpu.memory_space<semaphore_mem>>) src(%arg9 : memref<128x128xf32, #tpu.memory_space<vmem>>) dst(%dma_wait3A_115 : memref<10112x128xf32, #tpu.memory_space<vmem_shared>>)
        tpu.yield
      }) : () -> ()
      %lt3A = arith.constant 39 : i32
      %lt3A_73 = arith.cmpi slt, %scan3A_52, %lt3A : i32
      %convert_element_type3A = arith.extui %lt3A_73 : i1 to i32
      %cond3A = arith.constant 0 : i32
      %cond3A_74 = arith.cmpi ne, %convert_element_type3A, %cond3A : i32
      scf.if %cond3A_74 {
        %add3A_103 = arith.constant 2 : i32
        %add3A_104 = arith.addi %mul3A_54, %add3A_103 : i32
        %dma_start3A_105 = arith.constant 0 : i32
        %dma_start3A_106 = arith.constant 0 : i32
        %dma_start3A_107 = tpu.memref_slice %arg8[%dma_start3A_105, %dma_start3A_106] : memref<2x128xi32, #tpu.memory_space<vmem>> -> memref<1x128xi32, #tpu.memory_space<vmem>>
        %dma_start3A_108 = tpu.memref_squeeze %dma_start3A_107 : memref<1x128xi32, #tpu.memory_space<vmem>> -> memref<128xi32, #tpu.memory_space<vmem>>
        %dma_start3A_109 = arith.constant 0 : i32
        %dma_start3A_110 = tpu.memref_slice %arg4[%arg0, %arg1, %add3A_104, %dma_start3A_109] : memref<2x16x80x128xi32, #tpu.memory_space<hbm>> -> memref<1x1x1x128xi32, #tpu.memory_space<hbm>>
        %dma_start3A_111 = tpu.memref_squeeze %dma_start3A_110 : memref<1x1x1x128xi32, #tpu.memory_space<hbm>> -> memref<128xi32, #tpu.memory_space<hbm>>
        %dma_start3A_112 = arith.constant 0 : i32
        %dma_start3A_113 = tpu.memref_slice %arg8[%dma_start3A_105, %dma_start3A_112] : memref<2x128xi32, #tpu.memory_space<vmem>> -> memref<1x128xi32, #tpu.memory_space<vmem>>
        %dma_start3A_114 = tpu.memref_squeeze %dma_start3A_113 : memref<1x128xi32, #tpu.memory_space<vmem>> -> memref<128xi32, #tpu.memory_space<vmem>>
        %dma_start3A_115 = arith.constant 0 : i32
        %dma_start3A_116 = tpu.memref_slice %arg4[%arg0, %arg1, %add3A_104, %dma_start3A_115] : memref<2x16x80x128xi32, #tpu.memory_space<hbm>> -> memref<1x1x1x128xi32, #tpu.memory_space<hbm>>
        %dma_start3A_117 = tpu.memref_squeeze %dma_start3A_116 : memref<1x1x1x128xi32, #tpu.memory_space<hbm>> -> memref<128xi32, #tpu.memory_space<hbm>>
        tpu.enqueue_dma source(%dma_start3A_117 : memref<128xi32, #tpu.memory_space<hbm>>) target(%dma_start3A_114 : memref<128xi32, #tpu.memory_space<vmem>>) target_semaphore(%arg14 : memref<!tpu.dma_semaphore, #tpu.memory_space<semaphore_mem>>)
        %add3A_118 = arith.constant 2 : i32
        %add3A_119 = arith.addi %mul3A_54, %add3A_118 : i32
        %dma_start3A_120 = arith.constant 0 : i32
        %dma_start3A_121 = tpu.memref_slice %arg7[%add3A_119, %dma_start3A_120] : memref<80x128xi32, #tpu.memory_space<vmem>> -> memref<1x128xi32, #tpu.memory_space<vmem>>
        %dma_start3A_122 = tpu.memref_squeeze %dma_start3A_121 : memref<1x128xi32, #tpu.memory_space<vmem>> -> memref<128xi32, #tpu.memory_space<vmem>>
        %dma_start3A_123 = arith.constant 0 : i32
        %dma_start3A_124 = arith.constant 0 : i32
        %dma_start3A_125 = tpu.memref_slice %arg2[%dma_start3A_123, %dma_start3A_124] : memref<10000x128xf32, #tpu.memory_space<hbm>> -> memref<10000x128xf32, #tpu.memory_space<hbm>>
        tpu.enqueue_indirect_dma source(%dma_start3A_125 : memref<10000x128xf32, #tpu.memory_space<hbm>>) target(%arg9 : memref<128x128xf32, #tpu.memory_space<vmem>>) offsets(%dma_start3A_122 : memref<128xi32, #tpu.memory_space<vmem>>) semaphore(%arg12 : memref<!tpu.dma_semaphore, #tpu.memory_space<semaphore_mem>>)
      } else {
      }
      %add3A = arith.constant 1 : i32
      %add3A_75 = arith.addi %mul3A_54, %add3A : i32
      %dma_wait3A_76 = arith.constant 0 : i32
      %dma_wait3A_77 = tpu.memref_slice %arg7[%add3A_75, %dma_wait3A_76] : memref<80x128xi32, #tpu.memory_space<vmem>> -> memref<1x128xi32, #tpu.memory_space<vmem>>
      %dma_wait3A_78 = tpu.memref_squeeze %dma_wait3A_77 : memref<1x128xi32, #tpu.memory_space<vmem>> -> memref<128xi32, #tpu.memory_space<vmem>>
      %dma_wait3A_79 = arith.constant 0 : i32
      %dma_wait3A_80 = arith.constant 0 : i32
      %dma_wait3A_81 = tpu.memref_slice %arg2[%dma_wait3A_79, %dma_wait3A_80] : memref<10000x128xf32, #tpu.memory_space<hbm>> -> memref<10000x128xf32, #tpu.memory_space<hbm>>
      tpu.wait_indirect_dma semaphore(%arg13 : memref<!tpu.dma_semaphore, #tpu.memory_space<semaphore_mem>>) src(%dma_wait3A_81 : memref<10000x128xf32, #tpu.memory_space<hbm>>) dst(%arg10 : memref<128x128xf32, #tpu.memory_space<vmem>>)
      %add3A_82 = arith.constant 1 : i32
      %add3A_83 = arith.addi %mul3A_54, %add3A_82 : i32
      %dma_wait3A_84 = arith.constant 1 : i32
      %dma_wait3A_85 = arith.constant 0 : i32
      %dma_wait3A_86 = tpu.memref_slice %arg8[%dma_wait3A_84, %dma_wait3A_85] : memref<2x128xi32, #tpu.memory_space<vmem>> -> memref<1x128xi32, #tpu.memory_space<vmem>>
      %dma_wait3A_87 = tpu.memref_squeeze %dma_wait3A_86 : memref<1x128xi32, #tpu.memory_space<vmem>> -> memref<128xi32, #tpu.memory_space<vmem>>
      %dma_wait3A_88 = arith.constant 0 : i32
      %dma_wait3A_89 = tpu.memref_slice %arg4[%arg0, %arg1, %add3A_83, %dma_wait3A_88] : memref<2x16x80x128xi32, #tpu.memory_space<hbm>> -> memref<1x1x1x128xi32, #tpu.memory_space<hbm>>
      %dma_wait3A_90 = tpu.memref_squeeze %dma_wait3A_89 : memref<1x1x1x128xi32, #tpu.memory_space<hbm>> -> memref<128xi32, #tpu.memory_space<hbm>>
      %dma_wait3A_91 = arith.constant 0 : i32
      %dma_wait3A_92 = tpu.memref_slice %arg8[%dma_wait3A_84, %dma_wait3A_91] : memref<2x128xi32, #tpu.memory_space<vmem>> -> memref<1x128xi32, #tpu.memory_space<vmem>>
      %dma_wait3A_93 = tpu.memref_squeeze %dma_wait3A_92 : memref<1x128xi32, #tpu.memory_space<vmem>> -> memref<128xi32, #tpu.memory_space<vmem>>
      %dma_wait3A_94 = arith.constant 0 : i32
      %dma_wait3A_95 = tpu.memref_slice %arg4[%arg0, %arg1, %add3A_83, %dma_wait3A_94] : memref<2x16x80x128xi32, #tpu.memory_space<hbm>> -> memref<1x1x1x128xi32, #tpu.memory_space<hbm>>
      %dma_wait3A_96 = tpu.memref_squeeze %dma_wait3A_95 : memref<1x1x1x128xi32, #tpu.memory_space<hbm>> -> memref<128xi32, #tpu.memory_space<hbm>>
      tpu.wait_dma2 semaphore(%arg15 : memref<!tpu.dma_semaphore, #tpu.memory_space<semaphore_mem>>) src(%dma_wait3A_96 : memref<128xi32, #tpu.memory_space<hbm>>) dst(%dma_wait3A_93 : memref<128xi32, #tpu.memory_space<vmem>>)
      %run_scoped3A_97 = arith.constant 1 : i32
      "tpu.region"() ({
        %run_scoped3A_103 = tpu.sem_alloc : memref<!tpu.dma_semaphore, #tpu.memory_space<semaphore_mem>>
        %dma_start3A_104 = arith.constant 0 : i32
        %dma_start3A_105 = tpu.memref_slice %arg8[%run_scoped3A_97, %dma_start3A_104] : memref<2x128xi32, #tpu.memory_space<vmem>> -> memref<1x128xi32, #tpu.memory_space<vmem>>
        %dma_start3A_106 = tpu.memref_squeeze %dma_start3A_105 : memref<1x128xi32, #tpu.memory_space<vmem>> -> memref<128xi32, #tpu.memory_space<vmem>>
        %dma_start3A_107 = arith.constant 0 : i32
        %dma_start3A_108 = arith.constant 0 : i32
        %dma_start3A_109 = tpu.memref_slice %arg11[%dma_start3A_107, %dma_start3A_108] : memref<10112x128xf32, #tpu.memory_space<vmem_shared>> -> memref<10112x128xf32, #tpu.memory_space<vmem_shared>>
        tpu.enqueue_indirect_dma source(%arg10 : memref<128x128xf32, #tpu.memory_space<vmem>>) target(%dma_start3A_109 : memref<10112x128xf32, #tpu.memory_space<vmem_shared>>) offsets(%dma_start3A_106 : memref<128xi32, #tpu.memory_space<vmem>>) semaphore(%run_scoped3A_103 : memref<!tpu.dma_semaphore, #tpu.memory_space<semaphore_mem>>) {add = true}
        %dma_wait3A_110 = arith.constant 0 : i32
        %dma_wait3A_111 = tpu.memref_slice %arg8[%run_scoped3A_97, %dma_wait3A_110] : memref<2x128xi32, #tpu.memory_space<vmem>> -> memref<1x128xi32, #tpu.memory_space<vmem>>
        %dma_wait3A_112 = tpu.memref_squeeze %dma_wait3A_111 : memref<1x128xi32, #tpu.memory_space<vmem>> -> memref<128xi32, #tpu.memory_space<vmem>>
        %dma_wait3A_113 = arith.constant 0 : i32
        %dma_wait3A_114 = arith.constant 0 : i32
        %dma_wait3A_115 = tpu.memref_slice %arg11[%dma_wait3A_113, %dma_wait3A_114] : memref<10112x128xf32, #tpu.memory_space<vmem_shared>> -> memref<10112x128xf32, #tpu.memory_space<vmem_shared>>
        tpu.wait_indirect_dma semaphore(%run_scoped3A_103 : memref<!tpu.dma_semaphore, #tpu.memory_space<semaphore_mem>>) src(%arg10 : memref<128x128xf32, #tpu.memory_space<vmem>>) dst(%dma_wait3A_115 : memref<10112x128xf32, #tpu.memory_space<vmem_shared>>)
        tpu.yield
      }) : () -> ()
      %lt3A_98 = arith.constant 39 : i32
      %lt3A_99 = arith.cmpi slt, %scan3A_52, %lt3A_98 : i32
      %convert_element_type3A_100 = arith.extui %lt3A_99 : i1 to i32
      %cond3A_101 = arith.constant 0 : i32
      %cond3A_102 = arith.cmpi ne, %convert_element_type3A_100, %cond3A_101 : i32
      scf.if %cond3A_102 {
        %add3A_103 = arith.constant 3 : i32
        %add3A_104 = arith.addi %mul3A_54, %add3A_103 : i32
        %dma_start3A_105 = arith.constant 1 : i32
        %dma_start3A_106 = arith.constant 0 : i32
        %dma_start3A_107 = tpu.memref_slice %arg8[%dma_start3A_105, %dma_start3A_106] : memref<2x128xi32, #tpu.memory_space<vmem>> -> memref<1x128xi32, #tpu.memory_space<vmem>>
        %dma_start3A_108 = tpu.memref_squeeze %dma_start3A_107 : memref<1x128xi32, #tpu.memory_space<vmem>> -> memref<128xi32, #tpu.memory_space<vmem>>
        %dma_start3A_109 = arith.constant 0 : i32
        %dma_start3A_110 = tpu.memref_slice %arg4[%arg0, %arg1, %add3A_104, %dma_start3A_109] : memref<2x16x80x128xi32, #tpu.memory_space<hbm>> -> memref<1x1x1x128xi32, #tpu.memory_space<hbm>>
        %dma_start3A_111 = tpu.memref_squeeze %dma_start3A_110 : memref<1x1x1x128xi32, #tpu.memory_space<hbm>> -> memref<128xi32, #tpu.memory_space<hbm>>
        %dma_start3A_112 = arith.constant 0 : i32
        %dma_start3A_113 = tpu.memref_slice %arg8[%dma_start3A_105, %dma_start3A_112] : memref<2x128xi32, #tpu.memory_space<vmem>> -> memref<1x128xi32, #tpu.memory_space<vmem>>
        %dma_start3A_114 = tpu.memref_squeeze %dma_start3A_113 : memref<1x128xi32, #tpu.memory_space<vmem>> -> memref<128xi32, #tpu.memory_space<vmem>>
        %dma_start3A_115 = arith.constant 0 : i32
        %dma_start3A_116 = tpu.memref_slice %arg4[%arg0, %arg1, %add3A_104, %dma_start3A_115] : memref<2x16x80x128xi32, #tpu.memory_space<hbm>> -> memref<1x1x1x128xi32, #tpu.memory_space<hbm>>
        %dma_start3A_117 = tpu.memref_squeeze %dma_start3A_116 : memref<1x1x1x128xi32, #tpu.memory_space<hbm>> -> memref<128xi32, #tpu.memory_space<hbm>>
        tpu.enqueue_dma source(%dma_start3A_117 : memref<128xi32, #tpu.memory_space<hbm>>) target(%dma_start3A_114 : memref<128xi32, #tpu.memory_space<vmem>>) target_semaphore(%arg15 : memref<!tpu.dma_semaphore, #tpu.memory_space<semaphore_mem>>)
        %add3A_118 = arith.constant 3 : i32
        %add3A_119 = arith.addi %mul3A_54, %add3A_118 : i32
        %dma_start3A_120 = arith.constant 0 : i32
        %dma_start3A_121 = tpu.memref_slice %arg7[%add3A_119, %dma_start3A_120] : memref<80x128xi32, #tpu.memory_space<vmem>> -> memref<1x128xi32, #tpu.memory_space<vmem>>
        %dma_start3A_122 = tpu.memref_squeeze %dma_start3A_121 : memref<1x128xi32, #tpu.memory_space<vmem>> -> memref<128xi32, #tpu.memory_space<vmem>>
        %dma_start3A_123 = arith.constant 0 : i32
        %dma_start3A_124 = arith.constant 0 : i32
        %dma_start3A_125 = tpu.memref_slice %arg2[%dma_start3A_123, %dma_start3A_124] : memref<10000x128xf32, #tpu.memory_space<hbm>> -> memref<10000x128xf32, #tpu.memory_space<hbm>>
        tpu.enqueue_indirect_dma source(%dma_start3A_125 : memref<10000x128xf32, #tpu.memory_space<hbm>>) target(%arg10 : memref<128x128xf32, #tpu.memory_space<vmem>>) offsets(%dma_start3A_122 : memref<128xi32, #tpu.memory_space<vmem>>) semaphore(%arg13 : memref<!tpu.dma_semaphore, #tpu.memory_space<semaphore_mem>>)
      } else {
      }
    }
    %scan3A_46 = arith.constant 40 : i32
    %barrier3A_47 = arith.constant 0 : index
    tpu.barrier barrier_id(%barrier3A_47)
    %mul3A_48 = arith.constant 632 : i32
    %mul3A_49 = arith.muli %arg1, %mul3A_48 : i32
    %mul3A_50 = arith.constant 632 : i32
    %mul3A_51 = arith.muli %arg1, %mul3A_50 : i32
    "tpu.region"() ({
      %run_scoped3A = tpu.sem_alloc : memref<!tpu.dma_semaphore, #tpu.memory_space<semaphore_mem>>
      %dma_start3A_52 = arith.constant 0 : i32
      %dma_start3A_53 = tpu.memref_slice %arg6[%arg0, %mul3A_51, %dma_start3A_52] : memref<2x10112x128xf32, #tpu.memory_space<hbm>> -> memref<1x632x128xf32, #tpu.memory_space<hbm>>
      %dma_start3A_54 = tpu.memref_squeeze %dma_start3A_53 : memref<1x632x128xf32, #tpu.memory_space<hbm>> -> memref<632x128xf32, #tpu.memory_space<hbm>>
      %dma_start3A_55 = arith.constant 0 : i32
      %dma_start3A_56 = tpu.memref_slice %arg11[%mul3A_49, %dma_start3A_55] : memref<10112x128xf32, #tpu.memory_space<vmem_shared>> -> memref<632x128xf32, #tpu.memory_space<vmem_shared>>
      tpu.enqueue_dma source(%dma_start3A_56 : memref<632x128xf32, #tpu.memory_space<vmem_shared>>) target(%dma_start3A_54 : memref<632x128xf32, #tpu.memory_space<hbm>>) target_semaphore(%run_scoped3A : memref<!tpu.dma_semaphore, #tpu.memory_space<semaphore_mem>>)
      %dma_wait3A = arith.constant 0 : i32
      %dma_wait3A_57 = tpu.memref_slice %arg6[%arg0, %mul3A_51, %dma_wait3A] : memref<2x10112x128xf32, #tpu.memory_space<hbm>> -> memref<1x632x128xf32, #tpu.memory_space<hbm>>
      %dma_wait3A_58 = tpu.memref_squeeze %dma_wait3A_57 : memref<1x632x128xf32, #tpu.memory_space<hbm>> -> memref<632x128xf32, #tpu.memory_space<hbm>>
      %dma_wait3A_59 = arith.constant 0 : i32
      %dma_wait3A_60 = tpu.memref_slice %arg11[%mul3A_49, %dma_wait3A_59] : memref<10112x128xf32, #tpu.memory_space<vmem_shared>> -> memref<632x128xf32, #tpu.memory_space<vmem_shared>>
      tpu.wait_dma2 semaphore(%run_scoped3A : memref<!tpu.dma_semaphore, #tpu.memory_space<semaphore_mem>>) src(%dma_wait3A_60 : memref<632x128xf32, #tpu.memory_space<vmem_shared>>) dst(%dma_wait3A_58 : memref<632x128xf32, #tpu.memory_space<hbm>>)
      tpu.yield
    }) : () -> ()
    return
  }
}

module attributes {stable_mosaic.version = 14 : i64} {
  func.func @_dense_body(%arg0: memref<2x10112x128xf32, #tpu.memory_space<vmem>>, %arg1: memref<2x10112x8xf32, #tpu.memory_space<vmem>>, %arg2: memref<10000x128xf32, #tpu.memory_space<vmem>>, %arg3: memref<128x128xf32, #tpu.memory_space<vmem>>, %arg4: memref<128xf32, #tpu.memory_space<vmem>>, %arg5: memref<128xf32, #tpu.memory_space<vmem>>, %arg6: memref<128xf32, #tpu.memory_space<vmem>>, %arg7: memref<10000x128xf32, #tpu.memory_space<vmem>>) attributes {dimension_semantics = [], scalar_prefetch = 0 : i64, scratch_operands = 0 : i64, tpu.core_type = #tpu.core_type<tc>} {
    %get3A = arith.constant 0 : index
    %get3A_0 = arith.constant 0 : index
    %get3A_1 = arith.constant 0 : index
    %get3A_2 = vector.load %arg1[%get3A, %get3A_0, %get3A_1] : memref<2x10112x8xf32, #tpu.memory_space<vmem>>, vector<2x10112x8xf32>
    %slice3A = vector.extract_strided_slice %get3A_2 {offsets = [0, 0, 0], sizes = [1, 10112, 8], strides = [1, 1, 1]} : vector<2x10112x8xf32> to vector<1x10112x8xf32>
    %squeeze3A = vector.shape_cast %slice3A : vector<1x10112x8xf32> to vector<10112x8xf32>
    %slice3A_3 = vector.extract_strided_slice %get3A_2 {offsets = [1, 0, 0], sizes = [1, 10112, 8], strides = [1, 1, 1]} : vector<2x10112x8xf32> to vector<1x10112x8xf32>
    %squeeze3A_4 = vector.shape_cast %slice3A_3 : vector<1x10112x8xf32> to vector<10112x8xf32>
    %add3A = arith.addf %squeeze3A, %squeeze3A_4 : vector<10112x8xf32>
    %slice3A_5 = vector.extract_strided_slice %add3A {offsets = [0, 0], sizes = [10000, 1], strides = [1, 1]} : vector<10112x8xf32> to vector<10000x1xf32>
    %squeeze3A_6 = vector.shape_cast %slice3A_5 : vector<10000x1xf32> to vector<10000xf32>
    %max3A = arith.constant 1.000000e+00 : f32
    %max3A_7 = vector.broadcast %max3A : f32 to vector<10000xf32>
    %max3A_8 = arith.maximumf %squeeze3A_6, %max3A_7 : vector<10000xf32>
    %div3A = arith.constant 1.000000e+00 : f32
    %div3A_9 = vector.broadcast %div3A : f32 to vector<10000xf32>
    %div3A_10 = arith.divf %div3A_9, %max3A_8 : vector<10000xf32>
    %get3A_11 = arith.constant 0 : index
    %get3A_12 = arith.constant 0 : index
    %get3A_13 = arith.constant 0 : index
    %get3A_14 = vector.load %arg0[%get3A_11, %get3A_12, %get3A_13] : memref<2x10112x128xf32, #tpu.memory_space<vmem>>, vector<2x10112x128xf32>
    %slice3A_15 = vector.extract_strided_slice %get3A_14 {offsets = [0, 0, 0], sizes = [1, 10000, 128], strides = [1, 1, 1]} : vector<2x10112x128xf32> to vector<1x10000x128xf32>
    %squeeze3A_16 = vector.shape_cast %slice3A_15 : vector<1x10000x128xf32> to vector<10000x128xf32>
    %slice3A_17 = vector.extract_strided_slice %get3A_14 {offsets = [1, 0, 0], sizes = [1, 10000, 128], strides = [1, 1, 1]} : vector<2x10112x128xf32> to vector<1x10000x128xf32>
    %squeeze3A_18 = vector.shape_cast %slice3A_17 : vector<1x10000x128xf32> to vector<10000x128xf32>
    %add3A_19 = arith.addf %squeeze3A_16, %squeeze3A_18 : vector<10000x128xf32>
    %broadcast_in_dim3A = vector.shape_cast %div3A_10 : vector<10000xf32> to vector<10000x1xf32>
    %mul3A = vector.broadcast %broadcast_in_dim3A : vector<10000x1xf32> to vector<10000x128xf32>
    %mul3A_20 = arith.mulf %add3A_19, %mul3A : vector<10000x128xf32>
    %get3A_21 = arith.constant 0 : index
    %get3A_22 = arith.constant 0 : index
    %get3A_23 = vector.load %arg2[%get3A_21, %get3A_22] : memref<10000x128xf32, #tpu.memory_space<vmem>>, vector<10000x128xf32>
    %add3A_24 = arith.addf %mul3A_20, %get3A_23 : vector<10000x128xf32>
    %get3A_25 = arith.constant 0 : index
    %get3A_26 = arith.constant 0 : index
    %get3A_27 = vector.load %arg3[%get3A_25, %get3A_26] : memref<128x128xf32, #tpu.memory_space<vmem>>, vector<128x128xf32>
    %dot_general3A = arith.constant dense<0.000000e+00> : vector<10000x128xf32>
    %dot_general3A_28 = tpu.matmul %add3A_24, %get3A_27, %dot_general3A {dimension_numbers = #tpu.dot_dimension_numbers<[1], [0], [0], [1], [0, 0, 1, 1], [], []>, transpose_lhs_hint = false} : vector<10000x128xf32>, vector<128x128xf32>, vector<10000x128xf32> -> vector<10000x128xf32>
    %get3A_29 = arith.constant 0 : index
    %get3A_30 = vector.load %arg4[%get3A_29] : memref<128xf32, #tpu.memory_space<vmem>>, vector<128xf32>
    %broadcast_in_dim3A_31 = vector.shape_cast %get3A_30 : vector<128xf32> to vector<1x128xf32>
    %add3A_32 = vector.broadcast %broadcast_in_dim3A_31 : vector<1x128xf32> to vector<10000x128xf32>
    %add3A_33 = arith.addf %dot_general3A_28, %add3A_32 : vector<10000x128xf32>
    %reduce_sum3A = arith.constant dense<0.000000e+00> : vector<128xf32>
    %reduce_sum3A_34 = vector.multi_reduction <add>, %add3A_33, %reduce_sum3A [0] : vector<10000x128xf32> to vector<128xf32>
    %div3A_35 = arith.constant 1.000000e+04 : f32
    %div3A_36 = vector.broadcast %div3A_35 : f32 to vector<128xf32>
    %div3A_37 = arith.divf %reduce_sum3A_34, %div3A_36 : vector<128xf32>
    %broadcast_in_dim3A_38 = vector.shape_cast %div3A_37 : vector<128xf32> to vector<1x128xf32>
    %sub3A = vector.broadcast %broadcast_in_dim3A_38 : vector<1x128xf32> to vector<10000x128xf32>
    %sub3A_39 = arith.subf %add3A_33, %sub3A : vector<10000x128xf32>
    %square3A = arith.mulf %sub3A_39, %sub3A_39 : vector<10000x128xf32>
    %reduce_sum3A_40 = arith.constant dense<0.000000e+00> : vector<128xf32>
    %reduce_sum3A_41 = vector.multi_reduction <add>, %square3A, %reduce_sum3A_40 [0] : vector<10000x128xf32> to vector<128xf32>
    %div3A_42 = arith.constant 1.000000e+04 : f32
    %div3A_43 = vector.broadcast %div3A_42 : f32 to vector<128xf32>
    %div3A_44 = arith.divf %reduce_sum3A_41, %div3A_43 : vector<128xf32>
    %broadcast_in_dim3A_45 = vector.shape_cast %div3A_37 : vector<128xf32> to vector<1x128xf32>
    %sub3A_46 = vector.broadcast %broadcast_in_dim3A_45 : vector<1x128xf32> to vector<10000x128xf32>
    %sub3A_47 = arith.subf %add3A_33, %sub3A_46 : vector<10000x128xf32>
    %broadcast_in_dim3A_48 = vector.shape_cast %div3A_44 : vector<128xf32> to vector<1x128xf32>
    %add3A_49 = arith.constant 9.99999974E-6 : f32
    %add3A_50 = vector.broadcast %add3A_49 : f32 to vector<1x128xf32>
    %add3A_51 = arith.addf %broadcast_in_dim3A_48, %add3A_50 : vector<1x128xf32>
    %sqrt3A = math.sqrt %add3A_51 : vector<1x128xf32>
    %div3A_52 = vector.broadcast %sqrt3A : vector<1x128xf32> to vector<10000x128xf32>
    %div3A_53 = arith.divf %sub3A_47, %div3A_52 : vector<10000x128xf32>
    %get3A_54 = arith.constant 0 : index
    %get3A_55 = vector.load %arg5[%get3A_54] : memref<128xf32, #tpu.memory_space<vmem>>, vector<128xf32>
    %broadcast_in_dim3A_56 = vector.shape_cast %get3A_55 : vector<128xf32> to vector<1x128xf32>
    %mul3A_57 = vector.broadcast %broadcast_in_dim3A_56 : vector<1x128xf32> to vector<10000x128xf32>
    %mul3A_58 = arith.mulf %div3A_53, %mul3A_57 : vector<10000x128xf32>
    %get3A_59 = arith.constant 0 : index
    %get3A_60 = vector.load %arg6[%get3A_59] : memref<128xf32, #tpu.memory_space<vmem>>, vector<128xf32>
    %broadcast_in_dim3A_61 = vector.shape_cast %get3A_60 : vector<128xf32> to vector<1x128xf32>
    %add3A_62 = vector.broadcast %broadcast_in_dim3A_61 : vector<1x128xf32> to vector<10000x128xf32>
    %add3A_63 = arith.addf %mul3A_58, %add3A_62 : vector<10000x128xf32>
    %mul3A_64 = arith.constant 5.000000e-01 : f32
    %mul3A_65 = vector.broadcast %mul3A_64 : f32 to vector<10000x128xf32>
    %mul3A_66 = arith.mulf %mul3A_65, %add3A_63 : vector<10000x128xf32>
    %mul3A_67 = arith.constant 0.707106769 : f32
    %mul3A_68 = vector.broadcast %mul3A_67 : f32 to vector<10000x128xf32>
    %mul3A_69 = arith.mulf %add3A_63, %mul3A_68 : vector<10000x128xf32>
    %erf3A = math.erf %mul3A_69 : vector<10000x128xf32>
    %add3A_70 = arith.constant 1.000000e+00 : f32
    %add3A_71 = vector.broadcast %add3A_70 : f32 to vector<10000x128xf32>
    %add3A_72 = arith.addf %add3A_71, %erf3A : vector<10000x128xf32>
    %mul3A_73 = arith.mulf %mul3A_66, %add3A_72 : vector<10000x128xf32>
    %swap3A = arith.constant 0 : index
    %swap3A_74 = arith.constant 0 : index
    %swap3A_75 = vector.load %arg7[%swap3A, %swap3A_74] : memref<10000x128xf32, #tpu.memory_space<vmem>>, vector<10000x128xf32>
    tpu.vector_store %arg7[%swap3A, %swap3A_74], %mul3A_73 {strides = array<i32>} : memref<10000x128xf32, #tpu.memory_space<vmem>>, vector<10000x128xf32>,
    return
  }
}

module attributes {stable_mosaic.version = 14 : i64} {
  func.func @_final_body(%arg0: memref<2x10112x128xf32, #tpu.memory_space<vmem>>, %arg1: memref<2x10112x8xf32, #tpu.memory_space<vmem>>, %arg2: memref<10000x128xf32, #tpu.memory_space<vmem>>, %arg3: memref<128x128xf32, #tpu.memory_space<vmem>>, %arg4: memref<128xf32, #tpu.memory_space<vmem>>, %arg5: memref<128xf32, #tpu.memory_space<vmem>>, %arg6: memref<128xf32, #tpu.memory_space<vmem>>, %arg7: memref<128x128xf32, #tpu.memory_space<vmem>>, %arg8: memref<128xf32, #tpu.memory_space<vmem>>, %arg9: memref<10000x128xf32, #tpu.memory_space<vmem>>) attributes {dimension_semantics = [], scalar_prefetch = 0 : i64, scratch_operands = 0 : i64, tpu.core_type = #tpu.core_type<tc>} {
    %get3A = arith.constant 0 : index
    %get3A_0 = arith.constant 0 : index
    %get3A_1 = arith.constant 0 : index
    %get3A_2 = vector.load %arg1[%get3A, %get3A_0, %get3A_1] : memref<2x10112x8xf32, #tpu.memory_space<vmem>>, vector<2x10112x8xf32>
    %slice3A = vector.extract_strided_slice %get3A_2 {offsets = [0, 0, 0], sizes = [1, 10112, 8], strides = [1, 1, 1]} : vector<2x10112x8xf32> to vector<1x10112x8xf32>
    %squeeze3A = vector.shape_cast %slice3A : vector<1x10112x8xf32> to vector<10112x8xf32>
    %slice3A_3 = vector.extract_strided_slice %get3A_2 {offsets = [1, 0, 0], sizes = [1, 10112, 8], strides = [1, 1, 1]} : vector<2x10112x8xf32> to vector<1x10112x8xf32>
    %squeeze3A_4 = vector.shape_cast %slice3A_3 : vector<1x10112x8xf32> to vector<10112x8xf32>
    %add3A = arith.addf %squeeze3A, %squeeze3A_4 : vector<10112x8xf32>
    %slice3A_5 = vector.extract_strided_slice %add3A {offsets = [0, 0], sizes = [10000, 1], strides = [1, 1]} : vector<10112x8xf32> to vector<10000x1xf32>
    %squeeze3A_6 = vector.shape_cast %slice3A_5 : vector<10000x1xf32> to vector<10000xf32>
    %max3A = arith.constant 1.000000e+00 : f32
    %max3A_7 = vector.broadcast %max3A : f32 to vector<10000xf32>
    %max3A_8 = arith.maximumf %squeeze3A_6, %max3A_7 : vector<10000xf32>
    %div3A = arith.constant 1.000000e+00 : f32
    %div3A_9 = vector.broadcast %div3A : f32 to vector<10000xf32>
    %div3A_10 = arith.divf %div3A_9, %max3A_8 : vector<10000xf32>
    %get3A_11 = arith.constant 0 : index
    %get3A_12 = arith.constant 0 : index
    %get3A_13 = arith.constant 0 : index
    %get3A_14 = vector.load %arg0[%get3A_11, %get3A_12, %get3A_13] : memref<2x10112x128xf32, #tpu.memory_space<vmem>>, vector<2x10112x128xf32>
    %slice3A_15 = vector.extract_strided_slice %get3A_14 {offsets = [0, 0, 0], sizes = [1, 10000, 128], strides = [1, 1, 1]} : vector<2x10112x128xf32> to vector<1x10000x128xf32>
    %squeeze3A_16 = vector.shape_cast %slice3A_15 : vector<1x10000x128xf32> to vector<10000x128xf32>
    %slice3A_17 = vector.extract_strided_slice %get3A_14 {offsets = [1, 0, 0], sizes = [1, 10000, 128], strides = [1, 1, 1]} : vector<2x10112x128xf32> to vector<1x10000x128xf32>
    %squeeze3A_18 = vector.shape_cast %slice3A_17 : vector<1x10000x128xf32> to vector<10000x128xf32>
    %add3A_19 = arith.addf %squeeze3A_16, %squeeze3A_18 : vector<10000x128xf32>
    %broadcast_in_dim3A = vector.shape_cast %div3A_10 : vector<10000xf32> to vector<10000x1xf32>
    %mul3A = vector.broadcast %broadcast_in_dim3A : vector<10000x1xf32> to vector<10000x128xf32>
    %mul3A_20 = arith.mulf %add3A_19, %mul3A : vector<10000x128xf32>
    %get3A_21 = arith.constant 0 : index
    %get3A_22 = arith.constant 0 : index
    %get3A_23 = vector.load %arg2[%get3A_21, %get3A_22] : memref<10000x128xf32, #tpu.memory_space<vmem>>, vector<10000x128xf32>
    %add3A_24 = arith.addf %mul3A_20, %get3A_23 : vector<10000x128xf32>
    %get3A_25 = arith.constant 0 : index
    %get3A_26 = arith.constant 0 : index
    %get3A_27 = vector.load %arg3[%get3A_25, %get3A_26] : memref<128x128xf32, #tpu.memory_space<vmem>>, vector<128x128xf32>
    %dot_general3A = arith.constant dense<0.000000e+00> : vector<10000x128xf32>
    %dot_general3A_28 = tpu.matmul %add3A_24, %get3A_27, %dot_general3A {dimension_numbers = #tpu.dot_dimension_numbers<[1], [0], [0], [1], [0, 0, 1, 1], [], []>, transpose_lhs_hint = false} : vector<10000x128xf32>, vector<128x128xf32>, vector<10000x128xf32> -> vector<10000x128xf32>
    %get3A_29 = arith.constant 0 : index
    %get3A_30 = vector.load %arg4[%get3A_29] : memref<128xf32, #tpu.memory_space<vmem>>, vector<128xf32>
    %broadcast_in_dim3A_31 = vector.shape_cast %get3A_30 : vector<128xf32> to vector<1x128xf32>
    %add3A_32 = vector.broadcast %broadcast_in_dim3A_31 : vector<1x128xf32> to vector<10000x128xf32>
    %add3A_33 = arith.addf %dot_general3A_28, %add3A_32 : vector<10000x128xf32>
    %reduce_sum3A = arith.constant dense<0.000000e+00> : vector<128xf32>
    %reduce_sum3A_34 = vector.multi_reduction <add>, %add3A_33, %reduce_sum3A [0] : vector<10000x128xf32> to vector<128xf32>
    %div3A_35 = arith.constant 1.000000e+04 : f32
    %div3A_36 = vector.broadcast %div3A_35 : f32 to vector<128xf32>
    %div3A_37 = arith.divf %reduce_sum3A_34, %div3A_36 : vector<128xf32>
    %broadcast_in_dim3A_38 = vector.shape_cast %div3A_37 : vector<128xf32> to vector<1x128xf32>
    %sub3A = vector.broadcast %broadcast_in_dim3A_38 : vector<1x128xf32> to vector<10000x128xf32>
    %sub3A_39 = arith.subf %add3A_33, %sub3A : vector<10000x128xf32>
    %square3A = arith.mulf %sub3A_39, %sub3A_39 : vector<10000x128xf32>
    %reduce_sum3A_40 = arith.constant dense<0.000000e+00> : vector<128xf32>
    %reduce_sum3A_41 = vector.multi_reduction <add>, %square3A, %reduce_sum3A_40 [0] : vector<10000x128xf32> to vector<128xf32>
    %div3A_42 = arith.constant 1.000000e+04 : f32
    %div3A_43 = vector.broadcast %div3A_42 : f32 to vector<128xf32>
    %div3A_44 = arith.divf %reduce_sum3A_41, %div3A_43 : vector<128xf32>
    %broadcast_in_dim3A_45 = vector.shape_cast %div3A_37 : vector<128xf32> to vector<1x128xf32>
    %sub3A_46 = vector.broadcast %broadcast_in_dim3A_45 : vector<1x128xf32> to vector<10000x128xf32>
    %sub3A_47 = arith.subf %add3A_33, %sub3A_46 : vector<10000x128xf32>
    %broadcast_in_dim3A_48 = vector.shape_cast %div3A_44 : vector<128xf32> to vector<1x128xf32>
    %add3A_49 = arith.constant 9.99999974E-6 : f32
    %add3A_50 = vector.broadcast %add3A_49 : f32 to vector<1x128xf32>
    %add3A_51 = arith.addf %broadcast_in_dim3A_48, %add3A_50 : vector<1x128xf32>
    %sqrt3A = math.sqrt %add3A_51 : vector<1x128xf32>
    %div3A_52 = vector.broadcast %sqrt3A : vector<1x128xf32> to vector<10000x128xf32>
    %div3A_53 = arith.divf %sub3A_47, %div3A_52 : vector<10000x128xf32>
    %get3A_54 = arith.constant 0 : index
    %get3A_55 = vector.load %arg5[%get3A_54] : memref<128xf32, #tpu.memory_space<vmem>>, vector<128xf32>
    %broadcast_in_dim3A_56 = vector.shape_cast %get3A_55 : vector<128xf32> to vector<1x128xf32>
    %mul3A_57 = vector.broadcast %broadcast_in_dim3A_56 : vector<1x128xf32> to vector<10000x128xf32>
    %mul3A_58 = arith.mulf %div3A_53, %mul3A_57 : vector<10000x128xf32>
    %get3A_59 = arith.constant 0 : index
    %get3A_60 = vector.load %arg6[%get3A_59] : memref<128xf32, #tpu.memory_space<vmem>>, vector<128xf32>
    %broadcast_in_dim3A_61 = vector.shape_cast %get3A_60 : vector<128xf32> to vector<1x128xf32>
    %add3A_62 = vector.broadcast %broadcast_in_dim3A_61 : vector<1x128xf32> to vector<10000x128xf32>
    %add3A_63 = arith.addf %mul3A_58, %add3A_62 : vector<10000x128xf32>
    %mul3A_64 = arith.constant 5.000000e-01 : f32
    %mul3A_65 = vector.broadcast %mul3A_64 : f32 to vector<10000x128xf32>
    %mul3A_66 = arith.mulf %mul3A_65, %add3A_63 : vector<10000x128xf32>
    %mul3A_67 = arith.constant 0.707106769 : f32
    %mul3A_68 = vector.broadcast %mul3A_67 : f32 to vector<10000x128xf32>
    %mul3A_69 = arith.mulf %add3A_63, %mul3A_68 : vector<10000x128xf32>
    %erf3A = math.erf %mul3A_69 : vector<10000x128xf32>
    %add3A_70 = arith.constant 1.000000e+00 : f32
    %add3A_71 = vector.broadcast %add3A_70 : f32 to vector<10000x128xf32>
    %add3A_72 = arith.addf %add3A_71, %erf3A : vector<10000x128xf32>
    %mul3A_73 = arith.mulf %mul3A_66, %add3A_72 : vector<10000x128xf32>
    %get3A_74 = arith.constant 0 : index
    %get3A_75 = arith.constant 0 : index
    %get3A_76 = vector.load %arg7[%get3A_74, %get3A_75] : memref<128x128xf32, #tpu.memory_space<vmem>>, vector<128x128xf32>
    %dot_general3A_77 = arith.constant dense<0.000000e+00> : vector<10000x128xf32>
    %dot_general3A_78 = tpu.matmul %mul3A_73, %get3A_76, %dot_general3A_77 {dimension_numbers = #tpu.dot_dimension_numbers<[1], [0], [0], [1], [0, 0, 1, 1], [], []>, transpose_lhs_hint = false} : vector<10000x128xf32>, vector<128x128xf32>, vector<10000x128xf32> -> vector<10000x128xf32>
    %get3A_79 = arith.constant 0 : index
    %get3A_80 = vector.load %arg8[%get3A_79] : memref<128xf32, #tpu.memory_space<vmem>>, vector<128xf32>
    %broadcast_in_dim3A_81 = vector.shape_cast %get3A_80 : vector<128xf32> to vector<1x128xf32>
    %add3A_82 = vector.broadcast %broadcast_in_dim3A_81 : vector<1x128xf32> to vector<10000x128xf32>
    %add3A_83 = arith.addf %dot_general3A_78, %add3A_82 : vector<10000x128xf32>
    %iota3A = tpu.iota {dimensions = array<i32: 1>} : vector<10000x128xi32>
    %lt3A = arith.constant 40 : i32
    %lt3A_84 = vector.broadcast %lt3A : i32 to vector<10000x128xi32>
    %lt3A_85 = arith.cmpi slt, %iota3A, %lt3A_84 : vector<10000x128xi32>
    %jit3A = arith.constant -1.000000e+30 : f32
    %broadcast_in_dim3A_86 = vector.broadcast %jit3A : f32 to vector<10000x128xf32>
    %select_n3A = arith.select %lt3A_85, %add3A_83, %broadcast_in_dim3A_86 : vector<10000x128xi1>, vector<10000x128xf32>
    %reduce_max3A = arith.constant dense<0xFF800000> : vector<10000xf32>
    %reduce_max3A_87 = vector.multi_reduction <maximumf>, %select_n3A, %reduce_max3A [1] : vector<10000x128xf32> to vector<10000xf32>
    %broadcast_in_dim3A_88 = vector.shape_cast %reduce_max3A_87 : vector<10000xf32> to vector<10000x1xf32>
    %sub3A_89 = vector.broadcast %broadcast_in_dim3A_88 : vector<10000x1xf32> to vector<10000x128xf32>
    %sub3A_90 = arith.subf %select_n3A, %sub3A_89 : vector<10000x128xf32>
    %exp3A = math.exp %sub3A_90 : vector<10000x128xf32>
    %reduce_sum3A_91 = arith.constant dense<0.000000e+00> : vector<10000xf32>
    %reduce_sum3A_92 = vector.multi_reduction <add>, %exp3A, %reduce_sum3A_91 [1] : vector<10000x128xf32> to vector<10000xf32>
    %broadcast_in_dim3A_93 = vector.shape_cast %reduce_sum3A_92 : vector<10000xf32> to vector<10000x1xf32>
    %log3A = math.log %broadcast_in_dim3A_93 : vector<10000x1xf32>
    %add3A_94 = arith.addf %broadcast_in_dim3A_88, %log3A : vector<10000x1xf32>
    %sub3A_95 = vector.broadcast %add3A_94 : vector<10000x1xf32> to vector<10000x128xf32>
    %sub3A_96 = arith.subf %select_n3A, %sub3A_95 : vector<10000x128xf32>
    %swap3A = arith.constant 0 : index
    %swap3A_97 = arith.constant 0 : index
    %swap3A_98 = vector.load %arg9[%swap3A, %swap3A_97] : memref<10000x128xf32, #tpu.memory_space<vmem>>, vector<10000x128xf32>
    tpu.vector_store %arg9[%swap3A, %swap3A_97], %sub3A_96 {strides = array<i32>} : memref<10000x128xf32, #tpu.memory_space<vmem>>, vector<10000x128xf32>,
    return
  }
}

</mosaic_0001>

<sc_bundles>
// kernel: kernel.12.cloned.1.call-start
scs
__scs_entry_jumppad:
0x0: {  	(pc) =	sbr.rel $0x88, $3  }
0x1: {  	(tag) =	ssettag $0x0;
	lr =	simm.s32 $0x1  }
0x2: {  	[smem:$0x3F91] =	sst lr;
	_ =	strace $0xD0000000  }
0x3: {  	_ = 	snop  }
0x4: {  	_ = 	snop  }
0x5: {  	_ = 	snop  }
0x6: {  	_ = 	snop  }
0x7: {  	_ = 	snop  }
__scs_overlays_trampoline_lowered:
0x8: {  	[smem:$0x3FA0] =	sst s0  }
0x9: {  	[smem:$0x3FA1] =	sst s1  }
0xa: {  	[smem:$0x3FA2] =	sst s2  }
0xb: {  	[smem:$0x3FA3] =	sst s3  }
0xc: {  	[smem:$0x3FA4] =	sst s4  }
0xd: {  	[smem:$0x3FA5] =	sst s5  }
0xe: {  	[smem:$0x3FA6] =	sst s6  }
0xf: {  	[smem:$0x3FA7] =	sst s7  }
0x10: {  	[smem:$0x3FA8] =	sst s8  }
0x11: {  	[smem:$0x3FA9] =	sst s9;
	s0 =	simm.s32 @!p0 $0x0  }
0x12: {  	s1 =	sld [smem:$0x3F8F];
	s0 =	simm.s32 @p0 $0x1  }
0x13: {  	[smem:$0x3FAA] =	sst s0;
	s0 =	simm.s32 @!p1 $0x0  }
0x14: {  	s2 =	sld [smem:$0x3F8E];
	s0 =	simm.s32 @p1 $0x1  }
0x15: {  	[smem:$0x3FAB] =	sst s0;
	s0 =	simm.s32 @!p2 $0x0  }
0x16: {  	s3 =	sld [smem:$0x3FDB];
	s0 =	simm.s32 @p2 $0x1  }
0x17: {  	s4 =	simm.s32 $0x1BF5;
	[smem:$0x3FAD] =	sst s0  }
0x18: {  	s0 =	sld [smem:$0x3F90];
	_ =	swait.ge [sflag:s4], $0x0  }
0x19: {  	s7 =	sld [smem:$0x3F91]  }
0x1a: {  	s8 =	sadd.s32 $0xFFFFE003, lr  }
0x1b: {  	s9 =	sadd.s32 $0xFFFFFEF7, lr;
	s5 =	simm.s32 $0xFFFFFFFF;
	p2 =	slt.u32 s8, $0xFFFFF086  }
0x1c: {  	p1 =	slt.u32 s9, $0xF7A;
	s5 =	simm.s32 @!p2 $0x0  }
0x1d: {  	s5 =	simm.s32 @p1 $0x1;
	p0 =	seq.s32 s7, s2  }
0x1e: {  	s7 =	smul.u32 @!p0 $0xF7A, s2;
	p2 =	seq.s32 @!p0 s5, $0x0  }
0x1f: {  	s9 =	smul.u32 $0xF7A, s1;
	s8 =	simm.s32 @!p0 $0x1BF5;
	p2 =	por !p2, p0  }
0x20: {  	[sflag:s8] =	ssyncset.s32 @!p0 $0xFFFFF086;
	s6 =	sadd.s32 @!p0 s3, s7;
	s7 =	simm.s32 @!p0 $0x108  }
0x21: {  	s3 =	sadd.s32 s3, s9;
	s6 =	sadd.s32 @!p0 $0x88, s6;
	s7 =	simm.s32 @p2 $0x1082  }
0x22: {  	[simem:s7], [sflag:s8] =	dma.local @!p0 [hbm:s6], $0xF7A  }
0x23: {  	s9 =	sor.u32 $0xD0000000, s2;
	s6 =	simm.s32 $0x108;
	_ =	swait.ge @!p0 [sflag:s8], $0x0  }
0x24: {  	s3 =	sadd.s32 $0x88, s3;
	s6 =	simm.s32 @!p1 $0x1082;
	[sflag:s4] =	ssyncset.s32 $0xFFFFF086  }
0x25: {  	[simem:s6], [sflag:s4] =	dma.local [hbm:s3], $0xF7A  }
0x26: {  	[smem:$0x3F91] =	sst s1;
	(tag) =	ssettag s2;
	_ =	strace s9  }
0x27: {  	s1 =	sld [smem:$0x3FA1]  }
0x28: {  	s2 =	sld [smem:$0x3FA2]  }
0x29: {  	s4 =	sld [smem:$0x3FA4]  }
0x2a: {  	p0 =	seq.s32 s5, $0x0;
	s5 =	sld [smem:$0x3FA5]  }
0x2b: {  	s6 =	sld [smem:$0x3FA6]  }
0x2c: {  	s7 =	sld [smem:$0x3FA7]  }
0x2d: {  	s3 =	simm.s32 $0x108;
	s8 =	sld [smem:$0x3FA8]  }
0x2e: {  	s3 =	simm.s32 @!p0 $0x1082;
	s9 =	sld [smem:$0x3FA9]  }
0x2f: {  	lr =	sadd.s32 s0, s3;
	s0 =	sld [smem:$0x3FA0]  }
0x30: {  	s3 =	sld [smem:$0x3FA3]  }
0x31: {  	[smem:$0x3FAC] =	sst s10  }
0x32: {  	s10 =	sld [smem:$0x3FAA];
	_ =	sdelay $0x3  }
0x33: {  	p0 =	seq.s32 s10, $0x1;
	s10 =	sld [smem:$0x3FAC];
	_ =	sdelay $0x3  }
0x34: {  	[smem:$0x3FAC] =	sst s10  }
0x35: {  	s10 =	sld [smem:$0x3FAB];
	_ =	sdelay $0x3  }
0x36: {  	p1 =	seq.s32 s10, $0x1;
	s10 =	sld [smem:$0x3FAC];
	_ =	sdelay $0x3  }
0x37: {  	[smem:$0x3FAC] =	sst s10  }
0x38: {  	s10 =	sld [smem:$0x3FAD]  }
0x39: {  	_ = 	snop;
	(pc) =	sbr.ind lr, $3  }
0x3a: {  	_ = 	snop  }
0x3b: {  	_ = 	snop  }
0x3c: {  	p2 =	seq.s32 s10, $0x1;
	s10 =	sld [smem:$0x3FAC]  }
0x3d: {  	_ =	shalt  }
0x3e: {  	_ =	shalt  }
0x3f: {  	_ =	shalt  }
0x40: {  	_ =	shalt  }
0x41: {  	_ =	shalt  }
0x42: {  	_ =	shalt  }
0x43: {  	_ =	shalt  }
0x44: {  	_ =	shalt  }
0x45: {  	_ =	shalt  }
0x46: {  	_ =	shalt  }
0x47: {  	_ =	shalt  }
0x48: {  	_ =	shalt  }
0x49: {  	_ =	shalt  }
0x4a: {  	_ =	shalt  }
0x4b: {  	_ =	shalt  }
0x4c: {  	_ =	shalt  }
0x4d: {  	_ =	shalt  }
0x4e: {  	_ =	shalt  }
0x4f: {  	_ =	shalt  }
0x50: {  	_ =	shalt  }
0x51: {  	_ =	shalt  }
0x52: {  	_ =	shalt  }
0x53: {  	_ =	shalt  }
0x54: {  	_ =	shalt  }
0x55: {  	_ =	shalt  }
0x56: {  	_ =	shalt  }
0x57: {  	_ =	shalt  }
0x58: {  	_ =	shalt  }
0x59: {  	_ =	shalt  }
0x5a: {  	_ =	shalt  }
0x5b: {  	_ =	shalt  }
0x5c: {  	_ =	shalt  }
0x5d: {  	_ =	shalt  }
0x5e: {  	_ =	shalt  }
0x5f: {  	_ =	shalt  }
0x60: {  	_ =	shalt  }
0x61: {  	_ =	shalt  }
0x62: {  	_ =	shalt  }
0x63: {  	_ =	shalt  }
0x64: {  	_ =	shalt  }
0x65: {  	_ =	shalt  }
0x66: {  	_ =	shalt  }
0x67: {  	_ =	shalt  }
0x68: {  	_ =	shalt  }
0x69: {  	_ =	shalt  }
0x6a: {  	_ =	shalt  }
0x6b: {  	_ =	shalt  }
0x6c: {  	_ =	shalt  }
0x6d: {  	_ =	shalt  }
0x6e: {  	_ =	shalt  }
0x6f: {  	_ =	shalt  }
0x70: {  	_ =	shalt  }
0x71: {  	_ =	shalt  }
0x72: {  	_ =	shalt  }
0x73: {  	_ =	shalt  }
0x74: {  	_ =	shalt  }
0x75: {  	_ =	shalt  }
0x76: {  	_ =	shalt  }
0x77: {  	_ =	shalt  }
0x78: {  	_ =	shalt  }
0x79: {  	_ =	shalt  }
0x7a: {  	_ =	shalt  }
0x7b: {  	_ =	shalt  }
0x7c: {  	_ =	shalt  }
0x7d: {  	_ =	shalt  }
0x7e: {  	_ =	shalt  }
0x7f: {  	_ =	shalt  }
0x80: {  	_ =	shalt  }
0x81: {  	_ =	shalt  }
0x82: {  	_ =	shalt  }
0x83: {  	_ =	shalt  }
0x84: {  	_ =	shalt  }
0x85: {  	_ =	shalt  }
0x86: {  	_ =	shalt  }
0x87: {  	_ =	shalt  }
.Lfunc_end0:
.L_simem_size_0:
called_computation.1_lowered:
.L_overlay_start_0:
0x88: {  	s2 =	sld [smem:$0x3FD9]  }
0x89: {  	s3 =	sld [smem:$0x3FFE];
	_ =	sdelay $0x1  }
0x8a: {  	s1 =	srdreg.scid  }
0x8b: {  	s0 =	sand.u32 $0x1, s1  }
0x8c: {  	s17 =	sshll.u32 s0, $0xA;
	s2 =	sadd.s32 s3, s2  }
0x8d: {  	s2 =	sadd.s32 s2, s17  }
0x8e: {  	[smem:$0x3FB8] =	sst s2  }
0x8f: {  	_ = 	snop  }
0x90: {  	s2 =	sld [smem:$0x3FC9]  }
0x91: {  	s18 =	sld [smem:$0x3FD0];
	(tm) =	ssettm $0x1  }
0x92: {  	s4 =	sld [smem:$0x3FFB];
	_ =	sdelay $0x3  }
0x93: {  	_ =	strace s4  }
0x94: {  	s4 =	sld [smem:$0x3FFC];
	_ =	sdelay $0x3  }
0x95: {  	_ =	strace s4  }
0x96: {  	s4 =	sld [smem:$0x3FFD];
	_ =	sdelay $0x3  }
0x97: {  	_ =	strace s4  }
0x98: {  	_ =	strace $0x8FFFFFFF  }
0x99: {  	s19 =	sld [smem:$0x3FDB];
	_ =	sdelay $0x1  }
0x9a: {  	s5 =	simm.s32 $_scs_section_size  }
0x9b: {  	s6 =	simm.s32 $_size__tile_overlayer_lowered;
	s7 =	simm.s32 $_tile_overlayer_lowered  }
0x9c: {  	s22 =	simm.s32 $0x1BFF;
	s21 =	sshll.u32 s7, $0x1;
	s4 =	sadd.s32 s5, s19  }
0x9d: {  	s8 =	simm.s32 $0x0;
	s20 =	sshll.u32 s6, $0x1;
	s6 =	sadd.s32 s21, s4  }
0x9e: {  	[timem:s8], [sflag:s22] =	dma.local [hbm:s6], s20  }
0x9f: {  	_ =	swait.ge [sflag:s22], s20  }
0xa0: {  	s5 =	ssub.s32 $0x0, s20;
	[sflag:s22] =	ssyncset.done $0x0  }
0xa1: {  	[sflag:s22] =	ssyncadd.s32 s5;
	_ =	sdelay $0x1  }
0xa2: {  	s23 =	simm.s32 $0x1B8B  }
0xa3: {  	_ =	swait.ge [sflag:s23], $0x1  }
0xa4: {  	[sflag:s23] =	ssyncset.done $0x0  }
0xa5: {  	s25 =	simm.s32 $0x1B8E;
	s24 =	sld [smem:$0x3FFE];
	[sflag:s23] =	ssyncadd.s32 $0xFFFFFFFF  }
0xa6: {  	s26 =	simm.s32 $execute0_lowered;
	[smem:$0x3FD2] =	sst s25  }
0xa7: {  	s6 =	sshll.u32 s26, $0x1;
	_ =	strace $0x80000046;
	[dreg:$0x1] =	wrdreg $0xFFFFFFFF  }
0xa8: {  	s28 =	simm.s32 $_size_execute0_lowered;
	s4 =	sadd.s32 s4, s6;
	[dreg:$0x0] =	wrdreg $0x0  }
0xa9: {  	s6 =	sshll.u32 s28, $0x1;
	[dreg:$0x2] =	wrdreg s4  }
0xaa: {  	[dreg:$0x3] =	wrdreg s6  }
0xab: {  	[dreg:$0x4] =	wrdreg $0xC0  }
0xac: {  	_ =	task [dreg:s8], $0x5FFFF  }
0xad: {  	[dreg:$0x1] =	wrdreg $0xFFFFFFFF  }
0xae: {  	[dreg:$0x0] =	wrdreg $0x60  }
0xaf: {  	[dreg:$0x2] =	wrdreg s2  }
0xb0: {  	[dreg:$0x3] =	wrdreg s18  }
0xb1: {  	[dreg:$0x4] =	wrdreg s24  }
0xb2: {  	[dreg:$0x5] =	wrdreg $0xA9000  }
0xb3: {  	[dreg:$0x6] =	wrdreg $0xA  }
0xb4: {  	_ =	task.clear_ibuf [dreg:s8], $0x7FFFF;
	_ =	strace $0x90000046  }
0xb5: {  	s29 =	simm.s32 $0xA;
	_ =	strace $0x80000048  }
0xb6: {  	_ =	swait.ge [sflag:s29], $0x1  }
0xb7: {  	[sflag:s29] =	ssyncadd.s32 $0xFFFFFFFF  }
0xb8: {  	_ =	strace $0x90000048  }
0xb9: {  	_ =	sfence  }
0xba: {  	s30 =	sld [smem:$0x0];
	_ =	sdelay $0x2  }
0xbb: {  	s31 =	sshll.u32 s1, $0xD;
	s1 =	sshrl.u32 s1, $0x2  }
0xbc: {  	s3 =	sand.u32 $0x4000, s31;
	s1 =	sadd.s32 s1, s30  }
0xbd: {  	s0 =	sor.u32 s3, s0;
	s1 =	sshll.u32 s1, $0x11  }
0xbe: {  	s0 =	sor.u32 s1, s0  }
0xbf: {  	s0 =	sadd.s32 $0x8F2B, s0  }
0xc0: {  	[sflag:s0] =	ssyncadd.remote.s32 $0x1  }
0xc1: {  	_ =	sfence.sel $0xFFFF  }
0xc2: {  	[dreg:$0x0] =	wrdreg $0xFFFFFFFF;
	(pc) =	sbr.abs _section_cstart, $3  }
0xc3: {  	[dreg:$0x1] =	wrdreg $0xFFFFFFFF  }
0xc4: {  	_ =	task.clear_ibuf [dreg:s8], $0x2FFFF;
	_ =	strace $0x9FFFFFFF  }
0xc5: {  	(tm) =	ssettm $0x7FFFFFFF  }
tec
execute0_lowered:
.L_overlay_start_1:
0x0: {  	(tag) =	ssettag $0x1  }
0x1: {  	s1 =	rddreg [dreg:$0x0]  }
0x2: {  	s8 =	rddreg [dreg:$0x1]  }
0x3: {  	s9 =	rddreg [dreg:$0x2]  }
0x4: {  	s2 =	rddreg [dreg:$0x3]  }
0x5: {  	s3 =	srdreg.scid;
	s4 =	simm.s32 $0x0;
	s16 =	simm.s32 $0x2800  }
0x6: {  	s17 =	simm.s32 $0x2880;
	s18 =	simm.s32 $0x80;
	s19 =	simm.s32 $0x2900  }
0x7: {  	s20 =	simm.s32 $0x6900;
	s21 =	simm.s32 $0x1;
	s7 =	sand.u32 $0x1, s3  }
0x8: {  	s22 =	simm.s32 $0x3;
	s3 =	stileid.u32;
	s6 =	smul.u32 $0x13C000, s7  }
0x9: {  	s23 =	simm.s32 $0x2;
	s24 =	simm.s32 $0x4;
	s10 =	smul.u32 $0x13C00, s3  }
0xa: {  	s25 =	simm.s32 $0x0;
	[smem:$0x7FF] =	sst s4;
	s11 =	smul.u32 $0x28000, s7  }
0xb: {  	s5 =	sadd.s32 $0x3600, s9;
	_ =	strace $0x80000047;
	s12 =	smul.u32 $0x2800, s3  }
0xc: {  	s13 =	ssub.s32 $0x2, s7;
	s26 =	smul.u32 $0x4F000, s3;
	s31 =	sshll.u32 s3, $0x6  }
0xd: {  	s14 =	sshrl.u32 s13, $0x1;
	s10 =	sadd.s32 s10, s6;
	s6 =	sadd.s32 $0xD600, s9  }
0xe: {  	s7 =	sadd.s32 s12, s11;
	s13 =	ssub.s32 s13, s14;
	s30 =	sshrl.u32 s26, $0x2  }
0xf: {  	s14 =	sor.u32 $0x1C05, s31;
	s10 =	sshrl.u32 s10, $0x3;
	s29 =	sshrl.u32 s7, $0x3  }
0x10: {  	s15 =	sadd.s32 s30, s2;
	s12 =	smax.u32 s13, $0x1;
	s13 =	simm.s32 $0x5  }
0x11: {  	s28 =	sadd.s32 s10, s9;
	s8 =	sadd.s32 s8, s29;
	s9 =	sadd.s32 s5, s29  }
0x12: {  	s15 =	sshrl.u32 s15, $0x3;
	s10 =	sadd.s32 $0x10, s9;
	s11 =	sadd.s32 $0xFE00, s28  }
.LBB2_1:
0x13: {  	[tilespmem:s4], [sflag:$0x5] =	stream.linear.gather [hbm4b:s8+s4], $0x2800, $0x38;
	[tilespmem:$0x1E500] =	vst v63  }
0x14: {  	_ =	swait.ge [sflag:s13], $0x2800  }
0x15: {  	[sflag:s13] =	ssyncset.done $0x0  }
0x16: {  	[sflag:s13] =	ssyncadd.s32 $0xFFFFD800  }
0x17: {  	[spmem:s15], [sflag:s14] =	dma.local [hbm:s6], $0x2780  }
0x18: {  	_ =	swait.ge [sflag:s13], $0x2780  }
0x19: {  	[sflag:s13] =	ssyncset.done $0x0  }
0x1a: {  	[sflag:s13] =	ssyncadd.s32 $0xFFFFD880  }
0x1b: {  	[bflag:$0x0] =	sbarrier.arrive $0xFFFF  }
0x1c: {  	[tilespmem:s16], [sflag:$0x3] =	stream.linear.gather [hbm4b:s9+s4], $0x80, $0x38;
	[tilespmem:$0x1E500] =	vst v63  }
0x1d: {  	_ = 	snop  }
0x1e: {  	[tilespmem:s17], [sflag:$0x4] =	stream.linear.gather [hbm4b:s10+s4], $0x80, $0x38;
	[tilespmem:$0x1E500] =	vst v63  }
0x1f: {  	_ = 	snop  }
0x20: {  	[tilespmem:s19], [sflag:$0x1] =	stream.indirect.gather [hbm4b:s1+s18], $0x80, s4, s18, $0xb8;
	[tilespmem:$0x1E500] =	vst v63  }
0x21: {  	_ = 	snop  }
0x22: {  	[tilespmem:s20], [sflag:$0x2] =	stream.indirect.gather [hbm4b:s1+s18], $0x80, s18, s18, $0xb8;
	[tilespmem:$0x1E500] =	vst v63  }
0x23: {  	_ =	swait.ge [sflag:s21], $0x4000  }
0x24: {  	[sflag:s21] =	ssyncset.done $0x0  }
0x25: {  	[sflag:s21] =	ssyncadd.s32 $0xFFFFC000  }
0x26: {  	s26 =	simm.s32 $0x100;
	_ =	swait.ge [sflag:s22], $0x80  }
0x27: {  	s28 =	sand.u32 $0x7C00, s26;
	[sflag:s22] =	ssyncset.done $0x0  }
0x28: {  	s26 =	sand.u32 $0x300, s26;
	s28 =	sadd.s32 s7, s28;
	[sflag:s22] =	ssyncadd.s32 $0xFFFFFF80  }
0x29: {  	[spmem:s2] =	stream.indirect.scatter.add.f32 [tilespmem:s19], [sflag:$0x5], $0x80, s16, s18, $0xb8;
	[tilespmem:$0x1E500] =	vst v63  }
0x2a: {  	s26 =	sor.u32 s26, s28;
	_ =	swait.ge [sflag:s13], $0x4000  }
0x2b: {  	s26 =	sshrl.u32 s26, $0x3;
	[sflag:s13] =	ssyncset.done $0x0  }
0x2c: {  	s26 =	sadd.s32 s5, s26;
	[sflag:s13] =	ssyncadd.s32 $0xFFFFC000  }
0x2d: {  	[tilespmem:s16], [sflag:$0x3] =	stream.linear.gather [hbm4b:s26+s4], $0x80, $0x38;
	[tilespmem:$0x1E500] =	vst v63  }
0x2e: {  	s30 =	simm.s32 $0x100  }
0x2f: {  	[tilespmem:s19], [sflag:$0x1] =	stream.indirect.gather [hbm4b:s1+s18], $0x80, s30, s18, $0xb8;
	[tilespmem:$0x1E500] =	vst v63  }
0x30: {  	_ =	swait.ge [sflag:s23], $0x4000  }
0x31: {  	[sflag:s23] =	ssyncset.done $0x0  }
0x32: {  	[sflag:s23] =	ssyncadd.s32 $0xFFFFC000  }
0x33: {  	s31 =	simm.s32 $0x180;
	_ =	swait.ge [sflag:s24], $0x80  }
0x34: {  	s28 =	sand.u32 $0x7C00, s31;
	[sflag:s24] =	ssyncset.done $0x0  }
0x35: {  	s28 =	sadd.s32 s7, s28;
	s26 =	sand.u32 $0x380, s31;
	[sflag:s24] =	ssyncadd.s32 $0xFFFFFF80  }
0x36: {  	[spmem:s2] =	stream.indirect.scatter.add.f32 [tilespmem:s20], [sflag:$0x5], $0x80, s17, s18, $0xb8;
	[tilespmem:$0x1E500] =	vst v63  }
0x37: {  	s26 =	sor.u32 s26, s28;
	_ =	swait.ge [sflag:s13], $0x4000  }
0x38: {  	s26 =	sshrl.u32 s26, $0x3;
	[sflag:s13] =	ssyncset.done $0x0  }
0x39: {  	s26 =	sadd.s32 s5, s26;
	[sflag:s13] =	ssyncadd.s32 $0xFFFFC000  }
0x3a: {  	[tilespmem:s17], [sflag:$0x4] =	stream.linear.gather [hbm4b:s26+s4], $0x80, $0x38;
	[tilespmem:$0x1E500] =	vst v63  }
0x3b: {  	s29 =	simm.s32 $0x200;
	s28 =	simm.s32 $0x180;
	s26 =	simm.s32 $0x280  }
.LBB2_2:
0x3c: {  	s30 =	sadd.s32 $0x80, s29  }
0x3d: {  	p0 =	sne.s32 s26, $0x2780;
	s31 =	smov.u32 s26;
	s26 =	sadd.s32 $0x100, s26  }
0x3e: {  	[tilespmem:s20], [sflag:$0x2] =	stream.indirect.gather [hbm4b:s1+s18], $0x80, s28, s18, $0xb8;
	[tilespmem:$0x1E500] =	vst v63  }
0x3f: {  	s28 =	smov.u32 s30;
	_ =	swait.ge [sflag:s21], $0x4000  }
0x40: {  	[sflag:s21] =	ssyncset.done $0x0  }
0x41: {  	[sflag:s21] =	ssyncadd.s32 $0xFFFFC000  }
0x42: {  	_ =	swait.ge [sflag:s22], $0x80  }
0x43: {  	s30 =	sadd.s32 $0xFFFFFF80, s31;
	[sflag:s22] =	ssyncset.done $0x0  }
0x44: {  	s0 =	sand.u32 $0x7C00, s30;
	s30 =	sand.u32 $0x300, s30;
	[sflag:s22] =	ssyncadd.s32 $0xFFFFFF80  }
0x45: {  	[spmem:s2] =	stream.indirect.scatter.add.f32 [tilespmem:s19], [sflag:$0x5], $0x80, s16, s18, $0xb8;
	[tilespmem:$0x1E500] =	vst v63  }
0x46: {  	s0 =	sadd.s32 s7, s0;
	_ =	swait.ge [sflag:s13], $0x4000  }
0x47: {  	s0 =	sor.u32 s30, s0;
	[sflag:s13] =	ssyncset.done $0x0  }
0x48: {  	s0 =	sshrl.u32 s0, $0x3;
	[sflag:s13] =	ssyncadd.s32 $0xFFFFC000  }
0x49: {  	s0 =	sadd.s32 s5, s0  }
0x4a: {  	[tilespmem:s16], [sflag:$0x3] =	stream.linear.gather [hbm4b:s0+s4], $0x80, $0x38;
	[tilespmem:$0x1E500] =	vst v63  }
0x4b: {  	_ = 	snop  }
0x4c: {  	[tilespmem:s19], [sflag:$0x1] =	stream.indirect.gather [hbm4b:s1+s18], $0x80, s29, s18, $0xb8;
	[tilespmem:$0x1E500] =	vst v63  }
0x4d: {  	_ =	swait.ge [sflag:s23], $0x4000  }
0x4e: {  	[sflag:s23] =	ssyncset.done $0x0  }
0x4f: {  	[sflag:s23] =	ssyncadd.s32 $0xFFFFC000  }
0x50: {  	_ =	swait.ge [sflag:s24], $0x80  }
0x51: {  	s0 =	sand.u32 $0x7C00, s31;
	[sflag:s24] =	ssyncset.done $0x0  }
0x52: {  	s30 =	sand.u32 $0x380, s31;
	s0 =	sadd.s32 s7, s0;
	[sflag:s24] =	ssyncadd.s32 $0xFFFFFF80  }
0x53: {  	[spmem:s2] =	stream.indirect.scatter.add.f32 [tilespmem:s20], [sflag:$0x5], $0x80, s17, s18, $0xb8;
	[tilespmem:$0x1E500] =	vst v63  }
.Ltmp0:
0x54: {  	_ = 	snop;
	(pc) =	sbr.rel @p0 .LBB2_2-.Ltmp0, $4  }
0x55: {  	s0 =	sor.u32 s30, s0;
	_ =	swait.ge [sflag:s13], $0x4000  }
0x56: {  	s0 =	sshrl.u32 s0, $0x3;
	[sflag:s13] =	ssyncset.done $0x0  }
0x57: {  	s29 =	sadd.s32 $0x100, s29;
	s0 =	sadd.s32 s5, s0;
	[sflag:s13] =	ssyncadd.s32 $0xFFFFC000  }
0x58: {  	[tilespmem:s17], [sflag:$0x4] =	stream.linear.gather [hbm4b:s0+s4], $0x80, $0x38;
	[tilespmem:$0x1E500] =	vst v63  }
0x59: {  	[tilespmem:s20], [sflag:$0x2] =	stream.indirect.gather [hbm4b:s1+s18], $0x80, s28, s18, $0xb8;
	[tilespmem:$0x1E500] =	vst v63  }
0x5a: {  	_ =	swait.ge [sflag:s21], $0x4000  }
0x5b: {  	[sflag:s21] =	ssyncset.done $0x0  }
0x5c: {  	[sflag:s21] =	ssyncadd.s32 $0xFFFFC000  }
0x5d: {  	_ =	swait.ge [sflag:s22], $0x80  }
0x5e: {  	[sflag:s22] =	ssyncset.done $0x0  }
0x5f: {  	[sflag:s22] =	ssyncadd.s32 $0xFFFFFF80  }
0x60: {  	[spmem:s2] =	stream.indirect.scatter.add.f32 [tilespmem:s19], [sflag:$0x5], $0x80, s16, s18, $0xb8;
	[tilespmem:$0x1E500] =	vst v63  }
0x61: {  	_ =	swait.ge [sflag:s13], $0x4000  }
0x62: {  	[sflag:s13] =	ssyncset.done $0x0  }
0x63: {  	[sflag:s13] =	ssyncadd.s32 $0xFFFFC000  }
0x64: {  	_ =	swait.ge [sflag:s23], $0x4000  }
0x65: {  	[sflag:s23] =	ssyncset.done $0x0  }
0x66: {  	[sflag:s23] =	ssyncadd.s32 $0xFFFFC000  }
0x67: {  	_ =	swait.ge [sflag:s24], $0x80  }
0x68: {  	[sflag:s24] =	ssyncset.done $0x0  }
0x69: {  	[sflag:s24] =	ssyncadd.s32 $0xFFFFFF80  }
0x6a: {  	[spmem:s2] =	stream.indirect.scatter.add.f32 [tilespmem:s20], [sflag:$0x5], $0x80, s17, s18, $0xb8;
	[tilespmem:$0x1E500] =	vst v63  }
0x6b: {  	_ =	swait.ge [sflag:s13], $0x4000  }
0x6c: {  	s25 =	sadd.s32 $0x1, s25;
	[sflag:s13] =	ssyncset.done $0x0  }
0x6d: {  	p0 =	sne.s32 s25, s12;
	[sflag:s13] =	ssyncadd.s32 $0xFFFFC000  }
.Ltmp1:
0x6e: {  	[bflag:$0x0] =	sbarrier.arrive $0xFFFF;
	(pc) =	sbr.rel @p0 .LBB2_1-.Ltmp1, $4  }
0x6f: {  	[hbm:s11], [sflag:s14] =	dma.local [spmem:s15], $0x2780  }
0x70: {  	_ =	swait.ge [sflag:s13], $0x2780  }
0x71: {  	[sflag:s13] =	ssyncset.done $0x0  }
0x72: {  	[sflag:s13] =	ssyncadd.s32 $0xFFFFD880  }
0x73: {  	_ =	sfence.sel $0x180000  }
0x74: {  	[bflag:$0x0] =	sbarrier.arrive $0xFFFF  }
0x75: {  	_ =	strace $0x90000047  }
0x76: {  	[bflag:$0x2] =	sbarrier.arrive $0xFFFF  }
0x77: {  	p0 =	sne.s32 s3, $0x0;
	s0 =	rddreg [dreg:$0x4]  }
0x78: {  	s0 =	sadd.s32 @!p0 $0x100000, s0  }
0x79: {  	[sflag:s0] =	ssyncadd.tile.s32 @!p0 $0x1;
	_ =	shalt  }
.Lfunc_end2:
_tile_overlayer_lowered:
.L_overlay_start_2:
0x7a: {  	(tag) =	ssettag $0x2  }
0x7b: {  	s0 =	rddreg [dreg:$0x0];
	s2 =	stileid.u32  }
0x7c: {  	s1 =	rddreg [dreg:$0x1];
	p0 =	sne.s32 s2, $0x0  }
0x7d: {  	s3 =	rddreg [dreg:$0x2];
	[bflag:$0x3] =	sbarrier.arrive $0xFFFF;
	s2 =	simm.s32 @!p0 $0x1C05  }
0x7e: {  	[timem:s3], [sflag:s2] =	dma.local @!p0 [hbm:s0], s1  }
0x7f: {  	s0 =	simm.s32 @!p0 $0x5  }
0x80: {  	_ =	swait.ge @!p0 [sflag:s0], s1  }
0x81: {  	s1 =	ssub.s32 @!p0 $0x0, s1;
	[sflag:s0] =	ssyncset.done @!p0 $0x0  }
0x82: {  	[sflag:s0] =	ssyncadd.s32 @!p0 s1  }
0x83: {  	[bflag:$0x3] =	sbarrier.arrive $0xFFFF  }
0x84: {  	_ =	shalt  }

// kernel: kernel.15.cloned.1.call-start
scs
__scs_entry_jumppad:
0x0: {  	(pc) =	sbr.rel $0x88, $3  }
0x1: {  	(tag) =	ssettag $0x0;
	lr =	simm.s32 $0x1  }
0x2: {  	[smem:$0x3F91] =	sst lr;
	_ =	strace $0xD0000000  }
0x3: {  	_ = 	snop  }
0x4: {  	_ = 	snop  }
0x5: {  	_ = 	snop  }
0x6: {  	_ = 	snop  }
0x7: {  	_ = 	snop  }
__scs_overlays_trampoline_lowered:
0x8: {  	[smem:$0x3FA0] =	sst s0  }
0x9: {  	[smem:$0x3FA1] =	sst s1  }
0xa: {  	[smem:$0x3FA2] =	sst s2  }
0xb: {  	[smem:$0x3FA3] =	sst s3  }
0xc: {  	[smem:$0x3FA4] =	sst s4  }
0xd: {  	[smem:$0x3FA5] =	sst s5  }
0xe: {  	[smem:$0x3FA6] =	sst s6  }
0xf: {  	[smem:$0x3FA7] =	sst s7  }
0x10: {  	[smem:$0x3FA8] =	sst s8  }
0x11: {  	[smem:$0x3FA9] =	sst s9;
	s0 =	simm.s32 @!p0 $0x0  }
0x12: {  	s1 =	sld [smem:$0x3F8F];
	s0 =	simm.s32 @p0 $0x1  }
0x13: {  	[smem:$0x3FAA] =	sst s0;
	s0 =	simm.s32 @!p1 $0x0  }
0x14: {  	s2 =	sld [smem:$0x3F8E];
	s0 =	simm.s32 @p1 $0x1  }
0x15: {  	[smem:$0x3FAB] =	sst s0;
	s0 =	simm.s32 @!p2 $0x0  }
0x16: {  	s3 =	sld [smem:$0x3FDB];
	s0 =	simm.s32 @p2 $0x1  }
0x17: {  	s4 =	simm.s32 $0x1BF5;
	[smem:$0x3FAD] =	sst s0  }
0x18: {  	s0 =	sld [smem:$0x3F90];
	_ =	swait.ge [sflag:s4], $0x0  }
0x19: {  	s7 =	sld [smem:$0x3F91]  }
0x1a: {  	s8 =	sadd.s32 $0xFFFFE003, lr  }
0x1b: {  	s9 =	sadd.s32 $0xFFFFFEF7, lr;
	s5 =	simm.s32 $0xFFFFFFFF;
	p2 =	slt.u32 s8, $0xFFFFF086  }
0x1c: {  	p1 =	slt.u32 s9, $0xF7A;
	s5 =	simm.s32 @!p2 $0x0  }
0x1d: {  	s5 =	simm.s32 @p1 $0x1;
	p0 =	seq.s32 s7, s2  }
0x1e: {  	s7 =	smul.u32 @!p0 $0xF7A, s2;
	p2 =	seq.s32 @!p0 s5, $0x0  }
0x1f: {  	s9 =	smul.u32 $0xF7A, s1;
	s8 =	simm.s32 @!p0 $0x1BF5;
	p2 =	por !p2, p0  }
0x20: {  	[sflag:s8] =	ssyncset.s32 @!p0 $0xFFFFF086;
	s6 =	sadd.s32 @!p0 s3, s7;
	s7 =	simm.s32 @!p0 $0x108  }
0x21: {  	s3 =	sadd.s32 s3, s9;
	s6 =	sadd.s32 @!p0 $0x88, s6;
	s7 =	simm.s32 @p2 $0x1082  }
0x22: {  	[simem:s7], [sflag:s8] =	dma.local @!p0 [hbm:s6], $0xF7A  }
0x23: {  	s9 =	sor.u32 $0xD0000000, s2;
	s6 =	simm.s32 $0x108;
	_ =	swait.ge @!p0 [sflag:s8], $0x0  }
0x24: {  	s3 =	sadd.s32 $0x88, s3;
	s6 =	simm.s32 @!p1 $0x1082;
	[sflag:s4] =	ssyncset.s32 $0xFFFFF086  }
0x25: {  	[simem:s6], [sflag:s4] =	dma.local [hbm:s3], $0xF7A  }
0x26: {  	[smem:$0x3F91] =	sst s1;
	(tag) =	ssettag s2;
	_ =	strace s9  }
0x27: {  	s1 =	sld [smem:$0x3FA1]  }
0x28: {  	s2 =	sld [smem:$0x3FA2]  }
0x29: {  	s4 =	sld [smem:$0x3FA4]  }
0x2a: {  	p0 =	seq.s32 s5, $0x0;
	s5 =	sld [smem:$0x3FA5]  }
0x2b: {  	s6 =	sld [smem:$0x3FA6]  }
0x2c: {  	s7 =	sld [smem:$0x3FA7]  }
0x2d: {  	s3 =	simm.s32 $0x108;
	s8 =	sld [smem:$0x3FA8]  }
0x2e: {  	s3 =	simm.s32 @!p0 $0x1082;
	s9 =	sld [smem:$0x3FA9]  }
0x2f: {  	lr =	sadd.s32 s0, s3;
	s0 =	sld [smem:$0x3FA0]  }
0x30: {  	s3 =	sld [smem:$0x3FA3]  }
0x31: {  	[smem:$0x3FAC] =	sst s10  }
0x32: {  	s10 =	sld [smem:$0x3FAA];
	_ =	sdelay $0x3  }
0x33: {  	p0 =	seq.s32 s10, $0x1;
	s10 =	sld [smem:$0x3FAC];
	_ =	sdelay $0x3  }
0x34: {  	[smem:$0x3FAC] =	sst s10  }
0x35: {  	s10 =	sld [smem:$0x3FAB];
	_ =	sdelay $0x3  }
0x36: {  	p1 =	seq.s32 s10, $0x1;
	s10 =	sld [smem:$0x3FAC];
	_ =	sdelay $0x3  }
0x37: {  	[smem:$0x3FAC] =	sst s10  }
0x38: {  	s10 =	sld [smem:$0x3FAD]  }
0x39: {  	_ = 	snop;
	(pc) =	sbr.ind lr, $3  }
0x3a: {  	_ = 	snop  }
0x3b: {  	_ = 	snop  }
0x3c: {  	p2 =	seq.s32 s10, $0x1;
	s10 =	sld [smem:$0x3FAC]  }
0x3d: {  	_ =	shalt  }
0x3e: {  	_ =	shalt  }
0x3f: {  	_ =	shalt  }
0x40: {  	_ =	shalt  }
0x41: {  	_ =	shalt  }
0x42: {  	_ =	shalt  }
0x43: {  	_ =	shalt  }
0x44: {  	_ =	shalt  }
0x45: {  	_ =	shalt  }
0x46: {  	_ =	shalt  }
0x47: {  	_ =	shalt  }
0x48: {  	_ =	shalt  }
0x49: {  	_ =	shalt  }
0x4a: {  	_ =	shalt  }
0x4b: {  	_ =	shalt  }
0x4c: {  	_ =	shalt  }
0x4d: {  	_ =	shalt  }
0x4e: {  	_ =	shalt  }
0x4f: {  	_ =	shalt  }
0x50: {  	_ =	shalt  }
0x51: {  	_ =	shalt  }
0x52: {  	_ =	shalt  }
0x53: {  	_ =	shalt  }
0x54: {  	_ =	shalt  }
0x55: {  	_ =	shalt  }
0x56: {  	_ =	shalt  }
0x57: {  	_ =	shalt  }
0x58: {  	_ =	shalt  }
0x59: {  	_ =	shalt  }
0x5a: {  	_ =	shalt  }
0x5b: {  	_ =	shalt  }
0x5c: {  	_ =	shalt  }
0x5d: {  	_ =	shalt  }
0x5e: {  	_ =	shalt  }
0x5f: {  	_ =	shalt  }
0x60: {  	_ =	shalt  }
0x61: {  	_ =	shalt  }
0x62: {  	_ =	shalt  }
0x63: {  	_ =	shalt  }
0x64: {  	_ =	shalt  }
0x65: {  	_ =	shalt  }
0x66: {  	_ =	shalt  }
0x67: {  	_ =	shalt  }
0x68: {  	_ =	shalt  }
0x69: {  	_ =	shalt  }
0x6a: {  	_ =	shalt  }
0x6b: {  	_ =	shalt  }
0x6c: {  	_ =	shalt  }
0x6d: {  	_ =	shalt  }
0x6e: {  	_ =	shalt  }
0x6f: {  	_ =	shalt  }
0x70: {  	_ =	shalt  }
0x71: {  	_ =	shalt  }
0x72: {  	_ =	shalt  }
0x73: {  	_ =	shalt  }
0x74: {  	_ =	shalt  }
0x75: {  	_ =	shalt  }
0x76: {  	_ =	shalt  }
0x77: {  	_ =	shalt  }
0x78: {  	_ =	shalt  }
0x79: {  	_ =	shalt  }
0x7a: {  	_ =	shalt  }
0x7b: {  	_ =	shalt  }
0x7c: {  	_ =	shalt  }
0x7d: {  	_ =	shalt  }
0x7e: {  	_ =	shalt  }
0x7f: {  	_ =	shalt  }
0x80: {  	_ =	shalt  }
0x81: {  	_ =	shalt  }
0x82: {  	_ =	shalt  }
0x83: {  	_ =	shalt  }
0x84: {  	_ =	shalt  }
0x85: {  	_ =	shalt  }
0x86: {  	_ =	shalt  }
0x87: {  	_ =	shalt  }
.Lfunc_end0:
.L_simem_size_0:
called_computation.2_lowered:
.L_overlay_start_0:
0x88: {  	s2 =	sld [smem:$0x3FD9]  }
0x89: {  	s3 =	sld [smem:$0x3FFE];
	_ =	sdelay $0x1  }
0x8a: {  	s1 =	srdreg.scid  }
0x8b: {  	s0 =	sand.u32 $0x1, s1  }
0x8c: {  	s17 =	sshll.u32 s0, $0xA;
	s2 =	sadd.s32 s3, s2  }
0x8d: {  	s2 =	sadd.s32 s2, s17  }
0x8e: {  	[smem:$0x3FB8] =	sst s2  }
0x8f: {  	_ = 	snop  }
0x90: {  	s2 =	sld [smem:$0x3FD0];
	(tm) =	ssettm $0x1  }
0x91: {  	s18 =	sld [smem:$0x3FFB];
	_ =	sdelay $0x3  }
0x92: {  	_ =	strace s18  }
0x93: {  	s3 =	sld [smem:$0x3FFC];
	_ =	sdelay $0x3  }
0x94: {  	_ =	strace s3  }
0x95: {  	s3 =	sld [smem:$0x3FFD];
	_ =	sdelay $0x3  }
0x96: {  	_ =	strace s3  }
0x97: {  	_ =	strace $0x8FFFFFFF  }
0x98: {  	s19 =	sld [smem:$0x3FDB];
	_ =	sdelay $0x1  }
0x99: {  	s4 =	simm.s32 $_scs_section_size  }
0x9a: {  	s5 =	simm.s32 $_size__tile_overlayer_lowered;
	s6 =	simm.s32 $_tile_overlayer_lowered  }
0x9b: {  	s22 =	simm.s32 $0x1BFF;
	s21 =	sshll.u32 s6, $0x1;
	s3 =	sadd.s32 s4, s19  }
0x9c: {  	s7 =	simm.s32 $0x0;
	s20 =	sshll.u32 s5, $0x1;
	s5 =	sadd.s32 s21, s3  }
0x9d: {  	[timem:s7], [sflag:s22] =	dma.local [hbm:s5], s20  }
0x9e: {  	_ =	swait.ge [sflag:s22], s20  }
0x9f: {  	s4 =	ssub.s32 $0x0, s20;
	[sflag:s22] =	ssyncset.done $0x0  }
0xa0: {  	[sflag:s22] =	ssyncadd.s32 s4;
	_ =	sdelay $0x1  }
0xa1: {  	s23 =	simm.s32 $0x1B8B  }
0xa2: {  	_ =	swait.ge [sflag:s23], $0x1  }
0xa3: {  	[sflag:s23] =	ssyncset.done $0x0  }
0xa4: {  	s25 =	simm.s32 $0x1B8E;
	s24 =	sld [smem:$0x3FFE];
	[sflag:s23] =	ssyncadd.s32 $0xFFFFFFFF  }
0xa5: {  	s26 =	simm.s32 $execute0_lowered;
	[smem:$0x3FD2] =	sst s25  }
0xa6: {  	s5 =	sshll.u32 s26, $0x1;
	_ =	strace $0x8000004C;
	[dreg:$0x1] =	wrdreg $0xFFFFFFFF  }
0xa7: {  	s28 =	simm.s32 $_size_execute0_lowered;
	s3 =	sadd.s32 s3, s5;
	[dreg:$0x0] =	wrdreg $0x0  }
0xa8: {  	s5 =	sshll.u32 s28, $0x1;
	[dreg:$0x2] =	wrdreg s3  }
0xa9: {  	[dreg:$0x3] =	wrdreg s5  }
0xaa: {  	[dreg:$0x4] =	wrdreg $0xC0  }
0xab: {  	_ =	task [dreg:s7], $0x5FFFF  }
0xac: {  	[dreg:$0x1] =	wrdreg $0xFFFFFFFF  }
0xad: {  	[dreg:$0x0] =	wrdreg $0x60  }
0xae: {  	[dreg:$0x2] =	wrdreg s24  }
0xaf: {  	[dreg:$0x3] =	wrdreg s2  }
0xb0: {  	[dreg:$0x4] =	wrdreg $0xA9000  }
0xb1: {  	[dreg:$0x5] =	wrdreg $0x9  }
0xb2: {  	_ =	task.clear_ibuf [dreg:s7], $0x6FFFF;
	_ =	strace $0x9000004C  }
0xb3: {  	s29 =	simm.s32 $0x9;
	_ =	strace $0x8000004E  }
0xb4: {  	_ =	swait.ge [sflag:s29], $0x1  }
0xb5: {  	[sflag:s29] =	ssyncadd.s32 $0xFFFFFFFF  }
0xb6: {  	_ =	strace $0x9000004E  }
0xb7: {  	_ =	sfence  }
0xb8: {  	s30 =	sld [smem:$0x0];
	_ =	sdelay $0x2  }
0xb9: {  	s31 =	sshll.u32 s1, $0xD;
	s1 =	sshrl.u32 s1, $0x2  }
0xba: {  	s3 =	sand.u32 $0x4000, s31;
	s1 =	sadd.s32 s1, s30  }
0xbb: {  	s0 =	sor.u32 s3, s0;
	s1 =	sshll.u32 s1, $0x11  }
0xbc: {  	s0 =	sor.u32 s1, s0  }
0xbd: {  	s0 =	sadd.s32 $0x8F2B, s0  }
0xbe: {  	[sflag:s0] =	ssyncadd.remote.s32 $0x1  }
0xbf: {  	_ =	sfence.sel $0xFFFF  }
0xc0: {  	[dreg:$0x0] =	wrdreg $0xFFFFFFFF;
	(pc) =	sbr.abs _section_cstart, $3  }
0xc1: {  	[dreg:$0x1] =	wrdreg $0xFFFFFFFF  }
0xc2: {  	_ =	task.clear_ibuf [dreg:s7], $0x2FFFF;
	_ =	strace $0x9FFFFFFF  }
0xc3: {  	(tm) =	ssettm $0x7FFFFFFF  }
tec
execute0_lowered:
.L_overlay_start_1:
0x0: {  	(tag) =	ssettag $0x1  }
0x1: {  	s8 =	rddreg [dreg:$0x0]  }
0x2: {  	s9 =	rddreg [dreg:$0x1]  }
0x3: {  	s1 =	rddreg [dreg:$0x2];
	s2 =	srdreg.scid  }
0x4: {  	s3 =	simm.s32 $0x0;
	s16 =	simm.s32 $0x2800;
	s17 =	simm.s32 $0x2880  }
0x5: {  	s18 =	simm.s32 $0x80;
	s19 =	simm.s32 $0x2900;
	s20 =	simm.s32 $0x6900  }
0x6: {  	s21 =	simm.s32 $0x1;
	s22 =	simm.s32 $0x3;
	s7 =	sand.u32 $0x1, s2  }
0x7: {  	s23 =	simm.s32 $0x2;
	s2 =	stileid.u32;
	s6 =	smul.u32 $0x13C000, s7  }
0x8: {  	s24 =	simm.s32 $0x4;
	s25 =	simm.s32 $0x0;
	s10 =	smul.u32 $0x13C00, s2  }
0x9: {  	[smem:$0x7FF] =	sst s3;
	s4 =	sadd.s32 $0xFE00, s8;
	s11 =	smul.u32 $0x28000, s7  }
0xa: {  	s5 =	sadd.s32 $0x3600, s8;
	_ =	strace $0x8000004D;
	s12 =	smul.u32 $0x2800, s2  }
0xb: {  	s13 =	ssub.s32 $0x2, s7;
	s28 =	smul.u32 $0x4F000, s2;
	s31 =	sshll.u32 s2, $0x6  }
0xc: {  	s14 =	sshrl.u32 s13, $0x1;
	s10 =	sadd.s32 s10, s6;
	s6 =	sadd.s32 $0xD600, s8  }
0xd: {  	s7 =	sadd.s32 s12, s11;
	s13 =	ssub.s32 s13, s14;
	s11 =	sshrl.u32 s28, $0x2  }
0xe: {  	s14 =	sor.u32 $0x1C05, s31;
	s10 =	sshrl.u32 s10, $0x3;
	s30 =	sshrl.u32 s7, $0x3  }
0xf: {  	s15 =	sadd.s32 s11, s1;
	s12 =	smax.u32 s13, $0x1;
	s13 =	simm.s32 $0x5  }
0x10: {  	s29 =	sadd.s32 s10, s8;
	s8 =	sadd.s32 s9, s30;
	s9 =	sadd.s32 s5, s30  }
0x11: {  	s15 =	sshrl.u32 s15, $0x3;
	s10 =	sadd.s32 $0x10, s9;
	s11 =	sadd.s32 $0xAE600, s29  }
.LBB2_1:
0x12: {  	[tilespmem:s3], [sflag:$0x5] =	stream.linear.gather [hbm4b:s8+s3], $0x2800, $0x38;
	[tilespmem:$0x1E500] =	vst v63  }
0x13: {  	_ =	swait.ge [sflag:s13], $0x2800  }
0x14: {  	[sflag:s13] =	ssyncset.done $0x0  }
0x15: {  	[sflag:s13] =	ssyncadd.s32 $0xFFFFD800  }
0x16: {  	[spmem:s15], [sflag:s14] =	dma.local [hbm:s6], $0x2780  }
0x17: {  	_ =	swait.ge [sflag:s13], $0x2780  }
0x18: {  	[sflag:s13] =	ssyncset.done $0x0  }
0x19: {  	[sflag:s13] =	ssyncadd.s32 $0xFFFFD880  }
0x1a: {  	[bflag:$0x0] =	sbarrier.arrive $0xFFFF  }
0x1b: {  	[tilespmem:s16], [sflag:$0x3] =	stream.linear.gather [hbm4b:s9+s3], $0x80, $0x38;
	[tilespmem:$0x1E500] =	vst v63  }
0x1c: {  	_ = 	snop  }
0x1d: {  	[tilespmem:s17], [sflag:$0x4] =	stream.linear.gather [hbm4b:s10+s3], $0x80, $0x38;
	[tilespmem:$0x1E500] =	vst v63  }
0x1e: {  	_ = 	snop  }
0x1f: {  	[tilespmem:s19], [sflag:$0x1] =	stream.indirect.gather [hbm4b:s4+s18], $0x80, s3, s18, $0xb8;
	[tilespmem:$0x1E500] =	vst v63  }
0x20: {  	_ = 	snop  }
0x21: {  	[tilespmem:s20], [sflag:$0x2] =	stream.indirect.gather [hbm4b:s4+s18], $0x80, s18, s18, $0xb8;
	[tilespmem:$0x1E500] =	vst v63  }
0x22: {  	_ =	swait.ge [sflag:s21], $0x4000  }
0x23: {  	[sflag:s21] =	ssyncset.done $0x0  }
0x24: {  	[sflag:s21] =	ssyncadd.s32 $0xFFFFC000  }
0x25: {  	s26 =	simm.s32 $0x100;
	_ =	swait.ge [sflag:s22], $0x80  }
0x26: {  	s28 =	sand.u32 $0x7C00, s26;
	[sflag:s22] =	ssyncset.done $0x0  }
0x27: {  	s26 =	sand.u32 $0x300, s26;
	s28 =	sadd.s32 s7, s28;
	[sflag:s22] =	ssyncadd.s32 $0xFFFFFF80  }
0x28: {  	[spmem:s1] =	stream.indirect.scatter.add.f32 [tilespmem:s19], [sflag:$0x5], $0x80, s16, s18, $0xb8;
	[tilespmem:$0x1E500] =	vst v63  }
0x29: {  	s26 =	sor.u32 s26, s28;
	_ =	swait.ge [sflag:s13], $0x4000  }
0x2a: {  	s26 =	sshrl.u32 s26, $0x3;
	[sflag:s13] =	ssyncset.done $0x0  }
0x2b: {  	s26 =	sadd.s32 s5, s26;
	[sflag:s13] =	ssyncadd.s32 $0xFFFFC000  }
0x2c: {  	[tilespmem:s16], [sflag:$0x3] =	stream.linear.gather [hbm4b:s26+s3], $0x80, $0x38;
	[tilespmem:$0x1E500] =	vst v63  }
0x2d: {  	s30 =	simm.s32 $0x100  }
0x2e: {  	[tilespmem:s19], [sflag:$0x1] =	stream.indirect.gather [hbm4b:s4+s18], $0x80, s30, s18, $0xb8;
	[tilespmem:$0x1E500] =	vst v63  }
0x2f: {  	_ =	swait.ge [sflag:s23], $0x4000  }
0x30: {  	[sflag:s23] =	ssyncset.done $0x0  }
0x31: {  	[sflag:s23] =	ssyncadd.s32 $0xFFFFC000  }
0x32: {  	s31 =	simm.s32 $0x180;
	_ =	swait.ge [sflag:s24], $0x80  }
0x33: {  	s28 =	sand.u32 $0x7C00, s31;
	[sflag:s24] =	ssyncset.done $0x0  }
0x34: {  	s28 =	sadd.s32 s7, s28;
	s26 =	sand.u32 $0x380, s31;
	[sflag:s24] =	ssyncadd.s32 $0xFFFFFF80  }
0x35: {  	[spmem:s1] =	stream.indirect.scatter.add.f32 [tilespmem:s20], [sflag:$0x5], $0x80, s17, s18, $0xb8;
	[tilespmem:$0x1E500] =	vst v63  }
0x36: {  	s26 =	sor.u32 s26, s28;
	_ =	swait.ge [sflag:s13], $0x4000  }
0x37: {  	s26 =	sshrl.u32 s26, $0x3;
	[sflag:s13] =	ssyncset.done $0x0  }
0x38: {  	s26 =	sadd.s32 s5, s26;
	[sflag:s13] =	ssyncadd.s32 $0xFFFFC000  }
0x39: {  	[tilespmem:s17], [sflag:$0x4] =	stream.linear.gather [hbm4b:s26+s3], $0x80, $0x38;
	[tilespmem:$0x1E500] =	vst v63  }
0x3a: {  	s29 =	simm.s32 $0x200;
	s28 =	simm.s32 $0x180;
	s26 =	simm.s32 $0x280  }
.LBB2_2:
0x3b: {  	s30 =	sadd.s32 $0x80, s29  }
0x3c: {  	p0 =	sne.s32 s26, $0x2780;
	s31 =	smov.u32 s26;
	s26 =	sadd.s32 $0x100, s26  }
0x3d: {  	[tilespmem:s20], [sflag:$0x2] =	stream.indirect.gather [hbm4b:s4+s18], $0x80, s28, s18, $0xb8;
	[tilespmem:$0x1E500] =	vst v63  }
0x3e: {  	s28 =	smov.u32 s30;
	_ =	swait.ge [sflag:s21], $0x4000  }
0x3f: {  	[sflag:s21] =	ssyncset.done $0x0  }
0x40: {  	[sflag:s21] =	ssyncadd.s32 $0xFFFFC000  }
0x41: {  	_ =	swait.ge [sflag:s22], $0x80  }
0x42: {  	s30 =	sadd.s32 $0xFFFFFF80, s31;
	[sflag:s22] =	ssyncset.done $0x0  }
0x43: {  	s0 =	sand.u32 $0x7C00, s30;
	s30 =	sand.u32 $0x300, s30;
	[sflag:s22] =	ssyncadd.s32 $0xFFFFFF80  }
0x44: {  	[spmem:s1] =	stream.indirect.scatter.add.f32 [tilespmem:s19], [sflag:$0x5], $0x80, s16, s18, $0xb8;
	[tilespmem:$0x1E500] =	vst v63  }
0x45: {  	s0 =	sadd.s32 s7, s0;
	_ =	swait.ge [sflag:s13], $0x4000  }
0x46: {  	s0 =	sor.u32 s30, s0;
	[sflag:s13] =	ssyncset.done $0x0  }
0x47: {  	s0 =	sshrl.u32 s0, $0x3;
	[sflag:s13] =	ssyncadd.s32 $0xFFFFC000  }
0x48: {  	s0 =	sadd.s32 s5, s0  }
0x49: {  	[tilespmem:s16], [sflag:$0x3] =	stream.linear.gather [hbm4b:s0+s3], $0x80, $0x38;
	[tilespmem:$0x1E500] =	vst v63  }
0x4a: {  	_ = 	snop  }
0x4b: {  	[tilespmem:s19], [sflag:$0x1] =	stream.indirect.gather [hbm4b:s4+s18], $0x80, s29, s18, $0xb8;
	[tilespmem:$0x1E500] =	vst v63  }
0x4c: {  	_ =	swait.ge [sflag:s23], $0x4000  }
0x4d: {  	[sflag:s23] =	ssyncset.done $0x0  }
0x4e: {  	[sflag:s23] =	ssyncadd.s32 $0xFFFFC000  }
0x4f: {  	_ =	swait.ge [sflag:s24], $0x80  }
0x50: {  	s0 =	sand.u32 $0x7C00, s31;
	[sflag:s24] =	ssyncset.done $0x0  }
0x51: {  	s30 =	sand.u32 $0x380, s31;
	s0 =	sadd.s32 s7, s0;
	[sflag:s24] =	ssyncadd.s32 $0xFFFFFF80  }
0x52: {  	[spmem:s1] =	stream.indirect.scatter.add.f32 [tilespmem:s20], [sflag:$0x5], $0x80, s17, s18, $0xb8;
	[tilespmem:$0x1E500] =	vst v63  }
.Ltmp0:
0x53: {  	_ = 	snop;
	(pc) =	sbr.rel @p0 .LBB2_2-.Ltmp0, $4  }
0x54: {  	s0 =	sor.u32 s30, s0;
	_ =	swait.ge [sflag:s13], $0x4000  }
0x55: {  	s0 =	sshrl.u32 s0, $0x3;
	[sflag:s13] =	ssyncset.done $0x0  }
0x56: {  	s29 =	sadd.s32 $0x100, s29;
	s0 =	sadd.s32 s5, s0;
	[sflag:s13] =	ssyncadd.s32 $0xFFFFC000  }
0x57: {  	[tilespmem:s17], [sflag:$0x4] =	stream.linear.gather [hbm4b:s0+s3], $0x80, $0x38;
	[tilespmem:$0x1E500] =	vst v63  }
0x58: {  	[tilespmem:s20], [sflag:$0x2] =	stream.indirect.gather [hbm4b:s4+s18], $0x80, s28, s18, $0xb8;
	[tilespmem:$0x1E500] =	vst v63  }
0x59: {  	_ =	swait.ge [sflag:s21], $0x4000  }
0x5a: {  	[sflag:s21] =	ssyncset.done $0x0  }
0x5b: {  	[sflag:s21] =	ssyncadd.s32 $0xFFFFC000  }
0x5c: {  	_ =	swait.ge [sflag:s22], $0x80  }
0x5d: {  	[sflag:s22] =	ssyncset.done $0x0  }
0x5e: {  	[sflag:s22] =	ssyncadd.s32 $0xFFFFFF80  }
0x5f: {  	[spmem:s1] =	stream.indirect.scatter.add.f32 [tilespmem:s19], [sflag:$0x5], $0x80, s16, s18, $0xb8;
	[tilespmem:$0x1E500] =	vst v63  }
0x60: {  	_ =	swait.ge [sflag:s13], $0x4000  }
0x61: {  	[sflag:s13] =	ssyncset.done $0x0  }
0x62: {  	[sflag:s13] =	ssyncadd.s32 $0xFFFFC000  }
0x63: {  	_ =	swait.ge [sflag:s23], $0x4000  }
0x64: {  	[sflag:s23] =	ssyncset.done $0x0  }
0x65: {  	[sflag:s23] =	ssyncadd.s32 $0xFFFFC000  }
0x66: {  	_ =	swait.ge [sflag:s24], $0x80  }
0x67: {  	[sflag:s24] =	ssyncset.done $0x0  }
0x68: {  	[sflag:s24] =	ssyncadd.s32 $0xFFFFFF80  }
0x69: {  	[spmem:s1] =	stream.indirect.scatter.add.f32 [tilespmem:s20], [sflag:$0x5], $0x80, s17, s18, $0xb8;
	[tilespmem:$0x1E500] =	vst v63  }
0x6a: {  	_ =	swait.ge [sflag:s13], $0x4000  }
0x6b: {  	s25 =	sadd.s32 $0x1, s25;
	[sflag:s13] =	ssyncset.done $0x0  }
0x6c: {  	p0 =	sne.s32 s25, s12;
	[sflag:s13] =	ssyncadd.s32 $0xFFFFC000  }
.Ltmp1:
0x6d: {  	[bflag:$0x0] =	sbarrier.arrive $0xFFFF;
	(pc) =	sbr.rel @p0 .LBB2_1-.Ltmp1, $4  }
0x6e: {  	[hbm:s11], [sflag:s14] =	dma.local [spmem:s15], $0x2780  }
0x6f: {  	_ =	swait.ge [sflag:s13], $0x2780  }
0x70: {  	[sflag:s13] =	ssyncset.done $0x0  }
0x71: {  	[sflag:s13] =	ssyncadd.s32 $0xFFFFD880  }
0x72: {  	_ =	sfence.sel $0x180000  }
0x73: {  	[bflag:$0x0] =	sbarrier.arrive $0xFFFF  }
0x74: {  	_ =	strace $0x9000004D  }
0x75: {  	[bflag:$0x2] =	sbarrier.arrive $0xFFFF  }
0x76: {  	p0 =	sne.s32 s2, $0x0;
	s0 =	rddreg [dreg:$0x3]  }
0x77: {  	s0 =	sadd.s32 @!p0 $0x100000, s0  }
0x78: {  	[sflag:s0] =	ssyncadd.tile.s32 @!p0 $0x1;
	_ =	shalt  }
.Lfunc_end2:
_tile_overlayer_lowered:
.L_overlay_start_2:
0x79: {  	(tag) =	ssettag $0x2  }
0x7a: {  	s0 =	rddreg [dreg:$0x0];
	s2 =	stileid.u32  }
0x7b: {  	s1 =	rddreg [dreg:$0x1];
	p0 =	sne.s32 s2, $0x0  }
0x7c: {  	s3 =	rddreg [dreg:$0x2];
	[bflag:$0x3] =	sbarrier.arrive $0xFFFF;
	s2 =	simm.s32 @!p0 $0x1C05  }
0x7d: {  	[timem:s3], [sflag:s2] =	dma.local @!p0 [hbm:s0], s1  }
0x7e: {  	s0 =	simm.s32 @!p0 $0x5  }
0x7f: {  	_ =	swait.ge @!p0 [sflag:s0], s1  }
0x80: {  	s1 =	ssub.s32 @!p0 $0x0, s1;
	[sflag:s0] =	ssyncset.done @!p0 $0x0  }
0x81: {  	[sflag:s0] =	ssyncadd.s32 @!p0 s1  }
0x82: {  	[bflag:$0x3] =	sbarrier.arrive $0xFFFF  }
0x83: {  	_ =	shalt  }

// kernel: kernel.18.cloned.1.call-start
scs
__scs_entry_jumppad:
0x0: {  	(pc) =	sbr.rel $0x88, $3  }
0x1: {  	(tag) =	ssettag $0x0;
	lr =	simm.s32 $0x1  }
0x2: {  	[smem:$0x3F91] =	sst lr;
	_ =	strace $0xD0000000  }
0x3: {  	_ = 	snop  }
0x4: {  	_ = 	snop  }
0x5: {  	_ = 	snop  }
0x6: {  	_ = 	snop  }
0x7: {  	_ = 	snop  }
__scs_overlays_trampoline_lowered:
0x8: {  	[smem:$0x3FA0] =	sst s0  }
0x9: {  	[smem:$0x3FA1] =	sst s1  }
0xa: {  	[smem:$0x3FA2] =	sst s2  }
0xb: {  	[smem:$0x3FA3] =	sst s3  }
0xc: {  	[smem:$0x3FA4] =	sst s4  }
0xd: {  	[smem:$0x3FA5] =	sst s5  }
0xe: {  	[smem:$0x3FA6] =	sst s6  }
0xf: {  	[smem:$0x3FA7] =	sst s7  }
0x10: {  	[smem:$0x3FA8] =	sst s8  }
0x11: {  	[smem:$0x3FA9] =	sst s9;
	s0 =	simm.s32 @!p0 $0x0  }
0x12: {  	s1 =	sld [smem:$0x3F8F];
	s0 =	simm.s32 @p0 $0x1  }
0x13: {  	[smem:$0x3FAA] =	sst s0;
	s0 =	simm.s32 @!p1 $0x0  }
0x14: {  	s2 =	sld [smem:$0x3F8E];
	s0 =	simm.s32 @p1 $0x1  }
0x15: {  	[smem:$0x3FAB] =	sst s0;
	s0 =	simm.s32 @!p2 $0x0  }
0x16: {  	s3 =	sld [smem:$0x3FDB];
	s0 =	simm.s32 @p2 $0x1  }
0x17: {  	s4 =	simm.s32 $0x1BF5;
	[smem:$0x3FAD] =	sst s0  }
0x18: {  	s0 =	sld [smem:$0x3F90];
	_ =	swait.ge [sflag:s4], $0x0  }
0x19: {  	s7 =	sld [smem:$0x3F91]  }
0x1a: {  	s8 =	sadd.s32 $0xFFFFE003, lr  }
0x1b: {  	s9 =	sadd.s32 $0xFFFFFEF7, lr;
	s5 =	simm.s32 $0xFFFFFFFF;
	p2 =	slt.u32 s8, $0xFFFFF086  }
0x1c: {  	p1 =	slt.u32 s9, $0xF7A;
	s5 =	simm.s32 @!p2 $0x0  }
0x1d: {  	s5 =	simm.s32 @p1 $0x1;
	p0 =	seq.s32 s7, s2  }
0x1e: {  	s7 =	smul.u32 @!p0 $0xF7A, s2;
	p2 =	seq.s32 @!p0 s5, $0x0  }
0x1f: {  	s9 =	smul.u32 $0xF7A, s1;
	s8 =	simm.s32 @!p0 $0x1BF5;
	p2 =	por !p2, p0  }
0x20: {  	[sflag:s8] =	ssyncset.s32 @!p0 $0xFFFFF086;
	s6 =	sadd.s32 @!p0 s3, s7;
	s7 =	simm.s32 @!p0 $0x108  }
0x21: {  	s3 =	sadd.s32 s3, s9;
	s6 =	sadd.s32 @!p0 $0x88, s6;
	s7 =	simm.s32 @p2 $0x1082  }
0x22: {  	[simem:s7], [sflag:s8] =	dma.local @!p0 [hbm:s6], $0xF7A  }
0x23: {  	s9 =	sor.u32 $0xD0000000, s2;
	s6 =	simm.s32 $0x108;
	_ =	swait.ge @!p0 [sflag:s8], $0x0  }
0x24: {  	s3 =	sadd.s32 $0x88, s3;
	s6 =	simm.s32 @!p1 $0x1082;
	[sflag:s4] =	ssyncset.s32 $0xFFFFF086  }
0x25: {  	[simem:s6], [sflag:s4] =	dma.local [hbm:s3], $0xF7A  }
0x26: {  	[smem:$0x3F91] =	sst s1;
	(tag) =	ssettag s2;
	_ =	strace s9  }
0x27: {  	s1 =	sld [smem:$0x3FA1]  }
0x28: {  	s2 =	sld [smem:$0x3FA2]  }
0x29: {  	s4 =	sld [smem:$0x3FA4]  }
0x2a: {  	p0 =	seq.s32 s5, $0x0;
	s5 =	sld [smem:$0x3FA5]  }
0x2b: {  	s6 =	sld [smem:$0x3FA6]  }
0x2c: {  	s7 =	sld [smem:$0x3FA7]  }
0x2d: {  	s3 =	simm.s32 $0x108;
	s8 =	sld [smem:$0x3FA8]  }
0x2e: {  	s3 =	simm.s32 @!p0 $0x1082;
	s9 =	sld [smem:$0x3FA9]  }
0x2f: {  	lr =	sadd.s32 s0, s3;
	s0 =	sld [smem:$0x3FA0]  }
0x30: {  	s3 =	sld [smem:$0x3FA3]  }
0x31: {  	[smem:$0x3FAC] =	sst s10  }
0x32: {  	s10 =	sld [smem:$0x3FAA];
	_ =	sdelay $0x3  }
0x33: {  	p0 =	seq.s32 s10, $0x1;
	s10 =	sld [smem:$0x3FAC];
	_ =	sdelay $0x3  }
0x34: {  	[smem:$0x3FAC] =	sst s10  }
0x35: {  	s10 =	sld [smem:$0x3FAB];
	_ =	sdelay $0x3  }
0x36: {  	p1 =	seq.s32 s10, $0x1;
	s10 =	sld [smem:$0x3FAC];
	_ =	sdelay $0x3  }
0x37: {  	[smem:$0x3FAC] =	sst s10  }
0x38: {  	s10 =	sld [smem:$0x3FAD]  }
0x39: {  	_ = 	snop;
	(pc) =	sbr.ind lr, $3  }
0x3a: {  	_ = 	snop  }
0x3b: {  	_ = 	snop  }
0x3c: {  	p2 =	seq.s32 s10, $0x1;
	s10 =	sld [smem:$0x3FAC]  }
0x3d: {  	_ =	shalt  }
0x3e: {  	_ =	shalt  }
0x3f: {  	_ =	shalt  }
0x40: {  	_ =	shalt  }
0x41: {  	_ =	shalt  }
0x42: {  	_ =	shalt  }
0x43: {  	_ =	shalt  }
0x44: {  	_ =	shalt  }
0x45: {  	_ =	shalt  }
0x46: {  	_ =	shalt  }
0x47: {  	_ =	shalt  }
0x48: {  	_ =	shalt  }
0x49: {  	_ =	shalt  }
0x4a: {  	_ =	shalt  }
0x4b: {  	_ =	shalt  }
0x4c: {  	_ =	shalt  }
0x4d: {  	_ =	shalt  }
0x4e: {  	_ =	shalt  }
0x4f: {  	_ =	shalt  }
0x50: {  	_ =	shalt  }
0x51: {  	_ =	shalt  }
0x52: {  	_ =	shalt  }
0x53: {  	_ =	shalt  }
0x54: {  	_ =	shalt  }
0x55: {  	_ =	shalt  }
0x56: {  	_ =	shalt  }
0x57: {  	_ =	shalt  }
0x58: {  	_ =	shalt  }
0x59: {  	_ =	shalt  }
0x5a: {  	_ =	shalt  }
0x5b: {  	_ =	shalt  }
0x5c: {  	_ =	shalt  }
0x5d: {  	_ =	shalt  }
0x5e: {  	_ =	shalt  }
0x5f: {  	_ =	shalt  }
0x60: {  	_ =	shalt  }
0x61: {  	_ =	shalt  }
0x62: {  	_ =	shalt  }
0x63: {  	_ =	shalt  }
0x64: {  	_ =	shalt  }
0x65: {  	_ =	shalt  }
0x66: {  	_ =	shalt  }
0x67: {  	_ =	shalt  }
0x68: {  	_ =	shalt  }
0x69: {  	_ =	shalt  }
0x6a: {  	_ =	shalt  }
0x6b: {  	_ =	shalt  }
0x6c: {  	_ =	shalt  }
0x6d: {  	_ =	shalt  }
0x6e: {  	_ =	shalt  }
0x6f: {  	_ =	shalt  }
0x70: {  	_ =	shalt  }
0x71: {  	_ =	shalt  }
0x72: {  	_ =	shalt  }
0x73: {  	_ =	shalt  }
0x74: {  	_ =	shalt  }
0x75: {  	_ =	shalt  }
0x76: {  	_ =	shalt  }
0x77: {  	_ =	shalt  }
0x78: {  	_ =	shalt  }
0x79: {  	_ =	shalt  }
0x7a: {  	_ =	shalt  }
0x7b: {  	_ =	shalt  }
0x7c: {  	_ =	shalt  }
0x7d: {  	_ =	shalt  }
0x7e: {  	_ =	shalt  }
0x7f: {  	_ =	shalt  }
0x80: {  	_ =	shalt  }
0x81: {  	_ =	shalt  }
0x82: {  	_ =	shalt  }
0x83: {  	_ =	shalt  }
0x84: {  	_ =	shalt  }
0x85: {  	_ =	shalt  }
0x86: {  	_ =	shalt  }
0x87: {  	_ =	shalt  }
.Lfunc_end0:
.L_simem_size_0:
called_computation.3_lowered:
.L_overlay_start_0:
0x88: {  	s2 =	sld [smem:$0x3FD9]  }
0x89: {  	s3 =	sld [smem:$0x3FFE];
	_ =	sdelay $0x1  }
0x8a: {  	s1 =	srdreg.scid  }
0x8b: {  	s0 =	sand.u32 $0x1, s1  }
0x8c: {  	s17 =	sshll.u32 s0, $0xA;
	s2 =	sadd.s32 s3, s2  }
0x8d: {  	s2 =	sadd.s32 s2, s17  }
0x8e: {  	[smem:$0x3FB8] =	sst s2  }
0x8f: {  	_ = 	snop  }
0x90: {  	s2 =	sld [smem:$0x3FD0];
	(tm) =	ssettm $0x1  }
0x91: {  	s18 =	sld [smem:$0x3FFB];
	_ =	sdelay $0x3  }
0x92: {  	_ =	strace s18  }
0x93: {  	s3 =	sld [smem:$0x3FFC];
	_ =	sdelay $0x3  }
0x94: {  	_ =	strace s3  }
0x95: {  	s3 =	sld [smem:$0x3FFD];
	_ =	sdelay $0x3  }
0x96: {  	_ =	strace s3  }
0x97: {  	_ =	strace $0x8FFFFFFF  }
0x98: {  	s19 =	sld [smem:$0x3FDB];
	_ =	sdelay $0x1  }
0x99: {  	s4 =	simm.s32 $_scs_section_size  }
0x9a: {  	s5 =	simm.s32 $_size__tile_overlayer_lowered;
	s6 =	simm.s32 $_tile_overlayer_lowered  }
0x9b: {  	s22 =	simm.s32 $0x1BFF;
	s21 =	sshll.u32 s6, $0x1;
	s3 =	sadd.s32 s4, s19  }
0x9c: {  	s7 =	simm.s32 $0x0;
	s20 =	sshll.u32 s5, $0x1;
	s5 =	sadd.s32 s21, s3  }
0x9d: {  	[timem:s7], [sflag:s22] =	dma.local [hbm:s5], s20  }
0x9e: {  	_ =	swait.ge [sflag:s22], s20  }
0x9f: {  	s4 =	ssub.s32 $0x0, s20;
	[sflag:s22] =	ssyncset.done $0x0  }
0xa0: {  	[sflag:s22] =	ssyncadd.s32 s4;
	_ =	sdelay $0x1  }
0xa1: {  	s23 =	simm.s32 $0x1B8B  }
0xa2: {  	_ =	swait.ge [sflag:s23], $0x1  }
0xa3: {  	[sflag:s23] =	ssyncset.done $0x0  }
0xa4: {  	s25 =	simm.s32 $0x1B8E;
	s24 =	sld [smem:$0x3FFE];
	[sflag:s23] =	ssyncadd.s32 $0xFFFFFFFF  }
0xa5: {  	s26 =	simm.s32 $execute0_lowered;
	[smem:$0x3FD2] =	sst s25  }
0xa6: {  	s5 =	sshll.u32 s26, $0x1;
	_ =	strace $0x8000004F;
	[dreg:$0x1] =	wrdreg $0xFFFFFFFF  }
0xa7: {  	s28 =	simm.s32 $_size_execute0_lowered;
	s3 =	sadd.s32 s3, s5;
	[dreg:$0x0] =	wrdreg $0x0  }
0xa8: {  	s5 =	sshll.u32 s28, $0x1;
	[dreg:$0x2] =	wrdreg s3  }
0xa9: {  	[dreg:$0x3] =	wrdreg s5  }
0xaa: {  	[dreg:$0x4] =	wrdreg $0xC0  }
0xab: {  	_ =	task [dreg:s7], $0x5FFFF  }
0xac: {  	[dreg:$0x1] =	wrdreg $0xFFFFFFFF  }
0xad: {  	[dreg:$0x0] =	wrdreg $0x60  }
0xae: {  	[dreg:$0x2] =	wrdreg s24  }
0xaf: {  	[dreg:$0x3] =	wrdreg s2  }
0xb0: {  	[dreg:$0x4] =	wrdreg $0xA9000  }
0xb1: {  	[dreg:$0x5] =	wrdreg $0x9  }
0xb2: {  	_ =	task.clear_ibuf [dreg:s7], $0x6FFFF;
	_ =	strace $0x9000004F  }
0xb3: {  	s29 =	simm.s32 $0x9;
	_ =	strace $0x80000051  }
0xb4: {  	_ =	swait.ge [sflag:s29], $0x1  }
0xb5: {  	[sflag:s29] =	ssyncadd.s32 $0xFFFFFFFF  }
0xb6: {  	_ =	strace $0x90000051  }
0xb7: {  	_ =	sfence  }
0xb8: {  	s30 =	sld [smem:$0x0];
	_ =	sdelay $0x2  }
0xb9: {  	s31 =	sshll.u32 s1, $0xD;
	s1 =	sshrl.u32 s1, $0x2  }
0xba: {  	s3 =	sand.u32 $0x4000, s31;
	s1 =	sadd.s32 s1, s30  }
0xbb: {  	s0 =	sor.u32 s3, s0;
	s1 =	sshll.u32 s1, $0x11  }
0xbc: {  	s0 =	sor.u32 s1, s0  }
0xbd: {  	s0 =	sadd.s32 $0x8F2B, s0  }
0xbe: {  	[sflag:s0] =	ssyncadd.remote.s32 $0x1  }
0xbf: {  	_ =	sfence.sel $0xFFFF  }
0xc0: {  	[dreg:$0x0] =	wrdreg $0xFFFFFFFF;
	(pc) =	sbr.abs _section_cstart, $3  }
0xc1: {  	[dreg:$0x1] =	wrdreg $0xFFFFFFFF  }
0xc2: {  	_ =	task.clear_ibuf [dreg:s7], $0x2FFFF;
	_ =	strace $0x9FFFFFFF  }
0xc3: {  	(tm) =	ssettm $0x7FFFFFFF  }
tec
execute0_lowered:
.L_overlay_start_1:
0x0: {  	(tag) =	ssettag $0x1  }
0x1: {  	s8 =	rddreg [dreg:$0x0]  }
0x2: {  	s9 =	rddreg [dreg:$0x1]  }
0x3: {  	s1 =	rddreg [dreg:$0x2];
	s2 =	srdreg.scid  }
0x4: {  	s3 =	simm.s32 $0x0;
	s16 =	simm.s32 $0x2800;
	s17 =	simm.s32 $0x2880  }
0x5: {  	s18 =	simm.s32 $0x80;
	s19 =	simm.s32 $0x2900;
	s20 =	simm.s32 $0x6900  }
0x6: {  	s21 =	simm.s32 $0x1;
	s22 =	simm.s32 $0x3;
	s7 =	sand.u32 $0x1, s2  }
0x7: {  	s23 =	simm.s32 $0x2;
	s2 =	stileid.u32;
	s6 =	smul.u32 $0x13C000, s7  }
0x8: {  	s24 =	simm.s32 $0x4;
	s25 =	simm.s32 $0x0;
	s10 =	smul.u32 $0x13C00, s2  }
0x9: {  	[smem:$0x7FF] =	sst s3;
	s4 =	sadd.s32 $0xFE00, s8;
	s11 =	smul.u32 $0x28000, s7  }
0xa: {  	s5 =	sadd.s32 $0x3600, s8;
	_ =	strace $0x80000050;
	s12 =	smul.u32 $0x2800, s2  }
0xb: {  	s13 =	ssub.s32 $0x2, s7;
	s28 =	smul.u32 $0x4F000, s2;
	s31 =	sshll.u32 s2, $0x6  }
0xc: {  	s14 =	sshrl.u32 s13, $0x1;
	s10 =	sadd.s32 s10, s6;
	s6 =	sadd.s32 $0xD600, s8  }
0xd: {  	s7 =	sadd.s32 s12, s11;
	s13 =	ssub.s32 s13, s14;
	s11 =	sshrl.u32 s28, $0x2  }
0xe: {  	s14 =	sor.u32 $0x1C05, s31;
	s10 =	sshrl.u32 s10, $0x3;
	s30 =	sshrl.u32 s7, $0x3  }
0xf: {  	s15 =	sadd.s32 s11, s1;
	s12 =	smax.u32 s13, $0x1;
	s13 =	simm.s32 $0x5  }
0x10: {  	s29 =	sadd.s32 s10, s8;
	s8 =	sadd.s32 s9, s30;
	s9 =	sadd.s32 s5, s30  }
0x11: {  	s15 =	sshrl.u32 s15, $0x3;
	s10 =	sadd.s32 $0x10, s9;
	s11 =	sadd.s32 $0xAE600, s29  }
.LBB2_1:
0x12: {  	[tilespmem:s3], [sflag:$0x5] =	stream.linear.gather [hbm4b:s8+s3], $0x2800, $0x38;
	[tilespmem:$0x1E500] =	vst v63  }
0x13: {  	_ =	swait.ge [sflag:s13], $0x2800  }
0x14: {  	[sflag:s13] =	ssyncset.done $0x0  }
0x15: {  	[sflag:s13] =	ssyncadd.s32 $0xFFFFD800  }
0x16: {  	[spmem:s15], [sflag:s14] =	dma.local [hbm:s6], $0x2780  }
0x17: {  	_ =	swait.ge [sflag:s13], $0x2780  }
0x18: {  	[sflag:s13] =	ssyncset.done $0x0  }
0x19: {  	[sflag:s13] =	ssyncadd.s32 $0xFFFFD880  }
0x1a: {  	[bflag:$0x0] =	sbarrier.arrive $0xFFFF  }
0x1b: {  	[tilespmem:s16], [sflag:$0x3] =	stream.linear.gather [hbm4b:s9+s3], $0x80, $0x38;
	[tilespmem:$0x1E500] =	vst v63  }
0x1c: {  	_ = 	snop  }
0x1d: {  	[tilespmem:s17], [sflag:$0x4] =	stream.linear.gather [hbm4b:s10+s3], $0x80, $0x38;
	[tilespmem:$0x1E500] =	vst v63  }
0x1e: {  	_ = 	snop  }
0x1f: {  	[tilespmem:s19], [sflag:$0x1] =	stream.indirect.gather [hbm4b:s4+s18], $0x80, s3, s18, $0xb8;
	[tilespmem:$0x1E500] =	vst v63  }
0x20: {  	_ = 	snop  }
0x21: {  	[tilespmem:s20], [sflag:$0x2] =	stream.indirect.gather [hbm4b:s4+s18], $0x80, s18, s18, $0xb8;
	[tilespmem:$0x1E500] =	vst v63  }
0x22: {  	_ =	swait.ge [sflag:s21], $0x4000  }
0x23: {  	[sflag:s21] =	ssyncset.done $0x0  }
0x24: {  	[sflag:s21] =	ssyncadd.s32 $0xFFFFC000  }
0x25: {  	s26 =	simm.s32 $0x100;
	_ =	swait.ge [sflag:s22], $0x80  }
0x26: {  	s28 =	sand.u32 $0x7C00, s26;
	[sflag:s22] =	ssyncset.done $0x0  }
0x27: {  	s26 =	sand.u32 $0x300, s26;
	s28 =	sadd.s32 s7, s28;
	[sflag:s22] =	ssyncadd.s32 $0xFFFFFF80  }
0x28: {  	[spmem:s1] =	stream.indirect.scatter.add.f32 [tilespmem:s19], [sflag:$0x5], $0x80, s16, s18, $0xb8;
	[tilespmem:$0x1E500] =	vst v63  }
0x29: {  	s26 =	sor.u32 s26, s28;
	_ =	swait.ge [sflag:s13], $0x4000  }
0x2a: {  	s26 =	sshrl.u32 s26, $0x3;
	[sflag:s13] =	ssyncset.done $0x0  }
0x2b: {  	s26 =	sadd.s32 s5, s26;
	[sflag:s13] =	ssyncadd.s32 $0xFFFFC000  }
0x2c: {  	[tilespmem:s16], [sflag:$0x3] =	stream.linear.gather [hbm4b:s26+s3], $0x80, $0x38;
	[tilespmem:$0x1E500] =	vst v63  }
0x2d: {  	s30 =	simm.s32 $0x100  }
0x2e: {  	[tilespmem:s19], [sflag:$0x1] =	stream.indirect.gather [hbm4b:s4+s18], $0x80, s30, s18, $0xb8;
	[tilespmem:$0x1E500] =	vst v63  }
0x2f: {  	_ =	swait.ge [sflag:s23], $0x4000  }
0x30: {  	[sflag:s23] =	ssyncset.done $0x0  }
0x31: {  	[sflag:s23] =	ssyncadd.s32 $0xFFFFC000  }
0x32: {  	s31 =	simm.s32 $0x180;
	_ =	swait.ge [sflag:s24], $0x80  }
0x33: {  	s28 =	sand.u32 $0x7C00, s31;
	[sflag:s24] =	ssyncset.done $0x0  }
0x34: {  	s28 =	sadd.s32 s7, s28;
	s26 =	sand.u32 $0x380, s31;
	[sflag:s24] =	ssyncadd.s32 $0xFFFFFF80  }
0x35: {  	[spmem:s1] =	stream.indirect.scatter.add.f32 [tilespmem:s20], [sflag:$0x5], $0x80, s17, s18, $0xb8;
	[tilespmem:$0x1E500] =	vst v63  }
0x36: {  	s26 =	sor.u32 s26, s28;
	_ =	swait.ge [sflag:s13], $0x4000  }
0x37: {  	s26 =	sshrl.u32 s26, $0x3;
	[sflag:s13] =	ssyncset.done $0x0  }
0x38: {  	s26 =	sadd.s32 s5, s26;
	[sflag:s13] =	ssyncadd.s32 $0xFFFFC000  }
0x39: {  	[tilespmem:s17], [sflag:$0x4] =	stream.linear.gather [hbm4b:s26+s3], $0x80, $0x38;
	[tilespmem:$0x1E500] =	vst v63  }
0x3a: {  	s29 =	simm.s32 $0x200;
	s28 =	simm.s32 $0x180;
	s26 =	simm.s32 $0x280  }
.LBB2_2:
0x3b: {  	s30 =	sadd.s32 $0x80, s29  }
0x3c: {  	p0 =	sne.s32 s26, $0x2780;
	s31 =	smov.u32 s26;
	s26 =	sadd.s32 $0x100, s26  }
0x3d: {  	[tilespmem:s20], [sflag:$0x2] =	stream.indirect.gather [hbm4b:s4+s18], $0x80, s28, s18, $0xb8;
	[tilespmem:$0x1E500] =	vst v63  }
0x3e: {  	s28 =	smov.u32 s30;
	_ =	swait.ge [sflag:s21], $0x4000  }
0x3f: {  	[sflag:s21] =	ssyncset.done $0x0  }
0x40: {  	[sflag:s21] =	ssyncadd.s32 $0xFFFFC000  }
0x41: {  	_ =	swait.ge [sflag:s22], $0x80  }
0x42: {  	s30 =	sadd.s32 $0xFFFFFF80, s31;
	[sflag:s22] =	ssyncset.done $0x0  }
0x43: {  	s0 =	sand.u32 $0x7C00, s30;
	s30 =	sand.u32 $0x300, s30;
	[sflag:s22] =	ssyncadd.s32 $0xFFFFFF80  }
0x44: {  	[spmem:s1] =	stream.indirect.scatter.add.f32 [tilespmem:s19], [sflag:$0x5], $0x80, s16, s18, $0xb8;
	[tilespmem:$0x1E500] =	vst v63  }
0x45: {  	s0 =	sadd.s32 s7, s0;
	_ =	swait.ge [sflag:s13], $0x4000  }
0x46: {  	s0 =	sor.u32 s30, s0;
	[sflag:s13] =	ssyncset.done $0x0  }
0x47: {  	s0 =	sshrl.u32 s0, $0x3;
	[sflag:s13] =	ssyncadd.s32 $0xFFFFC000  }
0x48: {  	s0 =	sadd.s32 s5, s0  }
0x49: {  	[tilespmem:s16], [sflag:$0x3] =	stream.linear.gather [hbm4b:s0+s3], $0x80, $0x38;
	[tilespmem:$0x1E500] =	vst v63  }
0x4a: {  	_ = 	snop  }
0x4b: {  	[tilespmem:s19], [sflag:$0x1] =	stream.indirect.gather [hbm4b:s4+s18], $0x80, s29, s18, $0xb8;
	[tilespmem:$0x1E500] =	vst v63  }
0x4c: {  	_ =	swait.ge [sflag:s23], $0x4000  }
0x4d: {  	[sflag:s23] =	ssyncset.done $0x0  }
0x4e: {  	[sflag:s23] =	ssyncadd.s32 $0xFFFFC000  }
0x4f: {  	_ =	swait.ge [sflag:s24], $0x80  }
0x50: {  	s0 =	sand.u32 $0x7C00, s31;
	[sflag:s24] =	ssyncset.done $0x0  }
0x51: {  	s30 =	sand.u32 $0x380, s31;
	s0 =	sadd.s32 s7, s0;
	[sflag:s24] =	ssyncadd.s32 $0xFFFFFF80  }
0x52: {  	[spmem:s1] =	stream.indirect.scatter.add.f32 [tilespmem:s20], [sflag:$0x5], $0x80, s17, s18, $0xb8;
	[tilespmem:$0x1E500] =	vst v63  }
.Ltmp0:
0x53: {  	_ = 	snop;
	(pc) =	sbr.rel @p0 .LBB2_2-.Ltmp0, $4  }
0x54: {  	s0 =	sor.u32 s30, s0;
	_ =	swait.ge [sflag:s13], $0x4000  }
0x55: {  	s0 =	sshrl.u32 s0, $0x3;
	[sflag:s13] =	ssyncset.done $0x0  }
0x56: {  	s29 =	sadd.s32 $0x100, s29;
	s0 =	sadd.s32 s5, s0;
	[sflag:s13] =	ssyncadd.s32 $0xFFFFC000  }
0x57: {  	[tilespmem:s17], [sflag:$0x4] =	stream.linear.gather [hbm4b:s0+s3], $0x80, $0x38;
	[tilespmem:$0x1E500] =	vst v63  }
0x58: {  	[tilespmem:s20], [sflag:$0x2] =	stream.indirect.gather [hbm4b:s4+s18], $0x80, s28, s18, $0xb8;
	[tilespmem:$0x1E500] =	vst v63  }
0x59: {  	_ =	swait.ge [sflag:s21], $0x4000  }
0x5a: {  	[sflag:s21] =	ssyncset.done $0x0  }
0x5b: {  	[sflag:s21] =	ssyncadd.s32 $0xFFFFC000  }
0x5c: {  	_ =	swait.ge [sflag:s22], $0x80  }
0x5d: {  	[sflag:s22] =	ssyncset.done $0x0  }
0x5e: {  	[sflag:s22] =	ssyncadd.s32 $0xFFFFFF80  }
0x5f: {  	[spmem:s1] =	stream.indirect.scatter.add.f32 [tilespmem:s19], [sflag:$0x5], $0x80, s16, s18, $0xb8;
	[tilespmem:$0x1E500] =	vst v63  }
0x60: {  	_ =	swait.ge [sflag:s13], $0x4000  }
0x61: {  	[sflag:s13] =	ssyncset.done $0x0  }
0x62: {  	[sflag:s13] =	ssyncadd.s32 $0xFFFFC000  }
0x63: {  	_ =	swait.ge [sflag:s23], $0x4000  }
0x64: {  	[sflag:s23] =	ssyncset.done $0x0  }
0x65: {  	[sflag:s23] =	ssyncadd.s32 $0xFFFFC000  }
0x66: {  	_ =	swait.ge [sflag:s24], $0x80  }
0x67: {  	[sflag:s24] =	ssyncset.done $0x0  }
0x68: {  	[sflag:s24] =	ssyncadd.s32 $0xFFFFFF80  }
0x69: {  	[spmem:s1] =	stream.indirect.scatter.add.f32 [tilespmem:s20], [sflag:$0x5], $0x80, s17, s18, $0xb8;
	[tilespmem:$0x1E500] =	vst v63  }
0x6a: {  	_ =	swait.ge [sflag:s13], $0x4000  }
0x6b: {  	s25 =	sadd.s32 $0x1, s25;
	[sflag:s13] =	ssyncset.done $0x0  }
0x6c: {  	p0 =	sne.s32 s25, s12;
	[sflag:s13] =	ssyncadd.s32 $0xFFFFC000  }
.Ltmp1:
0x6d: {  	[bflag:$0x0] =	sbarrier.arrive $0xFFFF;
	(pc) =	sbr.rel @p0 .LBB2_1-.Ltmp1, $4  }
0x6e: {  	[hbm:s11], [sflag:s14] =	dma.local [spmem:s15], $0x2780  }
0x6f: {  	_ =	swait.ge [sflag:s13], $0x2780  }
0x70: {  	[sflag:s13] =	ssyncset.done $0x0  }
0x71: {  	[sflag:s13] =	ssyncadd.s32 $0xFFFFD880  }
0x72: {  	_ =	sfence.sel $0x180000  }
0x73: {  	[bflag:$0x0] =	sbarrier.arrive $0xFFFF  }
0x74: {  	_ =	strace $0x90000050  }
0x75: {  	[bflag:$0x2] =	sbarrier.arrive $0xFFFF  }
0x76: {  	p0 =	sne.s32 s2, $0x0;
	s0 =	rddreg [dreg:$0x3]  }
0x77: {  	s0 =	sadd.s32 @!p0 $0x100000, s0  }
0x78: {  	[sflag:s0] =	ssyncadd.tile.s32 @!p0 $0x1;
	_ =	shalt  }
.Lfunc_end2:
_tile_overlayer_lowered:
.L_overlay_start_2:
0x79: {  	(tag) =	ssettag $0x2  }
0x7a: {  	s0 =	rddreg [dreg:$0x0];
	s2 =	stileid.u32  }
0x7b: {  	s1 =	rddreg [dreg:$0x1];
	p0 =	sne.s32 s2, $0x0  }
0x7c: {  	s3 =	rddreg [dreg:$0x2];
	[bflag:$0x3] =	sbarrier.arrive $0xFFFF;
	s2 =	simm.s32 @!p0 $0x1C05  }
0x7d: {  	[timem:s3], [sflag:s2] =	dma.local @!p0 [hbm:s0], s1  }
0x7e: {  	s0 =	simm.s32 @!p0 $0x5  }
0x7f: {  	_ =	swait.ge @!p0 [sflag:s0], s1  }
0x80: {  	s1 =	ssub.s32 @!p0 $0x0, s1;
	[sflag:s0] =	ssyncset.done @!p0 $0x0  }
0x81: {  	[sflag:s0] =	ssyncadd.s32 @!p0 s1  }
0x82: {  	[bflag:$0x3] =	sbarrier.arrive $0xFFFF  }
0x83: {  	_ =	shalt  }

// kernel: kernel.9.cloned.1.call-start
scs
__scs_entry_jumppad:
0x0: {  	(pc) =	sbr.rel $0x88, $3  }
0x1: {  	(tag) =	ssettag $0x0;
	lr =	simm.s32 $0x1  }
0x2: {  	[smem:$0x3F91] =	sst lr;
	_ =	strace $0xD0000000  }
0x3: {  	_ = 	snop  }
0x4: {  	_ = 	snop  }
0x5: {  	_ = 	snop  }
0x6: {  	_ = 	snop  }
0x7: {  	_ = 	snop  }
__scs_overlays_trampoline_lowered:
0x8: {  	[smem:$0x3FA0] =	sst s0  }
0x9: {  	[smem:$0x3FA1] =	sst s1  }
0xa: {  	[smem:$0x3FA2] =	sst s2  }
0xb: {  	[smem:$0x3FA3] =	sst s3  }
0xc: {  	[smem:$0x3FA4] =	sst s4  }
0xd: {  	[smem:$0x3FA5] =	sst s5  }
0xe: {  	[smem:$0x3FA6] =	sst s6  }
0xf: {  	[smem:$0x3FA7] =	sst s7  }
0x10: {  	[smem:$0x3FA8] =	sst s8  }
0x11: {  	[smem:$0x3FA9] =	sst s9;
	s0 =	simm.s32 @!p0 $0x0  }
0x12: {  	s1 =	sld [smem:$0x3F8F];
	s0 =	simm.s32 @p0 $0x1  }
0x13: {  	[smem:$0x3FAA] =	sst s0;
	s0 =	simm.s32 @!p1 $0x0  }
0x14: {  	s2 =	sld [smem:$0x3F8E];
	s0 =	simm.s32 @p1 $0x1  }
0x15: {  	[smem:$0x3FAB] =	sst s0;
	s0 =	simm.s32 @!p2 $0x0  }
0x16: {  	s3 =	sld [smem:$0x3FDB];
	s0 =	simm.s32 @p2 $0x1  }
0x17: {  	s4 =	simm.s32 $0x1BF5;
	[smem:$0x3FAD] =	sst s0  }
0x18: {  	s0 =	sld [smem:$0x3F90];
	_ =	swait.ge [sflag:s4], $0x0  }
0x19: {  	s7 =	sld [smem:$0x3F91]  }
0x1a: {  	s8 =	sadd.s32 $0xFFFFE003, lr  }
0x1b: {  	s9 =	sadd.s32 $0xFFFFFEF7, lr;
	s5 =	simm.s32 $0xFFFFFFFF;
	p2 =	slt.u32 s8, $0xFFFFF086  }
0x1c: {  	p1 =	slt.u32 s9, $0xF7A;
	s5 =	simm.s32 @!p2 $0x0  }
0x1d: {  	s5 =	simm.s32 @p1 $0x1;
	p0 =	seq.s32 s7, s2  }
0x1e: {  	s7 =	smul.u32 @!p0 $0xF7A, s2;
	p2 =	seq.s32 @!p0 s5, $0x0  }
0x1f: {  	s9 =	smul.u32 $0xF7A, s1;
	s8 =	simm.s32 @!p0 $0x1BF5;
	p2 =	por !p2, p0  }
0x20: {  	[sflag:s8] =	ssyncset.s32 @!p0 $0xFFFFF086;
	s6 =	sadd.s32 @!p0 s3, s7;
	s7 =	simm.s32 @!p0 $0x108  }
0x21: {  	s3 =	sadd.s32 s3, s9;
	s6 =	sadd.s32 @!p0 $0x88, s6;
	s7 =	simm.s32 @p2 $0x1082  }
0x22: {  	[simem:s7], [sflag:s8] =	dma.local @!p0 [hbm:s6], $0xF7A  }
0x23: {  	s9 =	sor.u32 $0xD0000000, s2;
	s6 =	simm.s32 $0x108;
	_ =	swait.ge @!p0 [sflag:s8], $0x0  }
0x24: {  	s3 =	sadd.s32 $0x88, s3;
	s6 =	simm.s32 @!p1 $0x1082;
	[sflag:s4] =	ssyncset.s32 $0xFFFFF086  }
0x25: {  	[simem:s6], [sflag:s4] =	dma.local [hbm:s3], $0xF7A  }
0x26: {  	[smem:$0x3F91] =	sst s1;
	(tag) =	ssettag s2;
	_ =	strace s9  }
0x27: {  	s1 =	sld [smem:$0x3FA1]  }
0x28: {  	s2 =	sld [smem:$0x3FA2]  }
0x29: {  	s4 =	sld [smem:$0x3FA4]  }
0x2a: {  	p0 =	seq.s32 s5, $0x0;
	s5 =	sld [smem:$0x3FA5]  }
0x2b: {  	s6 =	sld [smem:$0x3FA6]  }
0x2c: {  	s7 =	sld [smem:$0x3FA7]  }
0x2d: {  	s3 =	simm.s32 $0x108;
	s8 =	sld [smem:$0x3FA8]  }
0x2e: {  	s3 =	simm.s32 @!p0 $0x1082;
	s9 =	sld [smem:$0x3FA9]  }
0x2f: {  	lr =	sadd.s32 s0, s3;
	s0 =	sld [smem:$0x3FA0]  }
0x30: {  	s3 =	sld [smem:$0x3FA3]  }
0x31: {  	[smem:$0x3FAC] =	sst s10  }
0x32: {  	s10 =	sld [smem:$0x3FAA];
	_ =	sdelay $0x3  }
0x33: {  	p0 =	seq.s32 s10, $0x1;
	s10 =	sld [smem:$0x3FAC];
	_ =	sdelay $0x3  }
0x34: {  	[smem:$0x3FAC] =	sst s10  }
0x35: {  	s10 =	sld [smem:$0x3FAB];
	_ =	sdelay $0x3  }
0x36: {  	p1 =	seq.s32 s10, $0x1;
	s10 =	sld [smem:$0x3FAC];
	_ =	sdelay $0x3  }
0x37: {  	[smem:$0x3FAC] =	sst s10  }
0x38: {  	s10 =	sld [smem:$0x3FAD]  }
0x39: {  	_ = 	snop;
	(pc) =	sbr.ind lr, $3  }
0x3a: {  	_ = 	snop  }
0x3b: {  	_ = 	snop  }
0x3c: {  	p2 =	seq.s32 s10, $0x1;
	s10 =	sld [smem:$0x3FAC]  }
0x3d: {  	_ =	shalt  }
0x3e: {  	_ =	shalt  }
0x3f: {  	_ =	shalt  }
0x40: {  	_ =	shalt  }
0x41: {  	_ =	shalt  }
0x42: {  	_ =	shalt  }
0x43: {  	_ =	shalt  }
0x44: {  	_ =	shalt  }
0x45: {  	_ =	shalt  }
0x46: {  	_ =	shalt  }
0x47: {  	_ =	shalt  }
0x48: {  	_ =	shalt  }
0x49: {  	_ =	shalt  }
0x4a: {  	_ =	shalt  }
0x4b: {  	_ =	shalt  }
0x4c: {  	_ =	shalt  }
0x4d: {  	_ =	shalt  }
0x4e: {  	_ =	shalt  }
0x4f: {  	_ =	shalt  }
0x50: {  	_ =	shalt  }
0x51: {  	_ =	shalt  }
0x52: {  	_ =	shalt  }
0x53: {  	_ =	shalt  }
0x54: {  	_ =	shalt  }
0x55: {  	_ =	shalt  }
0x56: {  	_ =	shalt  }
0x57: {  	_ =	shalt  }
0x58: {  	_ =	shalt  }
0x59: {  	_ =	shalt  }
0x5a: {  	_ =	shalt  }
0x5b: {  	_ =	shalt  }
0x5c: {  	_ =	shalt  }
0x5d: {  	_ =	shalt  }
0x5e: {  	_ =	shalt  }
0x5f: {  	_ =	shalt  }
0x60: {  	_ =	shalt  }
0x61: {  	_ =	shalt  }
0x62: {  	_ =	shalt  }
0x63: {  	_ =	shalt  }
0x64: {  	_ =	shalt  }
0x65: {  	_ =	shalt  }
0x66: {  	_ =	shalt  }
0x67: {  	_ =	shalt  }
0x68: {  	_ =	shalt  }
0x69: {  	_ =	shalt  }
0x6a: {  	_ =	shalt  }
0x6b: {  	_ =	shalt  }
0x6c: {  	_ =	shalt  }
0x6d: {  	_ =	shalt  }
0x6e: {  	_ =	shalt  }
0x6f: {  	_ =	shalt  }
0x70: {  	_ =	shalt  }
0x71: {  	_ =	shalt  }
0x72: {  	_ =	shalt  }
0x73: {  	_ =	shalt  }
0x74: {  	_ =	shalt  }
0x75: {  	_ =	shalt  }
0x76: {  	_ =	shalt  }
0x77: {  	_ =	shalt  }
0x78: {  	_ =	shalt  }
0x79: {  	_ =	shalt  }
0x7a: {  	_ =	shalt  }
0x7b: {  	_ =	shalt  }
0x7c: {  	_ =	shalt  }
0x7d: {  	_ =	shalt  }
0x7e: {  	_ =	shalt  }
0x7f: {  	_ =	shalt  }
0x80: {  	_ =	shalt  }
0x81: {  	_ =	shalt  }
0x82: {  	_ =	shalt  }
0x83: {  	_ =	shalt  }
0x84: {  	_ =	shalt  }
0x85: {  	_ =	shalt  }
0x86: {  	_ =	shalt  }
0x87: {  	_ =	shalt  }
.Lfunc_end0:
.L_simem_size_0:
called_computation_lowered:
.L_overlay_start_0:
0x88: {  	s2 =	sld [smem:$0x3FD9]  }
0x89: {  	s3 =	sld [smem:$0x3FFE];
	_ =	sdelay $0x1  }
0x8a: {  	s1 =	srdreg.scid  }
0x8b: {  	s0 =	sand.u32 $0x1, s1  }
0x8c: {  	s17 =	sshll.u32 s0, $0xA;
	s2 =	sadd.s32 s3, s2  }
0x8d: {  	s2 =	sadd.s32 s2, s17  }
0x8e: {  	[smem:$0x3FB8] =	sst s2  }
0x8f: {  	_ = 	snop  }
0x90: {  	(tm) =	ssettm $0x1  }
0x91: {  	s18 =	sld [smem:$0x3FFB];
	_ =	sdelay $0x3  }
0x92: {  	_ =	strace s18  }
0x93: {  	s2 =	sld [smem:$0x3FFC];
	_ =	sdelay $0x3  }
0x94: {  	_ =	strace s2  }
0x95: {  	s2 =	sld [smem:$0x3FFD];
	_ =	sdelay $0x3  }
0x96: {  	_ =	strace s2  }
0x97: {  	_ =	strace $0x8FFFFFFF  }
0x98: {  	s19 =	sld [smem:$0x3FDB];
	_ =	sdelay $0x1  }
0x99: {  	s20 =	simm.s32 $_scs_section_size  }
0x9a: {  	s4 =	simm.s32 $_size__tile_overlayer_lowered;
	s5 =	simm.s32 $_tile_overlayer_lowered  }
0x9b: {  	s6 =	simm.s32 $0x1BFF;
	s21 =	sshll.u32 s5, $0x1;
	s3 =	sadd.s32 s20, s19  }
0x9c: {  	s22 =	simm.s32 $0x0;
	s4 =	sshll.u32 s4, $0x1;
	s5 =	sadd.s32 s21, s3  }
0x9d: {  	[timem:s22], [sflag:s6] =	dma.local [hbm:s5], s4  }
0x9e: {  	_ =	swait.ge [sflag:s6], s4  }
0x9f: {  	s4 =	ssub.s32 $0x0, s4;
	[sflag:s6] =	ssyncset.done $0x0  }
0xa0: {  	[sflag:s6] =	ssyncadd.s32 s4;
	_ =	sdelay $0x1  }
0xa1: {  	s23 =	simm.s32 $0x1B8B  }
0xa2: {  	_ =	swait.ge [sflag:s23], $0x1  }
0xa3: {  	[sflag:s23] =	ssyncset.done $0x0  }
0xa4: {  	[sflag:s23] =	ssyncadd.s32 $0xFFFFFFFF  }
0xa5: {  	s4 =	sld [smem:$0x0]  }
0xa6: {  	s5 =	sand.u32 $0xFFFFFFFE, s1  }
0xa7: {  	p0 =	sne.s32 s1, s5  }
0xa8: {  	s5 =	sshll.u32 @p0 s5, $0xE  }
0xa9: {  	s5 =	sadd.s32 @p0 $0x11B8D, s5;
	s6 =	sshll.u32 @p0 s4, $0x11  }
0xaa: {  	s5 =	sor.u32 @p0 s6, s5  }
0xab: {  	[sflag:s5] =	ssyncadd.remote.s32 @p0 $0x1;
	_ =	sdelay $0x1  }
0xac: {  	s5 =	simm.s32 @p0 $0x1B8D  }
0xad: {  	_ =	swait.eq @p0 [sflag:s5], $0x1  }
0xae: {  	[sflag:s5] =	ssyncadd.s32 @p0 $0xFFFFFFFF  }
0xaf: {  	s6 =	sshll.u32 @!p0 s1, $0xE  }
0xb0: {  	s6 =	sor.u32 @!p0 $0x4000, s6;
	s5 =	simm.s32 @!p0 $0x1B8D  }
0xb1: {  	s4 =	sshll.u32 @!p0 s4, $0x11;
	s6 =	sadd.s32 @!p0 $0x11B8D, s6;
	_ =	swait.eq @!p0 [sflag:s5], $0x1  }
0xb2: {  	s4 =	sor.u32 @!p0 s4, s6;
	[sflag:s5] =	ssyncadd.s32 @!p0 $0xFFFFFFFF  }
0xb3: {  	s25 =	simm.s32 $0x1B8E;
	s24 =	sld [smem:$0x3FFE];
	[sflag:s4] =	ssyncadd.remote.s32 @!p0 $0x1  }
0xb4: {  	s26 =	simm.s32 $execute0_lowered;
	[smem:$0x3FD2] =	sst s25  }
0xb5: {  	s5 =	sshll.u32 s26, $0x1;
	_ =	strace $0x80000049;
	[dreg:$0x1] =	wrdreg $0xFFFFFFFF  }
0xb6: {  	s28 =	simm.s32 $_size_execute0_lowered;
	s3 =	sadd.s32 s3, s5;
	[dreg:$0x0] =	wrdreg $0x0  }
0xb7: {  	s5 =	sshll.u32 s28, $0x1;
	[dreg:$0x2] =	wrdreg s3  }
0xb8: {  	[dreg:$0x3] =	wrdreg s5  }
0xb9: {  	[dreg:$0x4] =	wrdreg $0xC0  }
0xba: {  	_ =	task [dreg:s22], $0x5FFFF  }
0xbb: {  	[dreg:$0x1] =	wrdreg $0xFFFFFFFF  }
0xbc: {  	[dreg:$0x0] =	wrdreg $0x60  }
0xbd: {  	[dreg:$0x2] =	wrdreg s24  }
0xbe: {  	[dreg:$0x3] =	wrdreg $0x68000  }
0xbf: {  	[dreg:$0x4] =	wrdreg $0x9  }
0xc0: {  	_ =	task.clear_ibuf [dreg:s22], $0x5FFFF;
	_ =	strace $0x90000049  }
0xc1: {  	s29 =	simm.s32 $0x9;
	_ =	strace $0x8000004B  }
0xc2: {  	_ =	swait.ge [sflag:s29], $0x1  }
0xc3: {  	[sflag:s29] =	ssyncadd.s32 $0xFFFFFFFF  }
0xc4: {  	_ =	strace $0x9000004B  }
0xc5: {  	_ =	sfence  }
0xc6: {  	s30 =	sld [smem:$0x0];
	_ =	sdelay $0x2  }
0xc7: {  	s31 =	sshll.u32 s1, $0xD;
	s1 =	sshrl.u32 s1, $0x2  }
0xc8: {  	s4 =	sand.u32 $0x4000, s31;
	s1 =	sadd.s32 s1, s30  }
0xc9: {  	s0 =	sor.u32 s4, s0;
	s1 =	sshll.u32 s1, $0x11  }
0xca: {  	s0 =	sor.u32 s1, s0  }
0xcb: {  	s0 =	sadd.s32 $0x8F2B, s0  }
0xcc: {  	[sflag:s0] =	ssyncadd.remote.s32 $0x1  }
0xcd: {  	_ =	sfence.sel $0xFFFF  }
0xce: {  	[dreg:$0x0] =	wrdreg $0xFFFFFFFF;
	(pc) =	sbr.abs _section_cstart, $3  }
0xcf: {  	[dreg:$0x1] =	wrdreg $0xFFFFFFFF  }
0xd0: {  	_ =	task.clear_ibuf [dreg:s22], $0x2FFFF;
	_ =	strace $0x9FFFFFFF  }
0xd1: {  	(tm) =	ssettm $0x7FFFFFFF  }
tec
execute0_lowered:
.L_overlay_start_1:
0x0: {  	(tag) =	ssettag $0x1  }
0x1: {  	s6 =	rddreg [dreg:$0x0]  }
0x2: {  	s0 =	srdreg.scid;
	s2 =	rddreg [dreg:$0x1]  }
0x3: {  	s1 =	rddreg [dreg:$0x2];
	s5 =	sand.u32 $0x1, s0  }
0x4: {  	s3 =	simm.s32 $0x0;
	s0 =	stileid.u32;
	s4 =	smul.u32 $0x28000, s5  }
0x5: {  	s13 =	simm.s32 $0x80;
	s14 =	simm.s32 $0x1;
	s7 =	smul.u32 $0x2800, s0  }
0x6: {  	s15 =	simm.s32 $0x0;
	[smem:$0x7FF] =	sst s3;
	s29 =	smul.u32 $0x13C000, s5  }
0x7: {  	s8 =	smul.u32 $0x13C00, s0;
	_ =	strace $0x8000004A;
	s30 =	ssub.s32 $0x2, s5  }
0x8: {  	s10 =	smul.u32 $0x4F000, s0;
	s5 =	sadd.s32 $0xD600, s6;
	s31 =	sshll.u32 s0, $0x6  }
0x9: {  	s11 =	sshrl.u32 s30, $0x1;
	s4 =	sadd.s32 s7, s4;
	s7 =	sadd.s32 s8, s29  }
0xa: {  	s8 =	ssub.s32 s30, s11;
	s10 =	sshrl.u32 s10, $0x2;
	s11 =	sor.u32 $0x1C02, s31  }
0xb: {  	s4 =	sshrl.u32 s4, $0x3;
	s7 =	sshrl.u32 s7, $0x3;
	s12 =	sadd.s32 s10, s2  }
0xc: {  	s8 =	smax.u32 s8, $0x1;
	s10 =	simm.s32 $0x2800;
	s9 =	sadd.s32 s4, s6  }
0xd: {  	s4 =	sadd.s32 $0x5EE00, s6;
	s7 =	sadd.s32 s7, s6;
	s12 =	sshrl.u32 s12, $0x3  }
0xe: {  	s6 =	sadd.s32 $0x3600, s9;
	s7 =	sadd.s32 $0x5F600, s7;
	s9 =	simm.s32 $0x2  }
.LBB2_1:
0xf: {  	[tilespmem:s3], [sflag:$0x2] =	stream.linear.gather [hbm4b:s6+s3], $0x2800, $0x38;
	[tilespmem:$0x1A400] =	vst v63  }
0x10: {  	_ =	swait.ge [sflag:s9], $0x2800  }
0x11: {  	[sflag:s9] =	ssyncset.done $0x0  }
0x12: {  	[sflag:s9] =	ssyncadd.s32 $0xFFFFD800  }
0x13: {  	[tilespmem:s10], [sflag:$0x2] =	stream.linear.gather [hbm4b:s4+s3], $0x4000, $0x38;
	[tilespmem:$0x1A400] =	vst v63  }
0x14: {  	_ =	swait.ge [sflag:s9], $0x4000  }
0x15: {  	[sflag:s9] =	ssyncset.done $0x0  }
0x16: {  	[sflag:s9] =	ssyncadd.s32 $0xFFFFC000  }
0x17: {  	[spmem:s12], [sflag:s11] =	dma.local [hbm:s5], $0x2780  }
0x18: {  	_ =	swait.ge [sflag:s9], $0x2780  }
0x19: {  	[sflag:s9] =	ssyncset.done $0x0  }
0x1a: {  	[sflag:s9] =	ssyncadd.s32 $0xFFFFD880  }
0x1b: {  	s16 =	simm.s32 $0x0;
	[bflag:$0x0] =	sbarrier.arrive $0xFFFF  }
.LBB2_2:
0x1c: {  	p0 =	sne.s32 s16, $0x9E00  }
.Ltmp0:
0x1d: {  	_ = 	snop;
	(pc) =	sbr.rel @p0 .LBB2_2-.Ltmp0, $3  }
0x1e: {  	_ =	sdelay $0x1  }
0x1f: {  	s17 =	sshra.s32 s16, $0x2;
	s16 =	sadd.s32 $0x200, s16  }
0x20: {  	[spmem:s2] =	stream.indirect.scatter.add.f32 [tilespmem:s10], [sflag:$0x1], $0x80, s17, s13, $0xb8;
	[tilespmem:$0x1A400] =	vst v63  }
0x21: {  	_ =	swait.ge [sflag:s14], $0x4000  }
0x22: {  	s16 =	simm.s32 $0x4F;
	[sflag:s14] =	ssyncset.done $0x0  }
.LBB2_4:
0x23: {  	p0 =	sne.s32 s16, $0x1;
	s16 =	sadd.s32 $0xFFFFFFFF, s16;
	[sflag:s14] =	ssyncadd.s32 $0xFFFFC000  }
.Ltmp1:
0x24: {  	(pc) =	sbr.rel @p0 .LBB2_4-.Ltmp1, $3  }
0x25: {  	_ =	sdelay $0x1  }
0x26: {  	_ =	swait.ge [sflag:s14], $0x4000  }
0x27: {  	[sflag:s14] =	ssyncset.done $0x0  }
0x28: {  	s15 =	sadd.s32 $0x1, s15  }
0x29: {  	[sflag:s14] =	ssyncadd.s32 $0xFFFFC000;
	p0 =	sne.s32 s15, s8  }
.Ltmp2:
0x2a: {  	[bflag:$0x0] =	sbarrier.arrive $0xFFFF;
	(pc) =	sbr.rel @p0 .LBB2_1-.Ltmp2, $4  }
0x2b: {  	[hbm:s7], [sflag:s11] =	dma.local [spmem:s12], $0x2780  }
0x2c: {  	_ =	swait.ge [sflag:s9], $0x2780  }
0x2d: {  	[sflag:s9] =	ssyncset.done $0x0  }
0x2e: {  	[sflag:s9] =	ssyncadd.s32 $0xFFFFD880  }
0x2f: {  	_ =	sfence.sel $0x180000  }
0x30: {  	[bflag:$0x0] =	sbarrier.arrive $0xFFFF  }
0x31: {  	p0 =	sne.s32 s0, $0x0;
	_ =	strace $0x9000004A  }
0x32: {  	s0 =	sadd.s32 @!p0 $0x100000, s1;
	[bflag:$0x2] =	sbarrier.arrive $0xFFFF  }
0x33: {  	[sflag:s0] =	ssyncadd.tile.s32 @!p0 $0x1;
	_ =	shalt  }
.Lfunc_end2:
_tile_overlayer_lowered:
.L_overlay_start_2:
0x34: {  	(tag) =	ssettag $0x2  }
0x35: {  	s0 =	rddreg [dreg:$0x0];
	s2 =	stileid.u32  }
0x36: {  	s1 =	rddreg [dreg:$0x1];
	p0 =	sne.s32 s2, $0x0  }
0x37: {  	s3 =	rddreg [dreg:$0x2];
	[bflag:$0x3] =	sbarrier.arrive $0xFFFF;
	s2 =	simm.s32 @!p0 $0x1C02  }
0x38: {  	[timem:s3], [sflag:s2] =	dma.local @!p0 [hbm:s0], s1  }
0x39: {  	s0 =	simm.s32 @!p0 $0x2  }
0x3a: {  	_ =	swait.ge @!p0 [sflag:s0], s1  }
0x3b: {  	s1 =	ssub.s32 @!p0 $0x0, s1;
	[sflag:s0] =	ssyncset.done @!p0 $0x0  }
0x3c: {  	[sflag:s0] =	ssyncadd.s32 @!p0 s1  }
0x3d: {  	[bflag:$0x3] =	sbarrier.arrive $0xFFFF  }
0x3e: {  	_ =	shalt  }

</sc_bundles>
